<compile_context>
chip_gen: v7x
topology: tpu7x:2x2x1
jax: 0.10.2.dev20260603
libtpu: 0.0.44.dev20260713+nightly
codegen_flags: <defaults>
</compile_context>

<pallas_src>
import jax
import jax.numpy as jnp
from jax import lax
from jax.experimental import pallas as pl
from jax.experimental.pallas import tpu as pltpu
from jax.experimental.pallas import tpu_sc as plsc

_NC, _NS = 2, 16

_QR, _TR, _PR, _CR = 0, 4, 8, 11


def _quat_rows(ms):
    q = ms[_QR:_QR + 4]
    q = q * lax.rsqrt(jnp.sum(q * q, axis=0, keepdims=True) + 1e-30)
    qx, qy, qz, qw = q[0:1], q[1:2], q[2:3], q[3:4]
    return (1 - 2 * (qy * qy + qz * qz), 2 * (qx * qy - qz * qw),
            2 * (qx * qz + qy * qw),
            2 * (qx * qy + qz * qw), 1 - 2 * (qx * qx + qz * qz),
            2 * (qy * qz - qx * qw),
            2 * (qx * qz - qy * qw), 2 * (qy * qz + qx * qw),
            1 - 2 * (qx * qx + qy * qy))


def _argmax_onehot(pc):
    m_iota = lax.broadcasted_iota(jnp.int32, pc.shape, 1)
    maxv = jnp.max(pc)
    which = jnp.min(jnp.where(pc == maxv, m_iota, pc.shape[1]))
    return (m_iota == which).astype(jnp.float32)


def _bestpose_body(ms_ref, bp_ref):
    B = ms_ref.shape[0]
    for b in range(B):
        ms = ms_ref[b]
        R = _quat_rows(ms)
        c = ms[_PR:_PR + 3] + ms[_TR:_TR + 3]
        pc = jnp.maximum(ms[_CR:_CR + 1], 1e-6)
        onehot = _argmax_onehot(pc)
        vals = [jnp.sum(r * onehot) for r in R]
        vals += [jnp.sum(c[k:k + 1] * onehot) for k in range(3)]
        rows = [jnp.full((1, 128), v, jnp.float32) for v in vals]
        rows.append(jnp.zeros((4, 128), jnp.float32))
        bp_ref[pl.ds(b * 16, 16), :] = jnp.concatenate(rows, axis=0)


def _loss_body(w_ref, ms_ref, ns_ref, loss_ref, disb_ref):
    w = w_ref[0, 0]
    B = ms_ref.shape[0]
    M = ms_ref.shape[2]
    f32 = jnp.float32
    loss_acc = None
    disb_acc = None
    for b in range(B):
        ms = ms_ref[b]
        ns = ns_ref[b]
        R11, R12, R13, R21, R22, R23, R31, R32, R33 = _quat_rows(ms)
        c = ms[_PR:_PR + 3] + ms[_TR:_TR + 3]
        c1, c2, c3 = c[0:1], c[1:2], c[2:3]
        u1 = R11 * c1 + R12 * c2 + R13 * c3
        u2 = R21 * c1 + R22 * c2 + R23 * c3
        u3 = R31 * c1 + R32 * c2 + R33 * c3
        bm = c1 * c1 + c2 * c2 + c3 * c3
        ones_m = jnp.ones_like(bm)
        W = jnp.concatenate(
            [ones_m, bm, 2 * u1, 2 * u2, 2 * u3, -2 * c1, -2 * c2, -2 * c3,
             -2 * R11, -2 * R12, -2 * R13,
             -2 * R21, -2 * R22, -2 * R23,
             -2 * R31, -2 * R32, -2 * R33], axis=0)

        s1, s2, s3 = ns[0:1], ns[1:2], ns[2:3]
        t1, t2, t3 = ns[3:4], ns[4:5], ns[5:6]
        a_n = (s1 * s1 + s2 * s2 + s3 * s3
               + t1 * t1 + t2 * t2 + t3 * t3)
        ones_n = jnp.ones_like(a_n)
        F = jnp.concatenate(
            [a_n, ones_n, s1, s2, s3, t1, t2, t3,
             s1 * t1, s1 * t2, s1 * t3,
             s2 * t1, s2 * t2, s2 * t3,
             s3 * t1, s3 * t2, s3 * t3], axis=0)

        d2 = lax.dot_general(
            F.astype(jnp.bfloat16), W.astype(jnp.bfloat16),
            (((0,), (0,)), ((), ())),
            preferred_element_type=f32)
        dc = jnp.maximum(d2, 1e-24)
        d = dc * lax.rsqrt(dc)
        dis_h = jnp.mean(d, axis=0, keepdims=True)

        pc = jnp.maximum(ms[_CR:_CR + 1], 1e-6)
        loss_b = jnp.sum(dis_h * pc - w * jnp.log(pc),
                         keepdims=True).reshape(1, 1)
        onehot = _argmax_onehot(pc)
        disb_b = jnp.sum(dis_h * onehot, keepdims=True).reshape(1, 1)
        loss_acc = loss_b if loss_acc is None else loss_acc + loss_b
        disb_acc = disb_b if disb_acc is None else disb_acc + disb_b
    loss_ref[...] = loss_acc * (1.0 / (B * M))
    disb_ref[...] = disb_acc * (1.0 / B)


def _sc_transform_body(bp_hbm, ms_hbm, ns_hbm, npl_hbm, ntl_hbm,
                       bpv, pblk, tblk, o1_v, o2_v, o3_v, u1_v, u2_v, u3_v):
    B, _, M = ms_hbm.shape
    N = ns_hbm.shape[2]
    sl_m = M // 8
    sl_n = N // 8
    wid = lax.axis_index("s") * _NC + lax.axis_index("c")
    b = wid // 8
    sub = wid % 8
    m0 = sub * sl_m
    n0 = sub * sl_n

    pltpu.sync_copy(bp_hbm.at[pl.ds(b * 16, 16), :], bpv)
    pltpu.sync_copy(ms_hbm.at[b, pl.ds(_PR, 8), pl.ds(m0, sl_m)], pblk)
    pltpu.sync_copy(ns_hbm.at[b, pl.ds(0, 8), pl.ds(n0, sl_n)], tblk)

    r11 = bpv[0, pl.ds(0, 16)]
    r12 = bpv[1, pl.ds(0, 16)]
    r13 = bpv[2, pl.ds(0, 16)]
    r21 = bpv[3, pl.ds(0, 16)]
    r22 = bpv[4, pl.ds(0, 16)]
    r23 = bpv[5, pl.ds(0, 16)]
    r31 = bpv[6, pl.ds(0, 16)]
    r32 = bpv[7, pl.ds(0, 16)]
    r33 = bpv[8, pl.ds(0, 16)]
    tb1 = bpv[9, pl.ds(0, 16)]
    tb2 = bpv[10, pl.ds(0, 16)]
    tb3 = bpv[11, pl.ds(0, 16)]

    def _pts(i, _):
        a1 = pblk[0, pl.ds(i * 16, 16)] - tb1
        a2 = pblk[1, pl.ds(i * 16, 16)] - tb2
        a3 = pblk[2, pl.ds(i * 16, 16)] - tb3
        o1_v[pl.ds(i * 16, 16)] = a1 * r11 + a2 * r21 + a3 * r31
        o2_v[pl.ds(i * 16, 16)] = a1 * r12 + a2 * r22 + a3 * r32
        o3_v[pl.ds(i * 16, 16)] = a1 * r13 + a2 * r23 + a3 * r33
        return 0
    lax.fori_loop(0, sl_m // 16, _pts, 0)

    def _tgt(i, _):
        a1 = tblk[3, pl.ds(i * 16, 16)] - tb1
        a2 = tblk[4, pl.ds(i * 16, 16)] - tb2
        a3 = tblk[5, pl.ds(i * 16, 16)] - tb3
        u1_v[pl.ds(i * 16, 16)] = a1 * r11 + a2 * r21 + a3 * r31
        u2_v[pl.ds(i * 16, 16)] = a1 * r12 + a2 * r22 + a3 * r32
        u3_v[pl.ds(i * 16, 16)] = a1 * r13 + a2 * r23 + a3 * r33
        return 0
    lax.fori_loop(0, sl_n // 16, _tgt, 0)

    pltpu.sync_copy(o1_v, npl_hbm.at[pl.ds((b * 3 + 0) * M + m0, sl_m)])
    pltpu.sync_copy(o2_v, npl_hbm.at[pl.ds((b * 3 + 1) * M + m0, sl_m)])
    pltpu.sync_copy(o3_v, npl_hbm.at[pl.ds((b * 3 + 2) * M + m0, sl_m)])
    pltpu.sync_copy(u1_v, ntl_hbm.at[pl.ds((b * 3 + 0) * N + n0, sl_n)])
    pltpu.sync_copy(u2_v, ntl_hbm.at[pl.ds((b * 3 + 1) * N + n0, sl_n)])
    pltpu.sync_copy(u3_v, ntl_hbm.at[pl.ds((b * 3 + 2) * N + n0, sl_n)])


def kernel(pred_r, pred_t, pred_c, target, model_points, idx, points, w,
           refine, interpret=False):
    del idx, refine
    B, M, _ = pred_r.shape
    N = model_points.shape[1]
    f32 = jnp.float32

    zm1 = jnp.zeros((B, M, 1), f32)
    ms = jnp.transpose(
        jnp.concatenate([pred_r, pred_t, zm1, points, pred_c[:, :, None],
                         jnp.zeros((B, M, 4), f32)], axis=2),
        (0, 2, 1))
    ns = jnp.transpose(
        jnp.concatenate([model_points, target, jnp.zeros((B, N, 2), f32)],
                        axis=2),
        (0, 2, 1))
    wArr = jnp.full((1, 1), w, f32)

    bp = pl.pallas_call(
        _bestpose_body,
        grid=(1,),
        in_specs=[pl.BlockSpec((B, 16, M), lambda i: (0, 0, 0))],
        out_specs=pl.BlockSpec((B * 16, 128), lambda i: (0, 0)),
        out_shape=jax.ShapeDtypeStruct((B * 16, 128), f32),
        interpret=interpret,
    )(ms)

    loss2d, disb2d = pl.pallas_call(
        _loss_body,
        grid=(1,),
        in_specs=[
            pl.BlockSpec((1, 1), lambda i: (0, 0)),
            pl.BlockSpec((B, 16, M), lambda i: (0, 0, 0)),
            pl.BlockSpec((B, 8, N), lambda i: (0, 0, 0)),
        ],
        out_specs=(
            pl.BlockSpec((1, 1), lambda i: (0, 0)),
            pl.BlockSpec((1, 1), lambda i: (0, 0)),
        ),
        out_shape=(
            jax.ShapeDtypeStruct((1, 1), f32),
            jax.ShapeDtypeStruct((1, 1), f32),
        ),
        interpret=interpret,
    )(wArr, ms, ns)

    sl_m, sl_n = M // 8, N // 8
    sc_fn = pl.kernel(
        _sc_transform_body,
        out_type=(
            jax.ShapeDtypeStruct((B * 3 * M,), f32),
            jax.ShapeDtypeStruct((B * 3 * N,), f32),
        ),
        mesh=plsc.VectorSubcoreMesh(core_axis_name="c", subcore_axis_name="s"),
        scratch_types=(
            pltpu.VMEM((16, 128), f32),
            pltpu.VMEM((8, sl_m), f32),
            pltpu.VMEM((8, sl_n), f32),
            pltpu.VMEM((sl_m,), f32), pltpu.VMEM((sl_m,), f32),
            pltpu.VMEM((sl_m,), f32),
            pltpu.VMEM((sl_n,), f32), pltpu.VMEM((sl_n,), f32),
            pltpu.VMEM((sl_n,), f32),
        ),
    )
    npl, ntl = sc_fn(bp, ms, ns)
    new_points = jnp.transpose(npl.reshape(B, 3, M), (0, 2, 1))
    new_target = jnp.transpose(ntl.reshape(B, 3, N), (0, 2, 1))

    return (loss2d[0, 0], disb2d[0, 0], new_points, new_target)

# --- scband reference (transcript-rebuilt; emitter-appended) ---
"""Pipeline reference for scband-loss-8778913153414 (READ-ONLY COPY).

The authoritative reference and input builder live on the scoring server;
editing this copy changes nothing except your own understanding.
"""

import jax, jax.numpy as jnp
import numpy as np


def quat_to_rotmat(q):
    q = q / (jnp.linalg.norm(q, axis=2, keepdims=True) + 1e-08)
    qx, qy, qz, qw = q[..., 0], q[..., 1], q[..., 2], q[..., 3]
    R11 = 1 - 2 * (qy * qy + qz * qz)
    R12 = 2 * (qx * qy - qz * qw)
    R13 = 2 * (qx * qz + qy * qw)
    R21 = 2 * (qx * qy + qz * qw)
    R22 = 1 - 2 * (qx * qx + qz * qz)
    R23 = 2 * (qy * qz - qx * qw)
    R31 = 2 * (qx * qz - qy * qw)
    R32 = 2 * (qy * qz + qx * qw)
    R33 = 1 - 2 * (qx * qx + qy * qy)
    R = jnp.stack([jnp.stack([R11, R12, R13], axis=-1), jnp.stack([R21, R22, R23], axis=-1), jnp.stack([R31, R32, R33], axis=-1)], axis=-2)
    return R


def setup_inputs(seed: int = 0):
    key = jax.random.key(seed)
    ks = jax.random.split(key, 8)
    B, M, N = 4, 2048, 1024
    pred_r = jax.random.normal(ks[0], (B, M, 4), dtype=jnp.float32)
    pred_t = jax.random.normal(ks[1], (B, M, 3), dtype=jnp.float32)
    pred_c = jax.random.uniform(ks[2], (B, M), dtype=jnp.float32)
    target = jax.random.normal(ks[3], (B, N, 3), dtype=jnp.float32)
    model_points = jax.random.normal(ks[4], (B, N, 3), dtype=jnp.float32)
    idx = jax.random.randint(ks[5], (B,), 0, 21, dtype=jnp.int32).astype(jnp.int64) if jax.config.jax_enable_x64 else jax.random.randint(ks[5], (B,), 0, 21)
    points = jax.random.normal(ks[6], (B, M, 3), dtype=jnp.float32)
    return {"pred_r": pred_r, "pred_t": pred_t, "pred_c": pred_c, "target": target, "model_points": model_points, "idx": idx, "points": points, "w": 1, "refine": 1}


def reference(pred_r, pred_t, pred_c, target, model_points, idx, points, w, refine):
    B, M, _ = pred_r.shape
    N = model_points.shape[1]
    pc = jnp.maximum(pred_c, 1e-06)
    R = quat_to_rotmat(pred_r)
    # mp.unsqueeze(-2) @ R.unsqueeze(2) -> row-vector times R per (b, m, n)
    mpR = jnp.einsum('bnk,bmkj->bmnj', model_points, R)
    pred_xyz = mpR + (points[:, :, None, :] + pred_t[:, :, None, :])
    tp = jnp.broadcast_to(target[:, None, :, :], (B, M, N, 3))
    # refine is truthy -> symmetric-object KNN remapping branch is skipped
    dis_h = jnp.mean(jnp.sqrt(jnp.sum((pred_xyz - tp) ** 2, axis=3)), axis=2)
    loss = jnp.mean(dis_h * pc - w * jnp.log(pc))
    which_max = jnp.argmax(pc, axis=1)
    bidx = jnp.arange(B)
    R_best = R[bidx, which_max]
    t_best = (points + pred_t)[bidx, which_max][:, None, :]
    new_points = jnp.matmul(points - t_best, R_best)
    new_target = jnp.matmul(target - t_best, R_best)
    dis_best = jnp.mean(jnp.take_along_axis(dis_h, which_max[:, None], axis=1))
    return (loss, dis_best, jax.lax.stop_gradient(new_points), jax.lax.stop_gradient(new_target))

if __name__ == "__main__":
    import jax
    _d = setup_inputs()
    print(jax.jit(kernel)(*tuple(_d.values())))

</pallas_src>

<mosaic_0001>
#map = affine_map<(d0, d1) -> (0, 0)>
#map1 = affine_map<(d0, d1) -> (0, 0, 0)>
#map2 = affine_map<(d0, d1) -> (0)>
module attributes {stable_mosaic.version = 14 : i64} {
  func.func @_sc_transform_body(%arg0: i32, %arg1: i32, %arg2: memref<64x128xf32, #tpu.memory_space<hbm>>, %arg3: memref<4x16x2048xf32, #tpu.memory_space<hbm>>, %arg4: memref<4x8x1024xf32, #tpu.memory_space<hbm>>, %arg5: memref<24576xf32, #tpu.memory_space<hbm>>, %arg6: memref<12288xf32, #tpu.memory_space<hbm>>, %arg7: memref<16x128xf32, #tpu.memory_space<vmem>>, %arg8: memref<8x256xf32, #tpu.memory_space<vmem>>, %arg9: memref<8x128xf32, #tpu.memory_space<vmem>>, %arg10: memref<256xf32, #tpu.memory_space<vmem>>, %arg11: memref<256xf32, #tpu.memory_space<vmem>>, %arg12: memref<256xf32, #tpu.memory_space<vmem>>, %arg13: memref<128xf32, #tpu.memory_space<vmem>>, %arg14: memref<128xf32, #tpu.memory_space<vmem>>, %arg15: memref<128xf32, #tpu.memory_space<vmem>>) attributes {dimension_semantics = [#tpu.dimension_semantics<core_parallel>, #tpu.dimension_semantics<subcore_parallel>], iteration_bounds = array<i64: 2, 16>, scalar_prefetch = 0 : i64, scratch_operands = 9 : i64, tpu.core_type = #tpu.core_type<sc_vector_subcore>, window_params = [{transform_indices = #map}, {transform_indices = #map1}, {transform_indices = #map1}, {transform_indices = #map2}, {transform_indices = #map2}]} {
    %mul3A = arith.constant 2 : i32
    %mul3A_0 = arith.muli %arg1, %mul3A : i32
    %add3A = arith.addi %mul3A_0, %arg0 : i32
    %jit3A = arith.constant 8 : i32
    %div3A = arith.divsi %add3A, %jit3A : i32
    %sign3A = arith.constant 0 : i32
    %sign3A_1 = arith.cmpi sgt, %add3A, %sign3A : i32
    %sign3A_2 = arith.extui %sign3A_1 : i1 to i32
    %sign3A_3 = arith.constant 0 : i32
    %sign3A_4 = arith.cmpi slt, %add3A, %sign3A_3 : i32
    %sign3A_5 = arith.extui %sign3A_4 : i1 to i32
    %sign3A_6 = arith.subi %sign3A_2, %sign3A_5 : i32
    %sign3A_7 = arith.constant 0 : i32
    %sign3A_8 = arith.cmpi sgt, %jit3A, %sign3A_7 : i32
    %sign3A_9 = arith.extui %sign3A_8 : i1 to i32
    %sign3A_10 = arith.constant 0 : i32
    %sign3A_11 = arith.cmpi slt, %jit3A, %sign3A_10 : i32
    %sign3A_12 = arith.extui %sign3A_11 : i1 to i32
    %sign3A_13 = arith.subi %sign3A_9, %sign3A_12 : i32
    %ne3A = arith.cmpi ne, %sign3A_6, %sign3A_13 : i32
    %rem3A = arith.remsi %add3A, %jit3A : i32
    %ne3A_14 = arith.constant 0 : i32
    %ne3A_15 = arith.cmpi ne, %rem3A, %ne3A_14 : i32
    %and3A = arith.andi %ne3A, %ne3A_15 : i1
    %sub3A = arith.constant 1 : i32
    %sub3A_16 = arith.subi %div3A, %sub3A : i32
    %select_n3A = arith.select %and3A, %sub3A_16, %div3A : i32
    %jit3A_17 = arith.constant 8 : i32
    %eq3A = arith.constant 0 : i32
    %eq3A_18 = arith.cmpi eq, %jit3A_17, %eq3A : i32
    %jit3A_19 = arith.constant 1 : i32
    %select_n3A_20 = arith.select %eq3A_18, %jit3A_19, %jit3A_17 : i32
    %rem3A_21 = arith.remsi %add3A, %select_n3A_20 : i32
    %ne3A_22 = arith.constant 0 : i32
    %ne3A_23 = arith.cmpi ne, %rem3A_21, %ne3A_22 : i32
    %lt3A = arith.constant 0 : i32
    %lt3A_24 = arith.cmpi slt, %rem3A_21, %lt3A : i32
    %lt3A_25 = arith.constant 0 : i32
    %lt3A_26 = arith.cmpi slt, %select_n3A_20, %lt3A_25 : i32
    %ne3A_27 = arith.xori %lt3A_24, %lt3A_26 : i1
    %and3A_28 = arith.andi %ne3A_27, %ne3A_23 : i1
    %add3A_29 = arith.addi %rem3A_21, %select_n3A_20 : i32
    %select_n3A_30 = arith.select %and3A_28, %add3A_29, %rem3A_21 : i32
    %mul3A_31 = arith.constant 256 : i32
    %mul3A_32 = arith.muli %select_n3A_30, %mul3A_31 : i32
    %mul3A_33 = arith.constant 128 : i32
    %mul3A_34 = arith.muli %select_n3A_30, %mul3A_33 : i32
    %mul3A_35 = arith.constant 16 : i32
    %mul3A_36 = arith.muli %select_n3A, %mul3A_35 : i32
    "tpu.region"() ({
      %run_scoped3A = tpu.sem_alloc : memref<!tpu.dma_semaphore, #tpu.memory_space<semaphore_mem>>
      %dma_start3A = arith.constant 0 : i32
      %dma_start3A_151 = tpu.memref_slice %arg2[%mul3A_36, %dma_start3A] : memref<64x128xf32, #tpu.memory_space<hbm>> -> memref<16x128xf32, #tpu.memory_space<hbm>>
      %dma_start3A_152 = arith.constant 0 : i32
      %dma_start3A_153 = tpu.memref_slice %arg2[%mul3A_36, %dma_start3A_152] : memref<64x128xf32, #tpu.memory_space<hbm>> -> memref<16x128xf32, #tpu.memory_space<hbm>>
      tpu.enqueue_dma source(%dma_start3A_153 : memref<16x128xf32, #tpu.memory_space<hbm>>) target(%arg7 : memref<16x128xf32, #tpu.memory_space<vmem>>) target_semaphore(%run_scoped3A : memref<!tpu.dma_semaphore, #tpu.memory_space<semaphore_mem>>)
      %dma_wait3A = arith.constant 0 : i32
      %dma_wait3A_154 = tpu.memref_slice %arg2[%mul3A_36, %dma_wait3A] : memref<64x128xf32, #tpu.memory_space<hbm>> -> memref<16x128xf32, #tpu.memory_space<hbm>>
      %dma_wait3A_155 = arith.constant 0 : i32
      %dma_wait3A_156 = tpu.memref_slice %arg2[%mul3A_36, %dma_wait3A_155] : memref<64x128xf32, #tpu.memory_space<hbm>> -> memref<16x128xf32, #tpu.memory_space<hbm>>
      tpu.wait_dma2 semaphore(%run_scoped3A : memref<!tpu.dma_semaphore, #tpu.memory_space<semaphore_mem>>) src(%dma_wait3A_156 : memref<16x128xf32, #tpu.memory_space<hbm>>) dst(%arg7 : memref<16x128xf32, #tpu.memory_space<vmem>>)
      tpu.yield
    }) : () -> ()
    "tpu.region"() ({
      %run_scoped3A = tpu.sem_alloc : memref<!tpu.dma_semaphore, #tpu.memory_space<semaphore_mem>>
      %dma_start3A = arith.constant 8 : i32
      %dma_start3A_151 = tpu.memref_slice %arg3[%select_n3A, %dma_start3A, %mul3A_32] : memref<4x16x2048xf32, #tpu.memory_space<hbm>> -> memref<1x8x256xf32, #tpu.memory_space<hbm>>
      %dma_start3A_152 = tpu.memref_squeeze %dma_start3A_151 : memref<1x8x256xf32, #tpu.memory_space<hbm>> -> memref<8x256xf32, #tpu.memory_space<hbm>>
      %dma_start3A_153 = arith.constant 8 : i32
      %dma_start3A_154 = tpu.memref_slice %arg3[%select_n3A, %dma_start3A_153, %mul3A_32] : memref<4x16x2048xf32, #tpu.memory_space<hbm>> -> memref<1x8x256xf32, #tpu.memory_space<hbm>>
      %dma_start3A_155 = tpu.memref_squeeze %dma_start3A_154 : memref<1x8x256xf32, #tpu.memory_space<hbm>> -> memref<8x256xf32, #tpu.memory_space<hbm>>
      tpu.enqueue_dma source(%dma_start3A_155 : memref<8x256xf32, #tpu.memory_space<hbm>>) target(%arg8 : memref<8x256xf32, #tpu.memory_space<vmem>>) target_semaphore(%run_scoped3A : memref<!tpu.dma_semaphore, #tpu.memory_space<semaphore_mem>>)
      %dma_wait3A = arith.constant 8 : i32
      %dma_wait3A_156 = tpu.memref_slice %arg3[%select_n3A, %dma_wait3A, %mul3A_32] : memref<4x16x2048xf32, #tpu.memory_space<hbm>> -> memref<1x8x256xf32, #tpu.memory_space<hbm>>
      %dma_wait3A_157 = tpu.memref_squeeze %dma_wait3A_156 : memref<1x8x256xf32, #tpu.memory_space<hbm>> -> memref<8x256xf32, #tpu.memory_space<hbm>>
      %dma_wait3A_158 = arith.constant 8 : i32
      %dma_wait3A_159 = tpu.memref_slice %arg3[%select_n3A, %dma_wait3A_158, %mul3A_32] : memref<4x16x2048xf32, #tpu.memory_space<hbm>> -> memref<1x8x256xf32, #tpu.memory_space<hbm>>
      %dma_wait3A_160 = tpu.memref_squeeze %dma_wait3A_159 : memref<1x8x256xf32, #tpu.memory_space<hbm>> -> memref<8x256xf32, #tpu.memory_space<hbm>>
      tpu.wait_dma2 semaphore(%run_scoped3A : memref<!tpu.dma_semaphore, #tpu.memory_space<semaphore_mem>>) src(%dma_wait3A_160 : memref<8x256xf32, #tpu.memory_space<hbm>>) dst(%arg8 : memref<8x256xf32, #tpu.memory_space<vmem>>)
      tpu.yield
    }) : () -> ()
    "tpu.region"() ({
      %run_scoped3A = tpu.sem_alloc : memref<!tpu.dma_semaphore, #tpu.memory_space<semaphore_mem>>
      %dma_start3A = arith.constant 0 : i32
      %dma_start3A_151 = tpu.memref_slice %arg4[%select_n3A, %dma_start3A, %mul3A_34] : memref<4x8x1024xf32, #tpu.memory_space<hbm>> -> memref<1x8x128xf32, #tpu.memory_space<hbm>>
      %dma_start3A_152 = tpu.memref_squeeze %dma_start3A_151 : memref<1x8x128xf32, #tpu.memory_space<hbm>> -> memref<8x128xf32, #tpu.memory_space<hbm>>
      %dma_start3A_153 = arith.constant 0 : i32
      %dma_start3A_154 = tpu.memref_slice %arg4[%select_n3A, %dma_start3A_153, %mul3A_34] : memref<4x8x1024xf32, #tpu.memory_space<hbm>> -> memref<1x8x128xf32, #tpu.memory_space<hbm>>
      %dma_start3A_155 = tpu.memref_squeeze %dma_start3A_154 : memref<1x8x128xf32, #tpu.memory_space<hbm>> -> memref<8x128xf32, #tpu.memory_space<hbm>>
      tpu.enqueue_dma source(%dma_start3A_155 : memref<8x128xf32, #tpu.memory_space<hbm>>) target(%arg9 : memref<8x128xf32, #tpu.memory_space<vmem>>) target_semaphore(%run_scoped3A : memref<!tpu.dma_semaphore, #tpu.memory_space<semaphore_mem>>)
      %dma_wait3A = arith.constant 0 : i32
      %dma_wait3A_156 = tpu.memref_slice %arg4[%select_n3A, %dma_wait3A, %mul3A_34] : memref<4x8x1024xf32, #tpu.memory_space<hbm>> -> memref<1x8x128xf32, #tpu.memory_space<hbm>>
      %dma_wait3A_157 = tpu.memref_squeeze %dma_wait3A_156 : memref<1x8x128xf32, #tpu.memory_space<hbm>> -> memref<8x128xf32, #tpu.memory_space<hbm>>
      %dma_wait3A_158 = arith.constant 0 : i32
      %dma_wait3A_159 = tpu.memref_slice %arg4[%select_n3A, %dma_wait3A_158, %mul3A_34] : memref<4x8x1024xf32, #tpu.memory_space<hbm>> -> memref<1x8x128xf32, #tpu.memory_space<hbm>>
      %dma_wait3A_160 = tpu.memref_squeeze %dma_wait3A_159 : memref<1x8x128xf32, #tpu.memory_space<hbm>> -> memref<8x128xf32, #tpu.memory_space<hbm>>
      tpu.wait_dma2 semaphore(%run_scoped3A : memref<!tpu.dma_semaphore, #tpu.memory_space<semaphore_mem>>) src(%dma_wait3A_160 : memref<8x128xf32, #tpu.memory_space<hbm>>) dst(%arg9 : memref<8x128xf32, #tpu.memory_space<vmem>>)
      tpu.yield
    }) : () -> ()
    %get3A = arith.constant 0 : i32
    %get3A_37 = arith.index_cast %get3A : i32 to index
    %get3A_38 = arith.constant 0 : index
    %get3A_39 = tpu.vector_load %arg7[%get3A_37, %get3A_38] {strides = array<i32>} : memref<16x128xf32, #tpu.memory_space<vmem>>, vector<1x16xf32>,
    %get3A_40 = vector.shape_cast %get3A_39 : vector<1x16xf32> to vector<16xf32>
    %get3A_41 = arith.constant 1 : i32
    %get3A_42 = arith.index_cast %get3A_41 : i32 to index
    %get3A_43 = arith.constant 0 : index
    %get3A_44 = tpu.vector_load %arg7[%get3A_42, %get3A_43] {strides = array<i32>} : memref<16x128xf32, #tpu.memory_space<vmem>>, vector<1x16xf32>,
    %get3A_45 = vector.shape_cast %get3A_44 : vector<1x16xf32> to vector<16xf32>
    %get3A_46 = arith.constant 2 : i32
    %get3A_47 = arith.index_cast %get3A_46 : i32 to index
    %get3A_48 = arith.constant 0 : index
    %get3A_49 = tpu.vector_load %arg7[%get3A_47, %get3A_48] {strides = array<i32>} : memref<16x128xf32, #tpu.memory_space<vmem>>, vector<1x16xf32>,
    %get3A_50 = vector.shape_cast %get3A_49 : vector<1x16xf32> to vector<16xf32>
    %get3A_51 = arith.constant 3 : i32
    %get3A_52 = arith.index_cast %get3A_51 : i32 to index
    %get3A_53 = arith.constant 0 : index
    %get3A_54 = tpu.vector_load %arg7[%get3A_52, %get3A_53] {strides = array<i32>} : memref<16x128xf32, #tpu.memory_space<vmem>>, vector<1x16xf32>,
    %get3A_55 = vector.shape_cast %get3A_54 : vector<1x16xf32> to vector<16xf32>
    %get3A_56 = arith.constant 4 : i32
    %get3A_57 = arith.index_cast %get3A_56 : i32 to index
    %get3A_58 = arith.constant 0 : index
    %get3A_59 = tpu.vector_load %arg7[%get3A_57, %get3A_58] {strides = array<i32>} : memref<16x128xf32, #tpu.memory_space<vmem>>, vector<1x16xf32>,
    %get3A_60 = vector.shape_cast %get3A_59 : vector<1x16xf32> to vector<16xf32>
    %get3A_61 = arith.constant 5 : i32
    %get3A_62 = arith.index_cast %get3A_61 : i32 to index
    %get3A_63 = arith.constant 0 : index
    %get3A_64 = tpu.vector_load %arg7[%get3A_62, %get3A_63] {strides = array<i32>} : memref<16x128xf32, #tpu.memory_space<vmem>>, vector<1x16xf32>,
    %get3A_65 = vector.shape_cast %get3A_64 : vector<1x16xf32> to vector<16xf32>
    %get3A_66 = arith.constant 6 : i32
    %get3A_67 = arith.index_cast %get3A_66 : i32 to index
    %get3A_68 = arith.constant 0 : index
    %get3A_69 = tpu.vector_load %arg7[%get3A_67, %get3A_68] {strides = array<i32>} : memref<16x128xf32, #tpu.memory_space<vmem>>, vector<1x16xf32>,
    %get3A_70 = vector.shape_cast %get3A_69 : vector<1x16xf32> to vector<16xf32>
    %get3A_71 = arith.constant 7 : i32
    %get3A_72 = arith.index_cast %get3A_71 : i32 to index
    %get3A_73 = arith.constant 0 : index
    %get3A_74 = tpu.vector_load %arg7[%get3A_72, %get3A_73] {strides = array<i32>} : memref<16x128xf32, #tpu.memory_space<vmem>>, vector<1x16xf32>,
    %get3A_75 = vector.shape_cast %get3A_74 : vector<1x16xf32> to vector<16xf32>
    %get3A_76 = arith.constant 8 : i32
    %get3A_77 = arith.index_cast %get3A_76 : i32 to index
    %get3A_78 = arith.constant 0 : index
    %get3A_79 = tpu.vector_load %arg7[%get3A_77, %get3A_78] {strides = array<i32>} : memref<16x128xf32, #tpu.memory_space<vmem>>, vector<1x16xf32>,
    %get3A_80 = vector.shape_cast %get3A_79 : vector<1x16xf32> to vector<16xf32>
    %get3A_81 = arith.constant 9 : i32
    %get3A_82 = arith.index_cast %get3A_81 : i32 to index
    %get3A_83 = arith.constant 0 : index
    %get3A_84 = tpu.vector_load %arg7[%get3A_82, %get3A_83] {strides = array<i32>} : memref<16x128xf32, #tpu.memory_space<vmem>>, vector<1x16xf32>,
    %get3A_85 = vector.shape_cast %get3A_84 : vector<1x16xf32> to vector<16xf32>
    %get3A_86 = arith.constant 10 : i32
    %get3A_87 = arith.index_cast %get3A_86 : i32 to index
    %get3A_88 = arith.constant 0 : index
    %get3A_89 = tpu.vector_load %arg7[%get3A_87, %get3A_88] {strides = array<i32>} : memref<16x128xf32, #tpu.memory_space<vmem>>, vector<1x16xf32>,
    %get3A_90 = vector.shape_cast %get3A_89 : vector<1x16xf32> to vector<16xf32>
    %get3A_91 = arith.constant 11 : i32
    %get3A_92 = arith.index_cast %get3A_91 : i32 to index
    %get3A_93 = arith.constant 0 : index
    %get3A_94 = tpu.vector_load %arg7[%get3A_92, %get3A_93] {strides = array<i32>} : memref<16x128xf32, #tpu.memory_space<vmem>>, vector<1x16xf32>,
    %get3A_95 = vector.shape_cast %get3A_94 : vector<1x16xf32> to vector<16xf32>
    %scan3A = arith.constant 0 : i32
    %scan3A_96 = arith.constant 0 : i32
    %scan3A_97 = arith.constant 16 : i32
    %scan3A_98 = arith.addi %scan3A_96, %scan3A_97 : i32
    %scan3A_99 = arith.constant 1 : i32
    %scan3A_100 = scf.for %scan3A_151 = %scan3A_96 to %scan3A_98 step %scan3A_99 iter_args(%scan3A_152 = %scan3A) -> (i32)  : i32 {
      %mul3A_153 = arith.constant 16 : i32
      %mul3A_154 = arith.muli %scan3A_151, %mul3A_153 : i32
      %get3A_155 = arith.constant 0 : i32
      %get3A_156 = arith.index_cast %get3A_155 : i32 to index
      %get3A_157 = arith.index_cast %mul3A_154 : i32 to index
      %get3A_158 = tpu.vector_load %arg8[%get3A_156, %get3A_157] {strides = array<i32>} : memref<8x256xf32, #tpu.memory_space<vmem>>, vector<1x16xf32>,
      %get3A_159 = vector.shape_cast %get3A_158 : vector<1x16xf32> to vector<16xf32>
      %sub3A_160 = arith.subf %get3A_159, %get3A_85 : vector<16xf32>
      %mul3A_161 = arith.constant 16 : i32
      %mul3A_162 = arith.muli %scan3A_151, %mul3A_161 : i32
      %get3A_163 = arith.constant 1 : i32
      %get3A_164 = arith.index_cast %get3A_163 : i32 to index
      %get3A_165 = arith.index_cast %mul3A_162 : i32 to index
      %get3A_166 = tpu.vector_load %arg8[%get3A_164, %get3A_165] {strides = array<i32>} : memref<8x256xf32, #tpu.memory_space<vmem>>, vector<1x16xf32>,
      %get3A_167 = vector.shape_cast %get3A_166 : vector<1x16xf32> to vector<16xf32>
      %sub3A_168 = arith.subf %get3A_167, %get3A_90 : vector<16xf32>
      %mul3A_169 = arith.constant 16 : i32
      %mul3A_170 = arith.muli %scan3A_151, %mul3A_169 : i32
      %get3A_171 = arith.constant 2 : i32
      %get3A_172 = arith.index_cast %get3A_171 : i32 to index
      %get3A_173 = arith.index_cast %mul3A_170 : i32 to index
      %get3A_174 = tpu.vector_load %arg8[%get3A_172, %get3A_173] {strides = array<i32>} : memref<8x256xf32, #tpu.memory_space<vmem>>, vector<1x16xf32>,
      %get3A_175 = vector.shape_cast %get3A_174 : vector<1x16xf32> to vector<16xf32>
      %sub3A_176 = arith.subf %get3A_175, %get3A_95 : vector<16xf32>
      %mul3A_177 = arith.mulf %sub3A_160, %get3A_40 : vector<16xf32>
      %mul3A_178 = arith.mulf %sub3A_168, %get3A_55 : vector<16xf32>
      %add3A_179 = arith.addf %mul3A_177, %mul3A_178 : vector<16xf32>
      %mul3A_180 = arith.mulf %sub3A_176, %get3A_70 : vector<16xf32>
      %add3A_181 = arith.addf %add3A_179, %mul3A_180 : vector<16xf32>
      %mul3A_182 = arith.constant 16 : i32
      %mul3A_183 = arith.muli %scan3A_151, %mul3A_182 : i32
      %swap3A = arith.index_cast %mul3A_183 : i32 to index
      %swap3A_184 = tpu.vector_load %arg10[%swap3A] {strides = array<i32>} : memref<256xf32, #tpu.memory_space<vmem>>, vector<16xf32>,
      %swap3A_185 = vector.shape_cast %swap3A_184 : vector<16xf32> to vector<16xf32>
      %swap3A_186 = vector.shape_cast %add3A_181 : vector<16xf32> to vector<16xf32>
      tpu.vector_store %arg10[%swap3A], %swap3A_186 {strides = array<i32>} : memref<256xf32, #tpu.memory_space<vmem>>, vector<16xf32>,
      %mul3A_187 = arith.mulf %sub3A_160, %get3A_45 : vector<16xf32>
      %mul3A_188 = arith.mulf %sub3A_168, %get3A_60 : vector<16xf32>
      %add3A_189 = arith.addf %mul3A_187, %mul3A_188 : vector<16xf32>
      %mul3A_190 = arith.mulf %sub3A_176, %get3A_75 : vector<16xf32>
      %add3A_191 = arith.addf %add3A_189, %mul3A_190 : vector<16xf32>
      %mul3A_192 = arith.constant 16 : i32
      %mul3A_193 = arith.muli %scan3A_151, %mul3A_192 : i32
      %swap3A_194 = arith.index_cast %mul3A_193 : i32 to index
      %swap3A_195 = tpu.vector_load %arg11[%swap3A_194] {strides = array<i32>} : memref<256xf32, #tpu.memory_space<vmem>>, vector<16xf32>,
      %swap3A_196 = vector.shape_cast %swap3A_195 : vector<16xf32> to vector<16xf32>
      %swap3A_197 = vector.shape_cast %add3A_191 : vector<16xf32> to vector<16xf32>
      tpu.vector_store %arg11[%swap3A_194], %swap3A_197 {strides = array<i32>} : memref<256xf32, #tpu.memory_space<vmem>>, vector<16xf32>,
      %mul3A_198 = arith.mulf %sub3A_160, %get3A_50 : vector<16xf32>
      %mul3A_199 = arith.mulf %sub3A_168, %get3A_65 : vector<16xf32>
      %add3A_200 = arith.addf %mul3A_198, %mul3A_199 : vector<16xf32>
      %mul3A_201 = arith.mulf %sub3A_176, %get3A_80 : vector<16xf32>
      %add3A_202 = arith.addf %add3A_200, %mul3A_201 : vector<16xf32>
      %mul3A_203 = arith.constant 16 : i32
      %mul3A_204 = arith.muli %scan3A_151, %mul3A_203 : i32
      %swap3A_205 = arith.index_cast %mul3A_204 : i32 to index
      %swap3A_206 = tpu.vector_load %arg12[%swap3A_205] {strides = array<i32>} : memref<256xf32, #tpu.memory_space<vmem>>, vector<16xf32>,
      %swap3A_207 = vector.shape_cast %swap3A_206 : vector<16xf32> to vector<16xf32>
      %swap3A_208 = vector.shape_cast %add3A_202 : vector<16xf32> to vector<16xf32>
      tpu.vector_store %arg12[%swap3A_205], %swap3A_208 {strides = array<i32>} : memref<256xf32, #tpu.memory_space<vmem>>, vector<16xf32>,
      %scan3A_209 = arith.constant 0 : i32
      scf.yield %scan3A_209 : i32
    }
    %scan3A_101 = arith.constant 16 : i32
    %scan3A_102 = arith.constant 0 : i32
    %scan3A_103 = arith.constant 0 : i32
    %scan3A_104 = arith.constant 8 : i32
    %scan3A_105 = arith.addi %scan3A_103, %scan3A_104 : i32
    %scan3A_106 = arith.constant 1 : i32
    %scan3A_107 = scf.for %scan3A_151 = %scan3A_103 to %scan3A_105 step %scan3A_106 iter_args(%scan3A_152 = %scan3A_102) -> (i32)  : i32 {
      %mul3A_153 = arith.constant 16 : i32
      %mul3A_154 = arith.muli %scan3A_151, %mul3A_153 : i32
      %get3A_155 = arith.constant 3 : i32
      %get3A_156 = arith.index_cast %get3A_155 : i32 to index
      %get3A_157 = arith.index_cast %mul3A_154 : i32 to index
      %get3A_158 = tpu.vector_load %arg9[%get3A_156, %get3A_157] {strides = array<i32>} : memref<8x128xf32, #tpu.memory_space<vmem>>, vector<1x16xf32>,
      %get3A_159 = vector.shape_cast %get3A_158 : vector<1x16xf32> to vector<16xf32>
      %sub3A_160 = arith.subf %get3A_159, %get3A_85 : vector<16xf32>
      %mul3A_161 = arith.constant 16 : i32
      %mul3A_162 = arith.muli %scan3A_151, %mul3A_161 : i32
      %get3A_163 = arith.constant 4 : i32
      %get3A_164 = arith.index_cast %get3A_163 : i32 to index
      %get3A_165 = arith.index_cast %mul3A_162 : i32 to index
      %get3A_166 = tpu.vector_load %arg9[%get3A_164, %get3A_165] {strides = array<i32>} : memref<8x128xf32, #tpu.memory_space<vmem>>, vector<1x16xf32>,
      %get3A_167 = vector.shape_cast %get3A_166 : vector<1x16xf32> to vector<16xf32>
      %sub3A_168 = arith.subf %get3A_167, %get3A_90 : vector<16xf32>
      %mul3A_169 = arith.constant 16 : i32
      %mul3A_170 = arith.muli %scan3A_151, %mul3A_169 : i32
      %get3A_171 = arith.constant 5 : i32
      %get3A_172 = arith.index_cast %get3A_171 : i32 to index
      %get3A_173 = arith.index_cast %mul3A_170 : i32 to index
      %get3A_174 = tpu.vector_load %arg9[%get3A_172, %get3A_173] {strides = array<i32>} : memref<8x128xf32, #tpu.memory_space<vmem>>, vector<1x16xf32>,
      %get3A_175 = vector.shape_cast %get3A_174 : vector<1x16xf32> to vector<16xf32>
      %sub3A_176 = arith.subf %get3A_175, %get3A_95 : vector<16xf32>
      %mul3A_177 = arith.mulf %sub3A_160, %get3A_40 : vector<16xf32>
      %mul3A_178 = arith.mulf %sub3A_168, %get3A_55 : vector<16xf32>
      %add3A_179 = arith.addf %mul3A_177, %mul3A_178 : vector<16xf32>
      %mul3A_180 = arith.mulf %sub3A_176, %get3A_70 : vector<16xf32>
      %add3A_181 = arith.addf %add3A_179, %mul3A_180 : vector<16xf32>
      %mul3A_182 = arith.constant 16 : i32
      %mul3A_183 = arith.muli %scan3A_151, %mul3A_182 : i32
      %swap3A = arith.index_cast %mul3A_183 : i32 to index
      %swap3A_184 = tpu.vector_load %arg13[%swap3A] {strides = array<i32>} : memref<128xf32, #tpu.memory_space<vmem>>, vector<16xf32>,
      %swap3A_185 = vector.shape_cast %swap3A_184 : vector<16xf32> to vector<16xf32>
      %swap3A_186 = vector.shape_cast %add3A_181 : vector<16xf32> to vector<16xf32>
      tpu.vector_store %arg13[%swap3A], %swap3A_186 {strides = array<i32>} : memref<128xf32, #tpu.memory_space<vmem>>, vector<16xf32>,
      %mul3A_187 = arith.mulf %sub3A_160, %get3A_45 : vector<16xf32>
      %mul3A_188 = arith.mulf %sub3A_168, %get3A_60 : vector<16xf32>
      %add3A_189 = arith.addf %mul3A_187, %mul3A_188 : vector<16xf32>
      %mul3A_190 = arith.mulf %sub3A_176, %get3A_75 : vector<16xf32>
      %add3A_191 = arith.addf %add3A_189, %mul3A_190 : vector<16xf32>
      %mul3A_192 = arith.constant 16 : i32
      %mul3A_193 = arith.muli %scan3A_151, %mul3A_192 : i32
      %swap3A_194 = arith.index_cast %mul3A_193 : i32 to index
      %swap3A_195 = tpu.vector_load %arg14[%swap3A_194] {strides = array<i32>} : memref<128xf32, #tpu.memory_space<vmem>>, vector<16xf32>,
      %swap3A_196 = vector.shape_cast %swap3A_195 : vector<16xf32> to vector<16xf32>
      %swap3A_197 = vector.shape_cast %add3A_191 : vector<16xf32> to vector<16xf32>
      tpu.vector_store %arg14[%swap3A_194], %swap3A_197 {strides = array<i32>} : memref<128xf32, #tpu.memory_space<vmem>>, vector<16xf32>,
      %mul3A_198 = arith.mulf %sub3A_160, %get3A_50 : vector<16xf32>
      %mul3A_199 = arith.mulf %sub3A_168, %get3A_65 : vector<16xf32>
      %add3A_200 = arith.addf %mul3A_198, %mul3A_199 : vector<16xf32>
      %mul3A_201 = arith.mulf %sub3A_176, %get3A_80 : vector<16xf32>
      %add3A_202 = arith.addf %add3A_200, %mul3A_201 : vector<16xf32>
      %mul3A_203 = arith.constant 16 : i32
      %mul3A_204 = arith.muli %scan3A_151, %mul3A_203 : i32
      %swap3A_205 = arith.index_cast %mul3A_204 : i32 to index
      %swap3A_206 = tpu.vector_load %arg15[%swap3A_205] {strides = array<i32>} : memref<128xf32, #tpu.memory_space<vmem>>, vector<16xf32>,
      %swap3A_207 = vector.shape_cast %swap3A_206 : vector<16xf32> to vector<16xf32>
      %swap3A_208 = vector.shape_cast %add3A_202 : vector<16xf32> to vector<16xf32>
      tpu.vector_store %arg15[%swap3A_205], %swap3A_208 {strides = array<i32>} : memref<128xf32, #tpu.memory_space<vmem>>, vector<16xf32>,
      %scan3A_209 = arith.constant 0 : i32
      scf.yield %scan3A_209 : i32
    }
    %scan3A_108 = arith.constant 8 : i32
    %mul3A_109 = arith.constant 3 : i32
    %mul3A_110 = arith.muli %select_n3A, %mul3A_109 : i32
    %add3A_111 = arith.constant 0 : i32
    %add3A_112 = arith.addi %mul3A_110, %add3A_111 : i32
    %mul3A_113 = arith.constant 2048 : i32
    %mul3A_114 = arith.muli %add3A_112, %mul3A_113 : i32
    %add3A_115 = arith.addi %mul3A_114, %mul3A_32 : i32
    "tpu.region"() ({
      %run_scoped3A = tpu.sem_alloc : memref<!tpu.dma_semaphore, #tpu.memory_space<semaphore_mem>>
      %dma_start3A = tpu.memref_slice %arg5[%add3A_115] : memref<24576xf32, #tpu.memory_space<hbm>> -> memref<256xf32, #tpu.memory_space<hbm>>
      %dma_start3A_151 = tpu.memref_slice %arg5[%add3A_115] : memref<24576xf32, #tpu.memory_space<hbm>> -> memref<256xf32, #tpu.memory_space<hbm>>
      tpu.enqueue_dma source(%arg10 : memref<256xf32, #tpu.memory_space<vmem>>) target(%dma_start3A_151 : memref<256xf32, #tpu.memory_space<hbm>>) target_semaphore(%run_scoped3A : memref<!tpu.dma_semaphore, #tpu.memory_space<semaphore_mem>>)
      %dma_wait3A = tpu.memref_slice %arg5[%add3A_115] : memref<24576xf32, #tpu.memory_space<hbm>> -> memref<256xf32, #tpu.memory_space<hbm>>
      %dma_wait3A_152 = tpu.memref_slice %arg5[%add3A_115] : memref<24576xf32, #tpu.memory_space<hbm>> -> memref<256xf32, #tpu.memory_space<hbm>>
      tpu.wait_dma2 semaphore(%run_scoped3A : memref<!tpu.dma_semaphore, #tpu.memory_space<semaphore_mem>>) src(%arg10 : memref<256xf32, #tpu.memory_space<vmem>>) dst(%dma_wait3A_152 : memref<256xf32, #tpu.memory_space<hbm>>)
      tpu.yield
    }) : () -> ()
    %mul3A_116 = arith.constant 3 : i32
    %mul3A_117 = arith.muli %select_n3A, %mul3A_116 : i32
    %add3A_118 = arith.constant 1 : i32
    %add3A_119 = arith.addi %mul3A_117, %add3A_118 : i32
    %mul3A_120 = arith.constant 2048 : i32
    %mul3A_121 = arith.muli %add3A_119, %mul3A_120 : i32
    %add3A_122 = arith.addi %mul3A_121, %mul3A_32 : i32
    "tpu.region"() ({
      %run_scoped3A = tpu.sem_alloc : memref<!tpu.dma_semaphore, #tpu.memory_space<semaphore_mem>>
      %dma_start3A = tpu.memref_slice %arg5[%add3A_122] : memref<24576xf32, #tpu.memory_space<hbm>> -> memref<256xf32, #tpu.memory_space<hbm>>
      %dma_start3A_151 = tpu.memref_slice %arg5[%add3A_122] : memref<24576xf32, #tpu.memory_space<hbm>> -> memref<256xf32, #tpu.memory_space<hbm>>
      tpu.enqueue_dma source(%arg11 : memref<256xf32, #tpu.memory_space<vmem>>) target(%dma_start3A_151 : memref<256xf32, #tpu.memory_space<hbm>>) target_semaphore(%run_scoped3A : memref<!tpu.dma_semaphore, #tpu.memory_space<semaphore_mem>>)
      %dma_wait3A = tpu.memref_slice %arg5[%add3A_122] : memref<24576xf32, #tpu.memory_space<hbm>> -> memref<256xf32, #tpu.memory_space<hbm>>
      %dma_wait3A_152 = tpu.memref_slice %arg5[%add3A_122] : memref<24576xf32, #tpu.memory_space<hbm>> -> memref<256xf32, #tpu.memory_space<hbm>>
      tpu.wait_dma2 semaphore(%run_scoped3A : memref<!tpu.dma_semaphore, #tpu.memory_space<semaphore_mem>>) src(%arg11 : memref<256xf32, #tpu.memory_space<vmem>>) dst(%dma_wait3A_152 : memref<256xf32, #tpu.memory_space<hbm>>)
      tpu.yield
    }) : () -> ()
    %mul3A_123 = arith.constant 3 : i32
    %mul3A_124 = arith.muli %select_n3A, %mul3A_123 : i32
    %add3A_125 = arith.constant 2 : i32
    %add3A_126 = arith.addi %mul3A_124, %add3A_125 : i32
    %mul3A_127 = arith.constant 2048 : i32
    %mul3A_128 = arith.muli %add3A_126, %mul3A_127 : i32
    %add3A_129 = arith.addi %mul3A_128, %mul3A_32 : i32
    "tpu.region"() ({
      %run_scoped3A = tpu.sem_alloc : memref<!tpu.dma_semaphore, #tpu.memory_space<semaphore_mem>>
      %dma_start3A = tpu.memref_slice %arg5[%add3A_129] : memref<24576xf32, #tpu.memory_space<hbm>> -> memref<256xf32, #tpu.memory_space<hbm>>
      %dma_start3A_151 = tpu.memref_slice %arg5[%add3A_129] : memref<24576xf32, #tpu.memory_space<hbm>> -> memref<256xf32, #tpu.memory_space<hbm>>
      tpu.enqueue_dma source(%arg12 : memref<256xf32, #tpu.memory_space<vmem>>) target(%dma_start3A_151 : memref<256xf32, #tpu.memory_space<hbm>>) target_semaphore(%run_scoped3A : memref<!tpu.dma_semaphore, #tpu.memory_space<semaphore_mem>>)
      %dma_wait3A = tpu.memref_slice %arg5[%add3A_129] : memref<24576xf32, #tpu.memory_space<hbm>> -> memref<256xf32, #tpu.memory_space<hbm>>
      %dma_wait3A_152 = tpu.memref_slice %arg5[%add3A_129] : memref<24576xf32, #tpu.memory_space<hbm>> -> memref<256xf32, #tpu.memory_space<hbm>>
      tpu.wait_dma2 semaphore(%run_scoped3A : memref<!tpu.dma_semaphore, #tpu.memory_space<semaphore_mem>>) src(%arg12 : memref<256xf32, #tpu.memory_space<vmem>>) dst(%dma_wait3A_152 : memref<256xf32, #tpu.memory_space<hbm>>)
      tpu.yield
    }) : () -> ()
    %mul3A_130 = arith.constant 3 : i32
    %mul3A_131 = arith.muli %select_n3A, %mul3A_130 : i32
    %add3A_132 = arith.constant 0 : i32
    %add3A_133 = arith.addi %mul3A_131, %add3A_132 : i32
    %mul3A_134 = arith.constant 1024 : i32
    %mul3A_135 = arith.muli %add3A_133, %mul3A_134 : i32
    %add3A_136 = arith.addi %mul3A_135, %mul3A_34 : i32
    "tpu.region"() ({
      %run_scoped3A = tpu.sem_alloc : memref<!tpu.dma_semaphore, #tpu.memory_space<semaphore_mem>>
      %dma_start3A = tpu.memref_slice %arg6[%add3A_136] : memref<12288xf32, #tpu.memory_space<hbm>> -> memref<128xf32, #tpu.memory_space<hbm>>
      %dma_start3A_151 = tpu.memref_slice %arg6[%add3A_136] : memref<12288xf32, #tpu.memory_space<hbm>> -> memref<128xf32, #tpu.memory_space<hbm>>
      tpu.enqueue_dma source(%arg13 : memref<128xf32, #tpu.memory_space<vmem>>) target(%dma_start3A_151 : memref<128xf32, #tpu.memory_space<hbm>>) target_semaphore(%run_scoped3A : memref<!tpu.dma_semaphore, #tpu.memory_space<semaphore_mem>>)
      %dma_wait3A = tpu.memref_slice %arg6[%add3A_136] : memref<12288xf32, #tpu.memory_space<hbm>> -> memref<128xf32, #tpu.memory_space<hbm>>
      %dma_wait3A_152 = tpu.memref_slice %arg6[%add3A_136] : memref<12288xf32, #tpu.memory_space<hbm>> -> memref<128xf32, #tpu.memory_space<hbm>>
      tpu.wait_dma2 semaphore(%run_scoped3A : memref<!tpu.dma_semaphore, #tpu.memory_space<semaphore_mem>>) src(%arg13 : memref<128xf32, #tpu.memory_space<vmem>>) dst(%dma_wait3A_152 : memref<128xf32, #tpu.memory_space<hbm>>)
      tpu.yield
    }) : () -> ()
    %mul3A_137 = arith.constant 3 : i32
    %mul3A_138 = arith.muli %select_n3A, %mul3A_137 : i32
    %add3A_139 = arith.constant 1 : i32
    %add3A_140 = arith.addi %mul3A_138, %add3A_139 : i32
    %mul3A_141 = arith.constant 1024 : i32
    %mul3A_142 = arith.muli %add3A_140, %mul3A_141 : i32
    %add3A_143 = arith.addi %mul3A_142, %mul3A_34 : i32
    "tpu.region"() ({
      %run_scoped3A = tpu.sem_alloc : memref<!tpu.dma_semaphore, #tpu.memory_space<semaphore_mem>>
      %dma_start3A = tpu.memref_slice %arg6[%add3A_143] : memref<12288xf32, #tpu.memory_space<hbm>> -> memref<128xf32, #tpu.memory_space<hbm>>
      %dma_start3A_151 = tpu.memref_slice %arg6[%add3A_143] : memref<12288xf32, #tpu.memory_space<hbm>> -> memref<128xf32, #tpu.memory_space<hbm>>
      tpu.enqueue_dma source(%arg14 : memref<128xf32, #tpu.memory_space<vmem>>) target(%dma_start3A_151 : memref<128xf32, #tpu.memory_space<hbm>>) target_semaphore(%run_scoped3A : memref<!tpu.dma_semaphore, #tpu.memory_space<semaphore_mem>>)
      %dma_wait3A = tpu.memref_slice %arg6[%add3A_143] : memref<12288xf32, #tpu.memory_space<hbm>> -> memref<128xf32, #tpu.memory_space<hbm>>
      %dma_wait3A_152 = tpu.memref_slice %arg6[%add3A_143] : memref<12288xf32, #tpu.memory_space<hbm>> -> memref<128xf32, #tpu.memory_space<hbm>>
      tpu.wait_dma2 semaphore(%run_scoped3A : memref<!tpu.dma_semaphore, #tpu.memory_space<semaphore_mem>>) src(%arg14 : memref<128xf32, #tpu.memory_space<vmem>>) dst(%dma_wait3A_152 : memref<128xf32, #tpu.memory_space<hbm>>)
      tpu.yield
    }) : () -> ()
    %mul3A_144 = arith.constant 3 : i32
    %mul3A_145 = arith.muli %select_n3A, %mul3A_144 : i32
    %add3A_146 = arith.constant 2 : i32
    %add3A_147 = arith.addi %mul3A_145, %add3A_146 : i32
    %mul3A_148 = arith.constant 1024 : i32
    %mul3A_149 = arith.muli %add3A_147, %mul3A_148 : i32
    %add3A_150 = arith.addi %mul3A_149, %mul3A_34 : i32
    "tpu.region"() ({
      %run_scoped3A = tpu.sem_alloc : memref<!tpu.dma_semaphore, #tpu.memory_space<semaphore_mem>>
      %dma_start3A = tpu.memref_slice %arg6[%add3A_150] : memref<12288xf32, #tpu.memory_space<hbm>> -> memref<128xf32, #tpu.memory_space<hbm>>
      %dma_start3A_151 = tpu.memref_slice %arg6[%add3A_150] : memref<12288xf32, #tpu.memory_space<hbm>> -> memref<128xf32, #tpu.memory_space<hbm>>
      tpu.enqueue_dma source(%arg15 : memref<128xf32, #tpu.memory_space<vmem>>) target(%dma_start3A_151 : memref<128xf32, #tpu.memory_space<hbm>>) target_semaphore(%run_scoped3A : memref<!tpu.dma_semaphore, #tpu.memory_space<semaphore_mem>>)
      %dma_wait3A = tpu.memref_slice %arg6[%add3A_150] : memref<12288xf32, #tpu.memory_space<hbm>> -> memref<128xf32, #tpu.memory_space<hbm>>
      %dma_wait3A_152 = tpu.memref_slice %arg6[%add3A_150] : memref<12288xf32, #tpu.memory_space<hbm>> -> memref<128xf32, #tpu.memory_space<hbm>>
      tpu.wait_dma2 semaphore(%run_scoped3A : memref<!tpu.dma_semaphore, #tpu.memory_space<semaphore_mem>>) src(%arg15 : memref<128xf32, #tpu.memory_space<vmem>>) dst(%dma_wait3A_152 : memref<128xf32, #tpu.memory_space<hbm>>)
      tpu.yield
    }) : () -> ()
    return
  }
}

module attributes {stable_mosaic.version = 14 : i64} {
  func.func @_loss_body(%arg0: i32, %arg1: memref<1x1xf32, #tpu.memory_space<vmem>>, %arg2: memref<4x16x2048xf32, #tpu.memory_space<vmem>>, %arg3: memref<4x8x1024xf32, #tpu.memory_space<vmem>>, %arg4: memref<1x1xf32, #tpu.memory_space<vmem>>, %arg5: memref<1x1xf32, #tpu.memory_space<vmem>>) attributes {dimension_semantics = [#tpu.dimension_semantics<arbitrary>], iteration_bounds = array<i64: 1>, scalar_prefetch = 0 : i64, scratch_operands = 0 : i64, tpu.core_type = #tpu.core_type<tc>, window_params = [{pipeline_mode = #tpu.pipeline_mode<synchronous>, transform_indices = @transform_0, window_bounds = array<i64: 1, 1>}, {pipeline_mode = #tpu.pipeline_mode<synchronous>, transform_indices = @transform_1, window_bounds = array<i64: 4, 16, 2048>}, {pipeline_mode = #tpu.pipeline_mode<synchronous>, transform_indices = @transform_2, window_bounds = array<i64: 4, 8, 1024>}, {pipeline_mode = #tpu.pipeline_mode<synchronous>, transform_indices = @transform_3, window_bounds = array<i64: 1, 1>}, {pipeline_mode = #tpu.pipeline_mode<synchronous>, transform_indices = @transform_4, window_bounds = array<i64: 1, 1>}]} {
    %get3A = arith.constant 0 : index
    %get3A_0 = arith.constant 0 : index
    %get3A_1 = vector.load %arg1[%get3A, %get3A_0] : memref<1x1xf32, #tpu.memory_space<vmem>>, vector<1x1xf32>
    %get3A_2 = vector.extract %get3A_1[0, 0] : f32 from vector<1x1xf32>
    %get3A_3 = arith.constant 0 : index
    %get3A_4 = arith.constant 0 : index
    %get3A_5 = arith.constant 0 : index
    %get3A_6 = vector.load %arg2[%get3A_3, %get3A_4, %get3A_5] : memref<4x16x2048xf32, #tpu.memory_space<vmem>>, vector<1x16x2048xf32>
    %get3A_7 = vector.shape_cast %get3A_6 : vector<1x16x2048xf32> to vector<16x2048xf32>
    %get3A_8 = arith.constant 0 : index
    %get3A_9 = arith.constant 0 : index
    %get3A_10 = arith.constant 0 : index
    %get3A_11 = vector.load %arg3[%get3A_8, %get3A_9, %get3A_10] : memref<4x8x1024xf32, #tpu.memory_space<vmem>>, vector<1x8x1024xf32>
    %get3A_12 = vector.shape_cast %get3A_11 : vector<1x8x1024xf32> to vector<8x1024xf32>
    %slice3A = vector.extract_strided_slice %get3A_7 {offsets = [0, 0], sizes = [4, 2048], strides = [1, 1]} : vector<16x2048xf32> to vector<4x2048xf32>
    %mul3A = arith.mulf %slice3A, %slice3A : vector<4x2048xf32>
    %reduce_sum3A = arith.constant dense<0.000000e+00> : vector<2048xf32>
    %reduce_sum3A_13 = vector.multi_reduction <add>, %mul3A, %reduce_sum3A [0] : vector<4x2048xf32> to vector<2048xf32>
    %broadcast_in_dim3A = vector.shape_cast %reduce_sum3A_13 : vector<2048xf32> to vector<1x2048xf32>
    %add3A = arith.constant 1.000000e-30 : f32
    %add3A_14 = vector.broadcast %add3A : f32 to vector<1x2048xf32>
    %add3A_15 = arith.addf %broadcast_in_dim3A, %add3A_14 : vector<1x2048xf32>
    %rsqrt3A = math.rsqrt %add3A_15 : vector<1x2048xf32>
    %mul3A_16 = vector.broadcast %rsqrt3A : vector<1x2048xf32> to vector<4x2048xf32>
    %mul3A_17 = arith.mulf %slice3A, %mul3A_16 : vector<4x2048xf32>
    %slice3A_18 = vector.extract_strided_slice %mul3A_17 {offsets = [0, 0], sizes = [1, 2048], strides = [1, 1]} : vector<4x2048xf32> to vector<1x2048xf32>
    %slice3A_19 = vector.extract_strided_slice %mul3A_17 {offsets = [1, 0], sizes = [1, 2048], strides = [1, 1]} : vector<4x2048xf32> to vector<1x2048xf32>
    %slice3A_20 = vector.extract_strided_slice %mul3A_17 {offsets = [2, 0], sizes = [1, 2048], strides = [1, 1]} : vector<4x2048xf32> to vector<1x2048xf32>
    %slice3A_21 = vector.extract_strided_slice %mul3A_17 {offsets = [3, 0], sizes = [1, 2048], strides = [1, 1]} : vector<4x2048xf32> to vector<1x2048xf32>
    %mul3A_22 = arith.mulf %slice3A_19, %slice3A_19 : vector<1x2048xf32>
    %mul3A_23 = arith.mulf %slice3A_20, %slice3A_20 : vector<1x2048xf32>
    %add3A_24 = arith.addf %mul3A_22, %mul3A_23 : vector<1x2048xf32>
    %mul3A_25 = arith.constant 2.000000e+00 : f32
    %mul3A_26 = vector.broadcast %mul3A_25 : f32 to vector<1x2048xf32>
    %mul3A_27 = arith.mulf %mul3A_26, %add3A_24 : vector<1x2048xf32>
    %sub3A = arith.constant 1.000000e+00 : f32
    %sub3A_28 = vector.broadcast %sub3A : f32 to vector<1x2048xf32>
    %sub3A_29 = arith.subf %sub3A_28, %mul3A_27 : vector<1x2048xf32>
    %mul3A_30 = arith.mulf %slice3A_18, %slice3A_19 : vector<1x2048xf32>
    %mul3A_31 = arith.mulf %slice3A_20, %slice3A_21 : vector<1x2048xf32>
    %sub3A_32 = arith.subf %mul3A_30, %mul3A_31 : vector<1x2048xf32>
    %mul3A_33 = arith.constant 2.000000e+00 : f32
    %mul3A_34 = vector.broadcast %mul3A_33 : f32 to vector<1x2048xf32>
    %mul3A_35 = arith.mulf %mul3A_34, %sub3A_32 : vector<1x2048xf32>
    %mul3A_36 = arith.mulf %slice3A_18, %slice3A_20 : vector<1x2048xf32>
    %mul3A_37 = arith.mulf %slice3A_19, %slice3A_21 : vector<1x2048xf32>
    %add3A_38 = arith.addf %mul3A_36, %mul3A_37 : vector<1x2048xf32>
    %mul3A_39 = arith.constant 2.000000e+00 : f32
    %mul3A_40 = vector.broadcast %mul3A_39 : f32 to vector<1x2048xf32>
    %mul3A_41 = arith.mulf %mul3A_40, %add3A_38 : vector<1x2048xf32>
    %mul3A_42 = arith.mulf %slice3A_18, %slice3A_19 : vector<1x2048xf32>
    %mul3A_43 = arith.mulf %slice3A_20, %slice3A_21 : vector<1x2048xf32>
    %add3A_44 = arith.addf %mul3A_42, %mul3A_43 : vector<1x2048xf32>
    %mul3A_45 = arith.constant 2.000000e+00 : f32
    %mul3A_46 = vector.broadcast %mul3A_45 : f32 to vector<1x2048xf32>
    %mul3A_47 = arith.mulf %mul3A_46, %add3A_44 : vector<1x2048xf32>
    %mul3A_48 = arith.mulf %slice3A_18, %slice3A_18 : vector<1x2048xf32>
    %mul3A_49 = arith.mulf %slice3A_20, %slice3A_20 : vector<1x2048xf32>
    %add3A_50 = arith.addf %mul3A_48, %mul3A_49 : vector<1x2048xf32>
    %mul3A_51 = arith.constant 2.000000e+00 : f32
    %mul3A_52 = vector.broadcast %mul3A_51 : f32 to vector<1x2048xf32>
    %mul3A_53 = arith.mulf %mul3A_52, %add3A_50 : vector<1x2048xf32>
    %sub3A_54 = arith.constant 1.000000e+00 : f32
    %sub3A_55 = vector.broadcast %sub3A_54 : f32 to vector<1x2048xf32>
    %sub3A_56 = arith.subf %sub3A_55, %mul3A_53 : vector<1x2048xf32>
    %mul3A_57 = arith.mulf %slice3A_19, %slice3A_20 : vector<1x2048xf32>
    %mul3A_58 = arith.mulf %slice3A_18, %slice3A_21 : vector<1x2048xf32>
    %sub3A_59 = arith.subf %mul3A_57, %mul3A_58 : vector<1x2048xf32>
    %mul3A_60 = arith.constant 2.000000e+00 : f32
    %mul3A_61 = vector.broadcast %mul3A_60 : f32 to vector<1x2048xf32>
    %mul3A_62 = arith.mulf %mul3A_61, %sub3A_59 : vector<1x2048xf32>
    %mul3A_63 = arith.mulf %slice3A_18, %slice3A_20 : vector<1x2048xf32>
    %mul3A_64 = arith.mulf %slice3A_19, %slice3A_21 : vector<1x2048xf32>
    %sub3A_65 = arith.subf %mul3A_63, %mul3A_64 : vector<1x2048xf32>
    %mul3A_66 = arith.constant 2.000000e+00 : f32
    %mul3A_67 = vector.broadcast %mul3A_66 : f32 to vector<1x2048xf32>
    %mul3A_68 = arith.mulf %mul3A_67, %sub3A_65 : vector<1x2048xf32>
    %mul3A_69 = arith.mulf %slice3A_19, %slice3A_20 : vector<1x2048xf32>
    %mul3A_70 = arith.mulf %slice3A_18, %slice3A_21 : vector<1x2048xf32>
    %add3A_71 = arith.addf %mul3A_69, %mul3A_70 : vector<1x2048xf32>
    %mul3A_72 = arith.constant 2.000000e+00 : f32
    %mul3A_73 = vector.broadcast %mul3A_72 : f32 to vector<1x2048xf32>
    %mul3A_74 = arith.mulf %mul3A_73, %add3A_71 : vector<1x2048xf32>
    %mul3A_75 = arith.mulf %slice3A_18, %slice3A_18 : vector<1x2048xf32>
    %mul3A_76 = arith.mulf %slice3A_19, %slice3A_19 : vector<1x2048xf32>
    %add3A_77 = arith.addf %mul3A_75, %mul3A_76 : vector<1x2048xf32>
    %mul3A_78 = arith.constant 2.000000e+00 : f32
    %mul3A_79 = vector.broadcast %mul3A_78 : f32 to vector<1x2048xf32>
    %mul3A_80 = arith.mulf %mul3A_79, %add3A_77 : vector<1x2048xf32>
    %sub3A_81 = arith.constant 1.000000e+00 : f32
    %sub3A_82 = vector.broadcast %sub3A_81 : f32 to vector<1x2048xf32>
    %sub3A_83 = arith.subf %sub3A_82, %mul3A_80 : vector<1x2048xf32>
    %slice3A_84 = vector.extract_strided_slice %get3A_7 {offsets = [8, 0], sizes = [3, 2048], strides = [1, 1]} : vector<16x2048xf32> to vector<3x2048xf32>
    %slice3A_85 = vector.extract_strided_slice %get3A_7 {offsets = [4, 0], sizes = [3, 2048], strides = [1, 1]} : vector<16x2048xf32> to vector<3x2048xf32>
    %add3A_86 = arith.addf %slice3A_84, %slice3A_85 : vector<3x2048xf32>
    %slice3A_87 = vector.extract_strided_slice %add3A_86 {offsets = [0, 0], sizes = [1, 2048], strides = [1, 1]} : vector<3x2048xf32> to vector<1x2048xf32>
    %slice3A_88 = vector.extract_strided_slice %add3A_86 {offsets = [1, 0], sizes = [1, 2048], strides = [1, 1]} : vector<3x2048xf32> to vector<1x2048xf32>
    %slice3A_89 = vector.extract_strided_slice %add3A_86 {offsets = [2, 0], sizes = [1, 2048], strides = [1, 1]} : vector<3x2048xf32> to vector<1x2048xf32>
    %mul3A_90 = arith.mulf %sub3A_29, %slice3A_87 : vector<1x2048xf32>
    %mul3A_91 = arith.mulf %mul3A_35, %slice3A_88 : vector<1x2048xf32>
    %add3A_92 = arith.addf %mul3A_90, %mul3A_91 : vector<1x2048xf32>
    %mul3A_93 = arith.mulf %mul3A_41, %slice3A_89 : vector<1x2048xf32>
    %add3A_94 = arith.addf %add3A_92, %mul3A_93 : vector<1x2048xf32>
    %mul3A_95 = arith.mulf %mul3A_47, %slice3A_87 : vector<1x2048xf32>
    %mul3A_96 = arith.mulf %sub3A_56, %slice3A_88 : vector<1x2048xf32>
    %add3A_97 = arith.addf %mul3A_95, %mul3A_96 : vector<1x2048xf32>
    %mul3A_98 = arith.mulf %mul3A_62, %slice3A_89 : vector<1x2048xf32>
    %add3A_99 = arith.addf %add3A_97, %mul3A_98 : vector<1x2048xf32>
    %mul3A_100 = arith.mulf %mul3A_68, %slice3A_87 : vector<1x2048xf32>
    %mul3A_101 = arith.mulf %mul3A_74, %slice3A_88 : vector<1x2048xf32>
    %add3A_102 = arith.addf %mul3A_100, %mul3A_101 : vector<1x2048xf32>
    %mul3A_103 = arith.mulf %sub3A_83, %slice3A_89 : vector<1x2048xf32>
    %add3A_104 = arith.addf %add3A_102, %mul3A_103 : vector<1x2048xf32>
    %mul3A_105 = arith.mulf %slice3A_87, %slice3A_87 : vector<1x2048xf32>
    %mul3A_106 = arith.mulf %slice3A_88, %slice3A_88 : vector<1x2048xf32>
    %add3A_107 = arith.addf %mul3A_105, %mul3A_106 : vector<1x2048xf32>
    %mul3A_108 = arith.mulf %slice3A_89, %slice3A_89 : vector<1x2048xf32>
    %add3A_109 = arith.addf %add3A_107, %mul3A_108 : vector<1x2048xf32>
    %broadcast_in_dim3A_110 = arith.constant 1.000000e+00 : f32
    %broadcast_in_dim3A_111 = vector.broadcast %broadcast_in_dim3A_110 : f32 to vector<1x2048xf32>
    %mul3A_112 = arith.constant 2.000000e+00 : f32
    %mul3A_113 = vector.broadcast %mul3A_112 : f32 to vector<1x2048xf32>
    %mul3A_114 = arith.mulf %mul3A_113, %add3A_94 : vector<1x2048xf32>
    %mul3A_115 = arith.constant 2.000000e+00 : f32
    %mul3A_116 = vector.broadcast %mul3A_115 : f32 to vector<1x2048xf32>
    %mul3A_117 = arith.mulf %mul3A_116, %add3A_99 : vector<1x2048xf32>
    %mul3A_118 = arith.constant 2.000000e+00 : f32
    %mul3A_119 = vector.broadcast %mul3A_118 : f32 to vector<1x2048xf32>
    %mul3A_120 = arith.mulf %mul3A_119, %add3A_104 : vector<1x2048xf32>
    %mul3A_121 = arith.constant -2.000000e+00 : f32
    %mul3A_122 = vector.broadcast %mul3A_121 : f32 to vector<1x2048xf32>
    %mul3A_123 = arith.mulf %mul3A_122, %slice3A_87 : vector<1x2048xf32>
    %mul3A_124 = arith.constant -2.000000e+00 : f32
    %mul3A_125 = vector.broadcast %mul3A_124 : f32 to vector<1x2048xf32>
    %mul3A_126 = arith.mulf %mul3A_125, %slice3A_88 : vector<1x2048xf32>
    %mul3A_127 = arith.constant -2.000000e+00 : f32
    %mul3A_128 = vector.broadcast %mul3A_127 : f32 to vector<1x2048xf32>
    %mul3A_129 = arith.mulf %mul3A_128, %slice3A_89 : vector<1x2048xf32>
    %mul3A_130 = arith.constant -2.000000e+00 : f32
    %mul3A_131 = vector.broadcast %mul3A_130 : f32 to vector<1x2048xf32>
    %mul3A_132 = arith.mulf %mul3A_131, %sub3A_29 : vector<1x2048xf32>
    %mul3A_133 = arith.constant -2.000000e+00 : f32
    %mul3A_134 = vector.broadcast %mul3A_133 : f32 to vector<1x2048xf32>
    %mul3A_135 = arith.mulf %mul3A_134, %mul3A_35 : vector<1x2048xf32>
    %mul3A_136 = arith.constant -2.000000e+00 : f32
    %mul3A_137 = vector.broadcast %mul3A_136 : f32 to vector<1x2048xf32>
    %mul3A_138 = arith.mulf %mul3A_137, %mul3A_41 : vector<1x2048xf32>
    %mul3A_139 = arith.constant -2.000000e+00 : f32
    %mul3A_140 = vector.broadcast %mul3A_139 : f32 to vector<1x2048xf32>
    %mul3A_141 = arith.mulf %mul3A_140, %mul3A_47 : vector<1x2048xf32>
    %mul3A_142 = arith.constant -2.000000e+00 : f32
    %mul3A_143 = vector.broadcast %mul3A_142 : f32 to vector<1x2048xf32>
    %mul3A_144 = arith.mulf %mul3A_143, %sub3A_56 : vector<1x2048xf32>
    %mul3A_145 = arith.constant -2.000000e+00 : f32
    %mul3A_146 = vector.broadcast %mul3A_145 : f32 to vector<1x2048xf32>
    %mul3A_147 = arith.mulf %mul3A_146, %mul3A_62 : vector<1x2048xf32>
    %mul3A_148 = arith.constant -2.000000e+00 : f32
    %mul3A_149 = vector.broadcast %mul3A_148 : f32 to vector<1x2048xf32>
    %mul3A_150 = arith.mulf %mul3A_149, %mul3A_68 : vector<1x2048xf32>
    %mul3A_151 = arith.constant -2.000000e+00 : f32
    %mul3A_152 = vector.broadcast %mul3A_151 : f32 to vector<1x2048xf32>
    %mul3A_153 = arith.mulf %mul3A_152, %mul3A_74 : vector<1x2048xf32>
    %mul3A_154 = arith.constant -2.000000e+00 : f32
    %mul3A_155 = vector.broadcast %mul3A_154 : f32 to vector<1x2048xf32>
    %mul3A_156 = arith.mulf %mul3A_155, %sub3A_83 : vector<1x2048xf32>
    %concatenate3A = tpu.concatenate %broadcast_in_dim3A_111, %add3A_109, %mul3A_114, %mul3A_117, %mul3A_120, %mul3A_123, %mul3A_126, %mul3A_129, %mul3A_132, %mul3A_135, %mul3A_138, %mul3A_141, %mul3A_144, %mul3A_147, %mul3A_150, %mul3A_153, %mul3A_156 in 0 : vector<1x2048xf32>, vector<1x2048xf32>, vector<1x2048xf32>, vector<1x2048xf32>, vector<1x2048xf32>, vector<1x2048xf32>, vector<1x2048xf32>, vector<1x2048xf32>, vector<1x2048xf32>, vector<1x2048xf32>, vector<1x2048xf32>, vector<1x2048xf32>, vector<1x2048xf32>, vector<1x2048xf32>, vector<1x2048xf32>, vector<1x2048xf32>, vector<1x2048xf32> -> vector<17x2048xf32>
    %slice3A_157 = vector.extract_strided_slice %get3A_12 {offsets = [0, 0], sizes = [1, 1024], strides = [1, 1]} : vector<8x1024xf32> to vector<1x1024xf32>
    %slice3A_158 = vector.extract_strided_slice %get3A_12 {offsets = [1, 0], sizes = [1, 1024], strides = [1, 1]} : vector<8x1024xf32> to vector<1x1024xf32>
    %slice3A_159 = vector.extract_strided_slice %get3A_12 {offsets = [2, 0], sizes = [1, 1024], strides = [1, 1]} : vector<8x1024xf32> to vector<1x1024xf32>
    %slice3A_160 = vector.extract_strided_slice %get3A_12 {offsets = [3, 0], sizes = [1, 1024], strides = [1, 1]} : vector<8x1024xf32> to vector<1x1024xf32>
    %slice3A_161 = vector.extract_strided_slice %get3A_12 {offsets = [4, 0], sizes = [1, 1024], strides = [1, 1]} : vector<8x1024xf32> to vector<1x1024xf32>
    %slice3A_162 = vector.extract_strided_slice %get3A_12 {offsets = [5, 0], sizes = [1, 1024], strides = [1, 1]} : vector<8x1024xf32> to vector<1x1024xf32>
    %mul3A_163 = arith.mulf %slice3A_157, %slice3A_157 : vector<1x1024xf32>
    %mul3A_164 = arith.mulf %slice3A_158, %slice3A_158 : vector<1x1024xf32>
    %add3A_165 = arith.addf %mul3A_163, %mul3A_164 : vector<1x1024xf32>
    %mul3A_166 = arith.mulf %slice3A_159, %slice3A_159 : vector<1x1024xf32>
    %add3A_167 = arith.addf %add3A_165, %mul3A_166 : vector<1x1024xf32>
    %mul3A_168 = arith.mulf %slice3A_160, %slice3A_160 : vector<1x1024xf32>
    %add3A_169 = arith.addf %add3A_167, %mul3A_168 : vector<1x1024xf32>
    %mul3A_170 = arith.mulf %slice3A_161, %slice3A_161 : vector<1x1024xf32>
    %add3A_171 = arith.addf %add3A_169, %mul3A_170 : vector<1x1024xf32>
    %mul3A_172 = arith.mulf %slice3A_162, %slice3A_162 : vector<1x1024xf32>
    %add3A_173 = arith.addf %add3A_171, %mul3A_172 : vector<1x1024xf32>
    %broadcast_in_dim3A_174 = arith.constant 1.000000e+00 : f32
    %broadcast_in_dim3A_175 = vector.broadcast %broadcast_in_dim3A_174 : f32 to vector<1x1024xf32>
    %mul3A_176 = arith.mulf %slice3A_157, %slice3A_160 : vector<1x1024xf32>
    %mul3A_177 = arith.mulf %slice3A_157, %slice3A_161 : vector<1x1024xf32>
    %mul3A_178 = arith.mulf %slice3A_157, %slice3A_162 : vector<1x1024xf32>
    %mul3A_179 = arith.mulf %slice3A_158, %slice3A_160 : vector<1x1024xf32>
    %mul3A_180 = arith.mulf %slice3A_158, %slice3A_161 : vector<1x1024xf32>
    %mul3A_181 = arith.mulf %slice3A_158, %slice3A_162 : vector<1x1024xf32>
    %mul3A_182 = arith.mulf %slice3A_159, %slice3A_160 : vector<1x1024xf32>
    %mul3A_183 = arith.mulf %slice3A_159, %slice3A_161 : vector<1x1024xf32>
    %mul3A_184 = arith.mulf %slice3A_159, %slice3A_162 : vector<1x1024xf32>
    %concatenate3A_185 = tpu.concatenate %add3A_173, %broadcast_in_dim3A_175, %slice3A_157, %slice3A_158, %slice3A_159, %slice3A_160, %slice3A_161, %slice3A_162, %mul3A_176, %mul3A_177, %mul3A_178, %mul3A_179, %mul3A_180, %mul3A_181, %mul3A_182, %mul3A_183, %mul3A_184 in 0 : vector<1x1024xf32>, vector<1x1024xf32>, vector<1x1024xf32>, vector<1x1024xf32>, vector<1x1024xf32>, vector<1x1024xf32>, vector<1x1024xf32>, vector<1x1024xf32>, vector<1x1024xf32>, vector<1x1024xf32>, vector<1x1024xf32>, vector<1x1024xf32>, vector<1x1024xf32>, vector<1x1024xf32>, vector<1x1024xf32>, vector<1x1024xf32>, vector<1x1024xf32> -> vector<17x1024xf32>
    %convert_element_type3A = arith.truncf %concatenate3A_185 : vector<17x1024xf32> to vector<17x1024xbf16>
    %convert_element_type3A_186 = arith.truncf %concatenate3A : vector<17x2048xf32> to vector<17x2048xbf16>
    %dot_general3A = arith.constant dense<0.000000e+00> : vector<1024x2048xf32>
    %dot_general3A_187 = tpu.matmul %convert_element_type3A, %convert_element_type3A_186, %dot_general3A {dimension_numbers = #tpu.dot_dimension_numbers<[0], [0], [1], [1], [0, 1, 1, 1], [], []>, transpose_lhs_hint = false} : vector<17x1024xbf16>, vector<17x2048xbf16>, vector<1024x2048xf32> -> vector<1024x2048xf32>
    %max3A = arith.constant 1.000000e-24 : f32
    %max3A_188 = vector.broadcast %max3A : f32 to vector<1024x2048xf32>
    %max3A_189 = arith.maximumf %dot_general3A_187, %max3A_188 : vector<1024x2048xf32>
    %rsqrt3A_190 = math.rsqrt %max3A_189 : vector<1024x2048xf32>
    %mul3A_191 = arith.mulf %max3A_189, %rsqrt3A_190 : vector<1024x2048xf32>
    %reduce_sum3A_192 = arith.constant dense<0.000000e+00> : vector<2048xf32>
    %reduce_sum3A_193 = vector.multi_reduction <add>, %mul3A_191, %reduce_sum3A_192 [0] : vector<1024x2048xf32> to vector<2048xf32>
    %broadcast_in_dim3A_194 = vector.shape_cast %reduce_sum3A_193 : vector<2048xf32> to vector<1x2048xf32>
    %div3A = arith.constant 1.024000e+03 : f32
    %div3A_195 = vector.broadcast %div3A : f32 to vector<1x2048xf32>
    %div3A_196 = arith.divf %broadcast_in_dim3A_194, %div3A_195 : vector<1x2048xf32>
    %slice3A_197 = vector.extract_strided_slice %get3A_7 {offsets = [11, 0], sizes = [1, 2048], strides = [1, 1]} : vector<16x2048xf32> to vector<1x2048xf32>
    %max3A_198 = arith.constant 9.99999997E-7 : f32
    %max3A_199 = vector.broadcast %max3A_198 : f32 to vector<1x2048xf32>
    %max3A_200 = arith.maximumf %slice3A_197, %max3A_199 : vector<1x2048xf32>
    %mul3A_201 = arith.mulf %div3A_196, %max3A_200 : vector<1x2048xf32>
    %log3A = math.log %max3A_200 : vector<1x2048xf32>
    %mul3A_202 = vector.broadcast %get3A_2 : f32 to vector<1x2048xf32>
    %mul3A_203 = arith.mulf %mul3A_202, %log3A : vector<1x2048xf32>
    %sub3A_204 = arith.subf %mul3A_201, %mul3A_203 : vector<1x2048xf32>
    %reduce_sum3A_205 = vector.shape_cast %sub3A_204 : vector<1x2048xf32> to vector<1x1x2048xf32>
    %reduce_sum3A_206 = arith.constant dense<0.000000e+00> : vector<1xf32>
    %reduce_sum3A_207 = vector.multi_reduction <add>, %reduce_sum3A_205, %reduce_sum3A_206 [1, 2] : vector<1x1x2048xf32> to vector<1xf32>
    %reduce_sum3A_208 = vector.shape_cast %reduce_sum3A_207 : vector<1xf32> to vector<1x1x1xf32>
    %reduce_sum3A_209 = vector.extract %reduce_sum3A_208[0, 0, 0] : f32 from vector<1x1x1xf32>
    %broadcast_in_dim3A_210 = vector.broadcast %reduce_sum3A_209 : f32 to vector<1x1xf32>
    %iota3A = tpu.iota {dimensions = array<i32: 1>} : vector<1x2048xi32>
    %reduce_max3A = vector.shape_cast %max3A_200 : vector<1x2048xf32> to vector<1x1x2048xf32>
    %reduce_max3A_211 = arith.constant dense<0xFF800000> : vector<1xf32>
    %reduce_max3A_212 = vector.multi_reduction <maximumf>, %reduce_max3A, %reduce_max3A_211 [1, 2] : vector<1x1x2048xf32> to vector<1xf32>
    %reduce_max3A_213 = vector.shape_cast %reduce_max3A_212 : vector<1xf32> to vector<1x1x1xf32>
    %reduce_max3A_214 = vector.extract %reduce_max3A_213[0, 0, 0] : f32 from vector<1x1x1xf32>
    %eq3A = vector.broadcast %reduce_max3A_214 : f32 to vector<1x2048xf32>
    %eq3A_215 = arith.cmpf oeq, %max3A_200, %eq3A : vector<1x2048xf32>
    %jit3A = arith.constant 2048 : i32
    %broadcast_in_dim3A_216 = vector.broadcast %jit3A : i32 to vector<1x2048xi32>
    %select_n3A = arith.select %eq3A_215, %iota3A, %broadcast_in_dim3A_216 : vector<1x2048xi1>, vector<1x2048xi32>
    %reduce_min3A = vector.shape_cast %select_n3A : vector<1x2048xi32> to vector<1x1x2048xi32>
    %reduce_min3A_217 = arith.constant dense<2147483647> : vector<1xi32>
    %reduce_min3A_218 = vector.multi_reduction <minsi>, %reduce_min3A, %reduce_min3A_217 [1, 2] : vector<1x1x2048xi32> to vector<1xi32>
    %reduce_min3A_219 = vector.shape_cast %reduce_min3A_218 : vector<1xi32> to vector<1x1x1xi32>
    %reduce_min3A_220 = vector.extract %reduce_min3A_219[0, 0, 0] : i32 from vector<1x1x1xi32>
    %eq3A_221 = vector.broadcast %reduce_min3A_220 : i32 to vector<1x2048xi32>
    %eq3A_222 = arith.cmpi eq, %iota3A, %eq3A_221 : vector<1x2048xi32>
    %convert_element_type3A_223 = arith.extui %eq3A_222 : vector<1x2048xi1> to vector<1x2048xi32>
    %convert_element_type3A_224 = arith.sitofp %convert_element_type3A_223 : vector<1x2048xi32> to vector<1x2048xf32>
    %mul3A_225 = arith.mulf %div3A_196, %convert_element_type3A_224 : vector<1x2048xf32>
    %reduce_sum3A_226 = vector.shape_cast %mul3A_225 : vector<1x2048xf32> to vector<1x1x2048xf32>
    %reduce_sum3A_227 = arith.constant dense<0.000000e+00> : vector<1xf32>
    %reduce_sum3A_228 = vector.multi_reduction <add>, %reduce_sum3A_226, %reduce_sum3A_227 [1, 2] : vector<1x1x2048xf32> to vector<1xf32>
    %reduce_sum3A_229 = vector.shape_cast %reduce_sum3A_228 : vector<1xf32> to vector<1x1x1xf32>
    %reduce_sum3A_230 = vector.extract %reduce_sum3A_229[0, 0, 0] : f32 from vector<1x1x1xf32>
    %broadcast_in_dim3A_231 = vector.broadcast %reduce_sum3A_230 : f32 to vector<1x1xf32>
    %get3A_232 = arith.constant 1 : index
    %get3A_233 = arith.constant 0 : index
    %get3A_234 = arith.constant 0 : index
    %get3A_235 = vector.load %arg2[%get3A_232, %get3A_233, %get3A_234] : memref<4x16x2048xf32, #tpu.memory_space<vmem>>, vector<1x16x2048xf32>
    %get3A_236 = vector.shape_cast %get3A_235 : vector<1x16x2048xf32> to vector<16x2048xf32>
    %get3A_237 = arith.constant 1 : index
    %get3A_238 = arith.constant 0 : index
    %get3A_239 = arith.constant 0 : index
    %get3A_240 = vector.load %arg3[%get3A_237, %get3A_238, %get3A_239] : memref<4x8x1024xf32, #tpu.memory_space<vmem>>, vector<1x8x1024xf32>
    %get3A_241 = vector.shape_cast %get3A_240 : vector<1x8x1024xf32> to vector<8x1024xf32>
    %slice3A_242 = vector.extract_strided_slice %get3A_236 {offsets = [0, 0], sizes = [4, 2048], strides = [1, 1]} : vector<16x2048xf32> to vector<4x2048xf32>
    %mul3A_243 = arith.mulf %slice3A_242, %slice3A_242 : vector<4x2048xf32>
    %reduce_sum3A_244 = arith.constant dense<0.000000e+00> : vector<2048xf32>
    %reduce_sum3A_245 = vector.multi_reduction <add>, %mul3A_243, %reduce_sum3A_244 [0] : vector<4x2048xf32> to vector<2048xf32>
    %broadcast_in_dim3A_246 = vector.shape_cast %reduce_sum3A_245 : vector<2048xf32> to vector<1x2048xf32>
    %add3A_247 = arith.constant 1.000000e-30 : f32
    %add3A_248 = vector.broadcast %add3A_247 : f32 to vector<1x2048xf32>
    %add3A_249 = arith.addf %broadcast_in_dim3A_246, %add3A_248 : vector<1x2048xf32>
    %rsqrt3A_250 = math.rsqrt %add3A_249 : vector<1x2048xf32>
    %mul3A_251 = vector.broadcast %rsqrt3A_250 : vector<1x2048xf32> to vector<4x2048xf32>
    %mul3A_252 = arith.mulf %slice3A_242, %mul3A_251 : vector<4x2048xf32>
    %slice3A_253 = vector.extract_strided_slice %mul3A_252 {offsets = [0, 0], sizes = [1, 2048], strides = [1, 1]} : vector<4x2048xf32> to vector<1x2048xf32>
    %slice3A_254 = vector.extract_strided_slice %mul3A_252 {offsets = [1, 0], sizes = [1, 2048], strides = [1, 1]} : vector<4x2048xf32> to vector<1x2048xf32>
    %slice3A_255 = vector.extract_strided_slice %mul3A_252 {offsets = [2, 0], sizes = [1, 2048], strides = [1, 1]} : vector<4x2048xf32> to vector<1x2048xf32>
    %slice3A_256 = vector.extract_strided_slice %mul3A_252 {offsets = [3, 0], sizes = [1, 2048], strides = [1, 1]} : vector<4x2048xf32> to vector<1x2048xf32>
    %mul3A_257 = arith.mulf %slice3A_254, %slice3A_254 : vector<1x2048xf32>
    %mul3A_258 = arith.mulf %slice3A_255, %slice3A_255 : vector<1x2048xf32>
    %add3A_259 = arith.addf %mul3A_257, %mul3A_258 : vector<1x2048xf32>
    %mul3A_260 = arith.constant 2.000000e+00 : f32
    %mul3A_261 = vector.broadcast %mul3A_260 : f32 to vector<1x2048xf32>
    %mul3A_262 = arith.mulf %mul3A_261, %add3A_259 : vector<1x2048xf32>
    %sub3A_263 = arith.constant 1.000000e+00 : f32
    %sub3A_264 = vector.broadcast %sub3A_263 : f32 to vector<1x2048xf32>
    %sub3A_265 = arith.subf %sub3A_264, %mul3A_262 : vector<1x2048xf32>
    %mul3A_266 = arith.mulf %slice3A_253, %slice3A_254 : vector<1x2048xf32>
    %mul3A_267 = arith.mulf %slice3A_255, %slice3A_256 : vector<1x2048xf32>
    %sub3A_268 = arith.subf %mul3A_266, %mul3A_267 : vector<1x2048xf32>
    %mul3A_269 = arith.constant 2.000000e+00 : f32
    %mul3A_270 = vector.broadcast %mul3A_269 : f32 to vector<1x2048xf32>
    %mul3A_271 = arith.mulf %mul3A_270, %sub3A_268 : vector<1x2048xf32>
    %mul3A_272 = arith.mulf %slice3A_253, %slice3A_255 : vector<1x2048xf32>
    %mul3A_273 = arith.mulf %slice3A_254, %slice3A_256 : vector<1x2048xf32>
    %add3A_274 = arith.addf %mul3A_272, %mul3A_273 : vector<1x2048xf32>
    %mul3A_275 = arith.constant 2.000000e+00 : f32
    %mul3A_276 = vector.broadcast %mul3A_275 : f32 to vector<1x2048xf32>
    %mul3A_277 = arith.mulf %mul3A_276, %add3A_274 : vector<1x2048xf32>
    %mul3A_278 = arith.mulf %slice3A_253, %slice3A_254 : vector<1x2048xf32>
    %mul3A_279 = arith.mulf %slice3A_255, %slice3A_256 : vector<1x2048xf32>
    %add3A_280 = arith.addf %mul3A_278, %mul3A_279 : vector<1x2048xf32>
    %mul3A_281 = arith.constant 2.000000e+00 : f32
    %mul3A_282 = vector.broadcast %mul3A_281 : f32 to vector<1x2048xf32>
    %mul3A_283 = arith.mulf %mul3A_282, %add3A_280 : vector<1x2048xf32>
    %mul3A_284 = arith.mulf %slice3A_253, %slice3A_253 : vector<1x2048xf32>
    %mul3A_285 = arith.mulf %slice3A_255, %slice3A_255 : vector<1x2048xf32>
    %add3A_286 = arith.addf %mul3A_284, %mul3A_285 : vector<1x2048xf32>
    %mul3A_287 = arith.constant 2.000000e+00 : f32
    %mul3A_288 = vector.broadcast %mul3A_287 : f32 to vector<1x2048xf32>
    %mul3A_289 = arith.mulf %mul3A_288, %add3A_286 : vector<1x2048xf32>
    %sub3A_290 = arith.constant 1.000000e+00 : f32
    %sub3A_291 = vector.broadcast %sub3A_290 : f32 to vector<1x2048xf32>
    %sub3A_292 = arith.subf %sub3A_291, %mul3A_289 : vector<1x2048xf32>
    %mul3A_293 = arith.mulf %slice3A_254, %slice3A_255 : vector<1x2048xf32>
    %mul3A_294 = arith.mulf %slice3A_253, %slice3A_256 : vector<1x2048xf32>
    %sub3A_295 = arith.subf %mul3A_293, %mul3A_294 : vector<1x2048xf32>
    %mul3A_296 = arith.constant 2.000000e+00 : f32
    %mul3A_297 = vector.broadcast %mul3A_296 : f32 to vector<1x2048xf32>
    %mul3A_298 = arith.mulf %mul3A_297, %sub3A_295 : vector<1x2048xf32>
    %mul3A_299 = arith.mulf %slice3A_253, %slice3A_255 : vector<1x2048xf32>
    %mul3A_300 = arith.mulf %slice3A_254, %slice3A_256 : vector<1x2048xf32>
    %sub3A_301 = arith.subf %mul3A_299, %mul3A_300 : vector<1x2048xf32>
    %mul3A_302 = arith.constant 2.000000e+00 : f32
    %mul3A_303 = vector.broadcast %mul3A_302 : f32 to vector<1x2048xf32>
    %mul3A_304 = arith.mulf %mul3A_303, %sub3A_301 : vector<1x2048xf32>
    %mul3A_305 = arith.mulf %slice3A_254, %slice3A_255 : vector<1x2048xf32>
    %mul3A_306 = arith.mulf %slice3A_253, %slice3A_256 : vector<1x2048xf32>
    %add3A_307 = arith.addf %mul3A_305, %mul3A_306 : vector<1x2048xf32>
    %mul3A_308 = arith.constant 2.000000e+00 : f32
    %mul3A_309 = vector.broadcast %mul3A_308 : f32 to vector<1x2048xf32>
    %mul3A_310 = arith.mulf %mul3A_309, %add3A_307 : vector<1x2048xf32>
    %mul3A_311 = arith.mulf %slice3A_253, %slice3A_253 : vector<1x2048xf32>
    %mul3A_312 = arith.mulf %slice3A_254, %slice3A_254 : vector<1x2048xf32>
    %add3A_313 = arith.addf %mul3A_311, %mul3A_312 : vector<1x2048xf32>
    %mul3A_314 = arith.constant 2.000000e+00 : f32
    %mul3A_315 = vector.broadcast %mul3A_314 : f32 to vector<1x2048xf32>
    %mul3A_316 = arith.mulf %mul3A_315, %add3A_313 : vector<1x2048xf32>
    %sub3A_317 = arith.constant 1.000000e+00 : f32
    %sub3A_318 = vector.broadcast %sub3A_317 : f32 to vector<1x2048xf32>
    %sub3A_319 = arith.subf %sub3A_318, %mul3A_316 : vector<1x2048xf32>
    %slice3A_320 = vector.extract_strided_slice %get3A_236 {offsets = [8, 0], sizes = [3, 2048], strides = [1, 1]} : vector<16x2048xf32> to vector<3x2048xf32>
    %slice3A_321 = vector.extract_strided_slice %get3A_236 {offsets = [4, 0], sizes = [3, 2048], strides = [1, 1]} : vector<16x2048xf32> to vector<3x2048xf32>
    %add3A_322 = arith.addf %slice3A_320, %slice3A_321 : vector<3x2048xf32>
    %slice3A_323 = vector.extract_strided_slice %add3A_322 {offsets = [0, 0], sizes = [1, 2048], strides = [1, 1]} : vector<3x2048xf32> to vector<1x2048xf32>
    %slice3A_324 = vector.extract_strided_slice %add3A_322 {offsets = [1, 0], sizes = [1, 2048], strides = [1, 1]} : vector<3x2048xf32> to vector<1x2048xf32>
    %slice3A_325 = vector.extract_strided_slice %add3A_322 {offsets = [2, 0], sizes = [1, 2048], strides = [1, 1]} : vector<3x2048xf32> to vector<1x2048xf32>
    %mul3A_326 = arith.mulf %sub3A_265, %slice3A_323 : vector<1x2048xf32>
    %mul3A_327 = arith.mulf %mul3A_271, %slice3A_324 : vector<1x2048xf32>
    %add3A_328 = arith.addf %mul3A_326, %mul3A_327 : vector<1x2048xf32>
    %mul3A_329 = arith.mulf %mul3A_277, %slice3A_325 : vector<1x2048xf32>
    %add3A_330 = arith.addf %add3A_328, %mul3A_329 : vector<1x2048xf32>
    %mul3A_331 = arith.mulf %mul3A_283, %slice3A_323 : vector<1x2048xf32>
    %mul3A_332 = arith.mulf %sub3A_292, %slice3A_324 : vector<1x2048xf32>
    %add3A_333 = arith.addf %mul3A_331, %mul3A_332 : vector<1x2048xf32>
    %mul3A_334 = arith.mulf %mul3A_298, %slice3A_325 : vector<1x2048xf32>
    %add3A_335 = arith.addf %add3A_333, %mul3A_334 : vector<1x2048xf32>
    %mul3A_336 = arith.mulf %mul3A_304, %slice3A_323 : vector<1x2048xf32>
    %mul3A_337 = arith.mulf %mul3A_310, %slice3A_324 : vector<1x2048xf32>
    %add3A_338 = arith.addf %mul3A_336, %mul3A_337 : vector<1x2048xf32>
    %mul3A_339 = arith.mulf %sub3A_319, %slice3A_325 : vector<1x2048xf32>
    %add3A_340 = arith.addf %add3A_338, %mul3A_339 : vector<1x2048xf32>
    %mul3A_341 = arith.mulf %slice3A_323, %slice3A_323 : vector<1x2048xf32>
    %mul3A_342 = arith.mulf %slice3A_324, %slice3A_324 : vector<1x2048xf32>
    %add3A_343 = arith.addf %mul3A_341, %mul3A_342 : vector<1x2048xf32>
    %mul3A_344 = arith.mulf %slice3A_325, %slice3A_325 : vector<1x2048xf32>
    %add3A_345 = arith.addf %add3A_343, %mul3A_344 : vector<1x2048xf32>
    %broadcast_in_dim3A_346 = arith.constant 1.000000e+00 : f32
    %broadcast_in_dim3A_347 = vector.broadcast %broadcast_in_dim3A_346 : f32 to vector<1x2048xf32>
    %mul3A_348 = arith.constant 2.000000e+00 : f32
    %mul3A_349 = vector.broadcast %mul3A_348 : f32 to vector<1x2048xf32>
    %mul3A_350 = arith.mulf %mul3A_349, %add3A_330 : vector<1x2048xf32>
    %mul3A_351 = arith.constant 2.000000e+00 : f32
    %mul3A_352 = vector.broadcast %mul3A_351 : f32 to vector<1x2048xf32>
    %mul3A_353 = arith.mulf %mul3A_352, %add3A_335 : vector<1x2048xf32>
    %mul3A_354 = arith.constant 2.000000e+00 : f32
    %mul3A_355 = vector.broadcast %mul3A_354 : f32 to vector<1x2048xf32>
    %mul3A_356 = arith.mulf %mul3A_355, %add3A_340 : vector<1x2048xf32>
    %mul3A_357 = arith.constant -2.000000e+00 : f32
    %mul3A_358 = vector.broadcast %mul3A_357 : f32 to vector<1x2048xf32>
    %mul3A_359 = arith.mulf %mul3A_358, %slice3A_323 : vector<1x2048xf32>
    %mul3A_360 = arith.constant -2.000000e+00 : f32
    %mul3A_361 = vector.broadcast %mul3A_360 : f32 to vector<1x2048xf32>
    %mul3A_362 = arith.mulf %mul3A_361, %slice3A_324 : vector<1x2048xf32>
    %mul3A_363 = arith.constant -2.000000e+00 : f32
    %mul3A_364 = vector.broadcast %mul3A_363 : f32 to vector<1x2048xf32>
    %mul3A_365 = arith.mulf %mul3A_364, %slice3A_325 : vector<1x2048xf32>
    %mul3A_366 = arith.constant -2.000000e+00 : f32
    %mul3A_367 = vector.broadcast %mul3A_366 : f32 to vector<1x2048xf32>
    %mul3A_368 = arith.mulf %mul3A_367, %sub3A_265 : vector<1x2048xf32>
    %mul3A_369 = arith.constant -2.000000e+00 : f32
    %mul3A_370 = vector.broadcast %mul3A_369 : f32 to vector<1x2048xf32>
    %mul3A_371 = arith.mulf %mul3A_370, %mul3A_271 : vector<1x2048xf32>
    %mul3A_372 = arith.constant -2.000000e+00 : f32
    %mul3A_373 = vector.broadcast %mul3A_372 : f32 to vector<1x2048xf32>
    %mul3A_374 = arith.mulf %mul3A_373, %mul3A_277 : vector<1x2048xf32>
    %mul3A_375 = arith.constant -2.000000e+00 : f32
    %mul3A_376 = vector.broadcast %mul3A_375 : f32 to vector<1x2048xf32>
    %mul3A_377 = arith.mulf %mul3A_376, %mul3A_283 : vector<1x2048xf32>
    %mul3A_378 = arith.constant -2.000000e+00 : f32
    %mul3A_379 = vector.broadcast %mul3A_378 : f32 to vector<1x2048xf32>
    %mul3A_380 = arith.mulf %mul3A_379, %sub3A_292 : vector<1x2048xf32>
    %mul3A_381 = arith.constant -2.000000e+00 : f32
    %mul3A_382 = vector.broadcast %mul3A_381 : f32 to vector<1x2048xf32>
    %mul3A_383 = arith.mulf %mul3A_382, %mul3A_298 : vector<1x2048xf32>
    %mul3A_384 = arith.constant -2.000000e+00 : f32
    %mul3A_385 = vector.broadcast %mul3A_384 : f32 to vector<1x2048xf32>
    %mul3A_386 = arith.mulf %mul3A_385, %mul3A_304 : vector<1x2048xf32>
    %mul3A_387 = arith.constant -2.000000e+00 : f32
    %mul3A_388 = vector.broadcast %mul3A_387 : f32 to vector<1x2048xf32>
    %mul3A_389 = arith.mulf %mul3A_388, %mul3A_310 : vector<1x2048xf32>
    %mul3A_390 = arith.constant -2.000000e+00 : f32
    %mul3A_391 = vector.broadcast %mul3A_390 : f32 to vector<1x2048xf32>
    %mul3A_392 = arith.mulf %mul3A_391, %sub3A_319 : vector<1x2048xf32>
    %concatenate3A_393 = tpu.concatenate %broadcast_in_dim3A_347, %add3A_345, %mul3A_350, %mul3A_353, %mul3A_356, %mul3A_359, %mul3A_362, %mul3A_365, %mul3A_368, %mul3A_371, %mul3A_374, %mul3A_377, %mul3A_380, %mul3A_383, %mul3A_386, %mul3A_389, %mul3A_392 in 0 : vector<1x2048xf32>, vector<1x2048xf32>, vector<1x2048xf32>, vector<1x2048xf32>, vector<1x2048xf32>, vector<1x2048xf32>, vector<1x2048xf32>, vector<1x2048xf32>, vector<1x2048xf32>, vector<1x2048xf32>, vector<1x2048xf32>, vector<1x2048xf32>, vector<1x2048xf32>, vector<1x2048xf32>, vector<1x2048xf32>, vector<1x2048xf32>, vector<1x2048xf32> -> vector<17x2048xf32>
    %slice3A_394 = vector.extract_strided_slice %get3A_241 {offsets = [0, 0], sizes = [1, 1024], strides = [1, 1]} : vector<8x1024xf32> to vector<1x1024xf32>
    %slice3A_395 = vector.extract_strided_slice %get3A_241 {offsets = [1, 0], sizes = [1, 1024], strides = [1, 1]} : vector<8x1024xf32> to vector<1x1024xf32>
    %slice3A_396 = vector.extract_strided_slice %get3A_241 {offsets = [2, 0], sizes = [1, 1024], strides = [1, 1]} : vector<8x1024xf32> to vector<1x1024xf32>
    %slice3A_397 = vector.extract_strided_slice %get3A_241 {offsets = [3, 0], sizes = [1, 1024], strides = [1, 1]} : vector<8x1024xf32> to vector<1x1024xf32>
    %slice3A_398 = vector.extract_strided_slice %get3A_241 {offsets = [4, 0], sizes = [1, 1024], strides = [1, 1]} : vector<8x1024xf32> to vector<1x1024xf32>
    %slice3A_399 = vector.extract_strided_slice %get3A_241 {offsets = [5, 0], sizes = [1, 1024], strides = [1, 1]} : vector<8x1024xf32> to vector<1x1024xf32>
    %mul3A_400 = arith.mulf %slice3A_394, %slice3A_394 : vector<1x1024xf32>
    %mul3A_401 = arith.mulf %slice3A_395, %slice3A_395 : vector<1x1024xf32>
    %add3A_402 = arith.addf %mul3A_400, %mul3A_401 : vector<1x1024xf32>
    %mul3A_403 = arith.mulf %slice3A_396, %slice3A_396 : vector<1x1024xf32>
    %add3A_404 = arith.addf %add3A_402, %mul3A_403 : vector<1x1024xf32>
    %mul3A_405 = arith.mulf %slice3A_397, %slice3A_397 : vector<1x1024xf32>
    %add3A_406 = arith.addf %add3A_404, %mul3A_405 : vector<1x1024xf32>
    %mul3A_407 = arith.mulf %slice3A_398, %slice3A_398 : vector<1x1024xf32>
    %add3A_408 = arith.addf %add3A_406, %mul3A_407 : vector<1x1024xf32>
    %mul3A_409 = arith.mulf %slice3A_399, %slice3A_399 : vector<1x1024xf32>
    %add3A_410 = arith.addf %add3A_408, %mul3A_409 : vector<1x1024xf32>
    %broadcast_in_dim3A_411 = arith.constant 1.000000e+00 : f32
    %broadcast_in_dim3A_412 = vector.broadcast %broadcast_in_dim3A_411 : f32 to vector<1x1024xf32>
    %mul3A_413 = arith.mulf %slice3A_394, %slice3A_397 : vector<1x1024xf32>
    %mul3A_414 = arith.mulf %slice3A_394, %slice3A_398 : vector<1x1024xf32>
    %mul3A_415 = arith.mulf %slice3A_394, %slice3A_399 : vector<1x1024xf32>
    %mul3A_416 = arith.mulf %slice3A_395, %slice3A_397 : vector<1x1024xf32>
    %mul3A_417 = arith.mulf %slice3A_395, %slice3A_398 : vector<1x1024xf32>
    %mul3A_418 = arith.mulf %slice3A_395, %slice3A_399 : vector<1x1024xf32>
    %mul3A_419 = arith.mulf %slice3A_396, %slice3A_397 : vector<1x1024xf32>
    %mul3A_420 = arith.mulf %slice3A_396, %slice3A_398 : vector<1x1024xf32>
    %mul3A_421 = arith.mulf %slice3A_396, %slice3A_399 : vector<1x1024xf32>
    %concatenate3A_422 = tpu.concatenate %add3A_410, %broadcast_in_dim3A_412, %slice3A_394, %slice3A_395, %slice3A_396, %slice3A_397, %slice3A_398, %slice3A_399, %mul3A_413, %mul3A_414, %mul3A_415, %mul3A_416, %mul3A_417, %mul3A_418, %mul3A_419, %mul3A_420, %mul3A_421 in 0 : vector<1x1024xf32>, vector<1x1024xf32>, vector<1x1024xf32>, vector<1x1024xf32>, vector<1x1024xf32>, vector<1x1024xf32>, vector<1x1024xf32>, vector<1x1024xf32>, vector<1x1024xf32>, vector<1x1024xf32>, vector<1x1024xf32>, vector<1x1024xf32>, vector<1x1024xf32>, vector<1x1024xf32>, vector<1x1024xf32>, vector<1x1024xf32>, vector<1x1024xf32> -> vector<17x1024xf32>
    %convert_element_type3A_423 = arith.truncf %concatenate3A_422 : vector<17x1024xf32> to vector<17x1024xbf16>
    %convert_element_type3A_424 = arith.truncf %concatenate3A_393 : vector<17x2048xf32> to vector<17x2048xbf16>
    %dot_general3A_425 = arith.constant dense<0.000000e+00> : vector<1024x2048xf32>
    %dot_general3A_426 = tpu.matmul %convert_element_type3A_423, %convert_element_type3A_424, %dot_general3A_425 {dimension_numbers = #tpu.dot_dimension_numbers<[0], [0], [1], [1], [0, 1, 1, 1], [], []>, transpose_lhs_hint = false} : vector<17x1024xbf16>, vector<17x2048xbf16>, vector<1024x2048xf32> -> vector<1024x2048xf32>
    %max3A_427 = arith.constant 1.000000e-24 : f32
    %max3A_428 = vector.broadcast %max3A_427 : f32 to vector<1024x2048xf32>
    %max3A_429 = arith.maximumf %dot_general3A_426, %max3A_428 : vector<1024x2048xf32>
    %rsqrt3A_430 = math.rsqrt %max3A_429 : vector<1024x2048xf32>
    %mul3A_431 = arith.mulf %max3A_429, %rsqrt3A_430 : vector<1024x2048xf32>
    %reduce_sum3A_432 = arith.constant dense<0.000000e+00> : vector<2048xf32>
    %reduce_sum3A_433 = vector.multi_reduction <add>, %mul3A_431, %reduce_sum3A_432 [0] : vector<1024x2048xf32> to vector<2048xf32>
    %broadcast_in_dim3A_434 = vector.shape_cast %reduce_sum3A_433 : vector<2048xf32> to vector<1x2048xf32>
    %div3A_435 = arith.constant 1.024000e+03 : f32
    %div3A_436 = vector.broadcast %div3A_435 : f32 to vector<1x2048xf32>
    %div3A_437 = arith.divf %broadcast_in_dim3A_434, %div3A_436 : vector<1x2048xf32>
    %slice3A_438 = vector.extract_strided_slice %get3A_236 {offsets = [11, 0], sizes = [1, 2048], strides = [1, 1]} : vector<16x2048xf32> to vector<1x2048xf32>
    %max3A_439 = arith.constant 9.99999997E-7 : f32
    %max3A_440 = vector.broadcast %max3A_439 : f32 to vector<1x2048xf32>
    %max3A_441 = arith.maximumf %slice3A_438, %max3A_440 : vector<1x2048xf32>
    %mul3A_442 = arith.mulf %div3A_437, %max3A_441 : vector<1x2048xf32>
    %log3A_443 = math.log %max3A_441 : vector<1x2048xf32>
    %mul3A_444 = vector.broadcast %get3A_2 : f32 to vector<1x2048xf32>
    %mul3A_445 = arith.mulf %mul3A_444, %log3A_443 : vector<1x2048xf32>
    %sub3A_446 = arith.subf %mul3A_442, %mul3A_445 : vector<1x2048xf32>
    %reduce_sum3A_447 = vector.shape_cast %sub3A_446 : vector<1x2048xf32> to vector<1x1x2048xf32>
    %reduce_sum3A_448 = arith.constant dense<0.000000e+00> : vector<1xf32>
    %reduce_sum3A_449 = vector.multi_reduction <add>, %reduce_sum3A_447, %reduce_sum3A_448 [1, 2] : vector<1x1x2048xf32> to vector<1xf32>
    %reduce_sum3A_450 = vector.shape_cast %reduce_sum3A_449 : vector<1xf32> to vector<1x1x1xf32>
    %reduce_sum3A_451 = vector.extract %reduce_sum3A_450[0, 0, 0] : f32 from vector<1x1x1xf32>
    %broadcast_in_dim3A_452 = vector.broadcast %reduce_sum3A_451 : f32 to vector<1x1xf32>
    %iota3A_453 = tpu.iota {dimensions = array<i32: 1>} : vector<1x2048xi32>
    %reduce_max3A_454 = vector.shape_cast %max3A_441 : vector<1x2048xf32> to vector<1x1x2048xf32>
    %reduce_max3A_455 = arith.constant dense<0xFF800000> : vector<1xf32>
    %reduce_max3A_456 = vector.multi_reduction <maximumf>, %reduce_max3A_454, %reduce_max3A_455 [1, 2] : vector<1x1x2048xf32> to vector<1xf32>
    %reduce_max3A_457 = vector.shape_cast %reduce_max3A_456 : vector<1xf32> to vector<1x1x1xf32>
    %reduce_max3A_458 = vector.extract %reduce_max3A_457[0, 0, 0] : f32 from vector<1x1x1xf32>
    %eq3A_459 = vector.broadcast %reduce_max3A_458 : f32 to vector<1x2048xf32>
    %eq3A_460 = arith.cmpf oeq, %max3A_441, %eq3A_459 : vector<1x2048xf32>
    %jit3A_461 = arith.constant 2048 : i32
    %broadcast_in_dim3A_462 = vector.broadcast %jit3A_461 : i32 to vector<1x2048xi32>
    %select_n3A_463 = arith.select %eq3A_460, %iota3A_453, %broadcast_in_dim3A_462 : vector<1x2048xi1>, vector<1x2048xi32>
    %reduce_min3A_464 = vector.shape_cast %select_n3A_463 : vector<1x2048xi32> to vector<1x1x2048xi32>
    %reduce_min3A_465 = arith.constant dense<2147483647> : vector<1xi32>
    %reduce_min3A_466 = vector.multi_reduction <minsi>, %reduce_min3A_464, %reduce_min3A_465 [1, 2] : vector<1x1x2048xi32> to vector<1xi32>
    %reduce_min3A_467 = vector.shape_cast %reduce_min3A_466 : vector<1xi32> to vector<1x1x1xi32>
    %reduce_min3A_468 = vector.extract %reduce_min3A_467[0, 0, 0] : i32 from vector<1x1x1xi32>
    %eq3A_469 = vector.broadcast %reduce_min3A_468 : i32 to vector<1x2048xi32>
    %eq3A_470 = arith.cmpi eq, %iota3A_453, %eq3A_469 : vector<1x2048xi32>
    %convert_element_type3A_471 = arith.extui %eq3A_470 : vector<1x2048xi1> to vector<1x2048xi32>
    %convert_element_type3A_472 = arith.sitofp %convert_element_type3A_471 : vector<1x2048xi32> to vector<1x2048xf32>
    %mul3A_473 = arith.mulf %div3A_437, %convert_element_type3A_472 : vector<1x2048xf32>
    %reduce_sum3A_474 = vector.shape_cast %mul3A_473 : vector<1x2048xf32> to vector<1x1x2048xf32>
    %reduce_sum3A_475 = arith.constant dense<0.000000e+00> : vector<1xf32>
    %reduce_sum3A_476 = vector.multi_reduction <add>, %reduce_sum3A_474, %reduce_sum3A_475 [1, 2] : vector<1x1x2048xf32> to vector<1xf32>
    %reduce_sum3A_477 = vector.shape_cast %reduce_sum3A_476 : vector<1xf32> to vector<1x1x1xf32>
    %reduce_sum3A_478 = vector.extract %reduce_sum3A_477[0, 0, 0] : f32 from vector<1x1x1xf32>
    %broadcast_in_dim3A_479 = vector.broadcast %reduce_sum3A_478 : f32 to vector<1x1xf32>
    %add3A_480 = arith.addf %broadcast_in_dim3A_210, %broadcast_in_dim3A_452 : vector<1x1xf32>
    %add3A_481 = arith.addf %broadcast_in_dim3A_231, %broadcast_in_dim3A_479 : vector<1x1xf32>
    %get3A_482 = arith.constant 2 : index
    %get3A_483 = arith.constant 0 : index
    %get3A_484 = arith.constant 0 : index
    %get3A_485 = vector.load %arg2[%get3A_482, %get3A_483, %get3A_484] : memref<4x16x2048xf32, #tpu.memory_space<vmem>>, vector<1x16x2048xf32>
    %get3A_486 = vector.shape_cast %get3A_485 : vector<1x16x2048xf32> to vector<16x2048xf32>
    %get3A_487 = arith.constant 2 : index
    %get3A_488 = arith.constant 0 : index
    %get3A_489 = arith.constant 0 : index
    %get3A_490 = vector.load %arg3[%get3A_487, %get3A_488, %get3A_489] : memref<4x8x1024xf32, #tpu.memory_space<vmem>>, vector<1x8x1024xf32>
    %get3A_491 = vector.shape_cast %get3A_490 : vector<1x8x1024xf32> to vector<8x1024xf32>
    %slice3A_492 = vector.extract_strided_slice %get3A_486 {offsets = [0, 0], sizes = [4, 2048], strides = [1, 1]} : vector<16x2048xf32> to vector<4x2048xf32>
    %mul3A_493 = arith.mulf %slice3A_492, %slice3A_492 : vector<4x2048xf32>
    %reduce_sum3A_494 = arith.constant dense<0.000000e+00> : vector<2048xf32>
    %reduce_sum3A_495 = vector.multi_reduction <add>, %mul3A_493, %reduce_sum3A_494 [0] : vector<4x2048xf32> to vector<2048xf32>
    %broadcast_in_dim3A_496 = vector.shape_cast %reduce_sum3A_495 : vector<2048xf32> to vector<1x2048xf32>
    %add3A_497 = arith.constant 1.000000e-30 : f32
    %add3A_498 = vector.broadcast %add3A_497 : f32 to vector<1x2048xf32>
    %add3A_499 = arith.addf %broadcast_in_dim3A_496, %add3A_498 : vector<1x2048xf32>
    %rsqrt3A_500 = math.rsqrt %add3A_499 : vector<1x2048xf32>
    %mul3A_501 = vector.broadcast %rsqrt3A_500 : vector<1x2048xf32> to vector<4x2048xf32>
    %mul3A_502 = arith.mulf %slice3A_492, %mul3A_501 : vector<4x2048xf32>
    %slice3A_503 = vector.extract_strided_slice %mul3A_502 {offsets = [0, 0], sizes = [1, 2048], strides = [1, 1]} : vector<4x2048xf32> to vector<1x2048xf32>
    %slice3A_504 = vector.extract_strided_slice %mul3A_502 {offsets = [1, 0], sizes = [1, 2048], strides = [1, 1]} : vector<4x2048xf32> to vector<1x2048xf32>
    %slice3A_505 = vector.extract_strided_slice %mul3A_502 {offsets = [2, 0], sizes = [1, 2048], strides = [1, 1]} : vector<4x2048xf32> to vector<1x2048xf32>
    %slice3A_506 = vector.extract_strided_slice %mul3A_502 {offsets = [3, 0], sizes = [1, 2048], strides = [1, 1]} : vector<4x2048xf32> to vector<1x2048xf32>
    %mul3A_507 = arith.mulf %slice3A_504, %slice3A_504 : vector<1x2048xf32>
    %mul3A_508 = arith.mulf %slice3A_505, %slice3A_505 : vector<1x2048xf32>
    %add3A_509 = arith.addf %mul3A_507, %mul3A_508 : vector<1x2048xf32>
    %mul3A_510 = arith.constant 2.000000e+00 : f32
    %mul3A_511 = vector.broadcast %mul3A_510 : f32 to vector<1x2048xf32>
    %mul3A_512 = arith.mulf %mul3A_511, %add3A_509 : vector<1x2048xf32>
    %sub3A_513 = arith.constant 1.000000e+00 : f32
    %sub3A_514 = vector.broadcast %sub3A_513 : f32 to vector<1x2048xf32>
    %sub3A_515 = arith.subf %sub3A_514, %mul3A_512 : vector<1x2048xf32>
    %mul3A_516 = arith.mulf %slice3A_503, %slice3A_504 : vector<1x2048xf32>
    %mul3A_517 = arith.mulf %slice3A_505, %slice3A_506 : vector<1x2048xf32>
    %sub3A_518 = arith.subf %mul3A_516, %mul3A_517 : vector<1x2048xf32>
    %mul3A_519 = arith.constant 2.000000e+00 : f32
    %mul3A_520 = vector.broadcast %mul3A_519 : f32 to vector<1x2048xf32>
    %mul3A_521 = arith.mulf %mul3A_520, %sub3A_518 : vector<1x2048xf32>
    %mul3A_522 = arith.mulf %slice3A_503, %slice3A_505 : vector<1x2048xf32>
    %mul3A_523 = arith.mulf %slice3A_504, %slice3A_506 : vector<1x2048xf32>
    %add3A_524 = arith.addf %mul3A_522, %mul3A_523 : vector<1x2048xf32>
    %mul3A_525 = arith.constant 2.000000e+00 : f32
    %mul3A_526 = vector.broadcast %mul3A_525 : f32 to vector<1x2048xf32>
    %mul3A_527 = arith.mulf %mul3A_526, %add3A_524 : vector<1x2048xf32>
    %mul3A_528 = arith.mulf %slice3A_503, %slice3A_504 : vector<1x2048xf32>
    %mul3A_529 = arith.mulf %slice3A_505, %slice3A_506 : vector<1x2048xf32>
    %add3A_530 = arith.addf %mul3A_528, %mul3A_529 : vector<1x2048xf32>
    %mul3A_531 = arith.constant 2.000000e+00 : f32
    %mul3A_532 = vector.broadcast %mul3A_531 : f32 to vector<1x2048xf32>
    %mul3A_533 = arith.mulf %mul3A_532, %add3A_530 : vector<1x2048xf32>
    %mul3A_534 = arith.mulf %slice3A_503, %slice3A_503 : vector<1x2048xf32>
    %mul3A_535 = arith.mulf %slice3A_505, %slice3A_505 : vector<1x2048xf32>
    %add3A_536 = arith.addf %mul3A_534, %mul3A_535 : vector<1x2048xf32>
    %mul3A_537 = arith.constant 2.000000e+00 : f32
    %mul3A_538 = vector.broadcast %mul3A_537 : f32 to vector<1x2048xf32>
    %mul3A_539 = arith.mulf %mul3A_538, %add3A_536 : vector<1x2048xf32>
    %sub3A_540 = arith.constant 1.000000e+00 : f32
    %sub3A_541 = vector.broadcast %sub3A_540 : f32 to vector<1x2048xf32>
    %sub3A_542 = arith.subf %sub3A_541, %mul3A_539 : vector<1x2048xf32>
    %mul3A_543 = arith.mulf %slice3A_504, %slice3A_505 : vector<1x2048xf32>
    %mul3A_544 = arith.mulf %slice3A_503, %slice3A_506 : vector<1x2048xf32>
    %sub3A_545 = arith.subf %mul3A_543, %mul3A_544 : vector<1x2048xf32>
    %mul3A_546 = arith.constant 2.000000e+00 : f32
    %mul3A_547 = vector.broadcast %mul3A_546 : f32 to vector<1x2048xf32>
    %mul3A_548 = arith.mulf %mul3A_547, %sub3A_545 : vector<1x2048xf32>
    %mul3A_549 = arith.mulf %slice3A_503, %slice3A_505 : vector<1x2048xf32>
    %mul3A_550 = arith.mulf %slice3A_504, %slice3A_506 : vector<1x2048xf32>
    %sub3A_551 = arith.subf %mul3A_549, %mul3A_550 : vector<1x2048xf32>
    %mul3A_552 = arith.constant 2.000000e+00 : f32
    %mul3A_553 = vector.broadcast %mul3A_552 : f32 to vector<1x2048xf32>
    %mul3A_554 = arith.mulf %mul3A_553, %sub3A_551 : vector<1x2048xf32>
    %mul3A_555 = arith.mulf %slice3A_504, %slice3A_505 : vector<1x2048xf32>
    %mul3A_556 = arith.mulf %slice3A_503, %slice3A_506 : vector<1x2048xf32>
    %add3A_557 = arith.addf %mul3A_555, %mul3A_556 : vector<1x2048xf32>
    %mul3A_558 = arith.constant 2.000000e+00 : f32
    %mul3A_559 = vector.broadcast %mul3A_558 : f32 to vector<1x2048xf32>
    %mul3A_560 = arith.mulf %mul3A_559, %add3A_557 : vector<1x2048xf32>
    %mul3A_561 = arith.mulf %slice3A_503, %slice3A_503 : vector<1x2048xf32>
    %mul3A_562 = arith.mulf %slice3A_504, %slice3A_504 : vector<1x2048xf32>
    %add3A_563 = arith.addf %mul3A_561, %mul3A_562 : vector<1x2048xf32>
    %mul3A_564 = arith.constant 2.000000e+00 : f32
    %mul3A_565 = vector.broadcast %mul3A_564 : f32 to vector<1x2048xf32>
    %mul3A_566 = arith.mulf %mul3A_565, %add3A_563 : vector<1x2048xf32>
    %sub3A_567 = arith.constant 1.000000e+00 : f32
    %sub3A_568 = vector.broadcast %sub3A_567 : f32 to vector<1x2048xf32>
    %sub3A_569 = arith.subf %sub3A_568, %mul3A_566 : vector<1x2048xf32>
    %slice3A_570 = vector.extract_strided_slice %get3A_486 {offsets = [8, 0], sizes = [3, 2048], strides = [1, 1]} : vector<16x2048xf32> to vector<3x2048xf32>
    %slice3A_571 = vector.extract_strided_slice %get3A_486 {offsets = [4, 0], sizes = [3, 2048], strides = [1, 1]} : vector<16x2048xf32> to vector<3x2048xf32>
    %add3A_572 = arith.addf %slice3A_570, %slice3A_571 : vector<3x2048xf32>
    %slice3A_573 = vector.extract_strided_slice %add3A_572 {offsets = [0, 0], sizes = [1, 2048], strides = [1, 1]} : vector<3x2048xf32> to vector<1x2048xf32>
    %slice3A_574 = vector.extract_strided_slice %add3A_572 {offsets = [1, 0], sizes = [1, 2048], strides = [1, 1]} : vector<3x2048xf32> to vector<1x2048xf32>
    %slice3A_575 = vector.extract_strided_slice %add3A_572 {offsets = [2, 0], sizes = [1, 2048], strides = [1, 1]} : vector<3x2048xf32> to vector<1x2048xf32>
    %mul3A_576 = arith.mulf %sub3A_515, %slice3A_573 : vector<1x2048xf32>
    %mul3A_577 = arith.mulf %mul3A_521, %slice3A_574 : vector<1x2048xf32>
    %add3A_578 = arith.addf %mul3A_576, %mul3A_577 : vector<1x2048xf32>
    %mul3A_579 = arith.mulf %mul3A_527, %slice3A_575 : vector<1x2048xf32>
    %add3A_580 = arith.addf %add3A_578, %mul3A_579 : vector<1x2048xf32>
    %mul3A_581 = arith.mulf %mul3A_533, %slice3A_573 : vector<1x2048xf32>
    %mul3A_582 = arith.mulf %sub3A_542, %slice3A_574 : vector<1x2048xf32>
    %add3A_583 = arith.addf %mul3A_581, %mul3A_582 : vector<1x2048xf32>
    %mul3A_584 = arith.mulf %mul3A_548, %slice3A_575 : vector<1x2048xf32>
    %add3A_585 = arith.addf %add3A_583, %mul3A_584 : vector<1x2048xf32>
    %mul3A_586 = arith.mulf %mul3A_554, %slice3A_573 : vector<1x2048xf32>
    %mul3A_587 = arith.mulf %mul3A_560, %slice3A_574 : vector<1x2048xf32>
    %add3A_588 = arith.addf %mul3A_586, %mul3A_587 : vector<1x2048xf32>
    %mul3A_589 = arith.mulf %sub3A_569, %slice3A_575 : vector<1x2048xf32>
    %add3A_590 = arith.addf %add3A_588, %mul3A_589 : vector<1x2048xf32>
    %mul3A_591 = arith.mulf %slice3A_573, %slice3A_573 : vector<1x2048xf32>
    %mul3A_592 = arith.mulf %slice3A_574, %slice3A_574 : vector<1x2048xf32>
    %add3A_593 = arith.addf %mul3A_591, %mul3A_592 : vector<1x2048xf32>
    %mul3A_594 = arith.mulf %slice3A_575, %slice3A_575 : vector<1x2048xf32>
    %add3A_595 = arith.addf %add3A_593, %mul3A_594 : vector<1x2048xf32>
    %broadcast_in_dim3A_596 = arith.constant 1.000000e+00 : f32
    %broadcast_in_dim3A_597 = vector.broadcast %broadcast_in_dim3A_596 : f32 to vector<1x2048xf32>
    %mul3A_598 = arith.constant 2.000000e+00 : f32
    %mul3A_599 = vector.broadcast %mul3A_598 : f32 to vector<1x2048xf32>
    %mul3A_600 = arith.mulf %mul3A_599, %add3A_580 : vector<1x2048xf32>
    %mul3A_601 = arith.constant 2.000000e+00 : f32
    %mul3A_602 = vector.broadcast %mul3A_601 : f32 to vector<1x2048xf32>
    %mul3A_603 = arith.mulf %mul3A_602, %add3A_585 : vector<1x2048xf32>
    %mul3A_604 = arith.constant 2.000000e+00 : f32
    %mul3A_605 = vector.broadcast %mul3A_604 : f32 to vector<1x2048xf32>
    %mul3A_606 = arith.mulf %mul3A_605, %add3A_590 : vector<1x2048xf32>
    %mul3A_607 = arith.constant -2.000000e+00 : f32
    %mul3A_608 = vector.broadcast %mul3A_607 : f32 to vector<1x2048xf32>
    %mul3A_609 = arith.mulf %mul3A_608, %slice3A_573 : vector<1x2048xf32>
    %mul3A_610 = arith.constant -2.000000e+00 : f32
    %mul3A_611 = vector.broadcast %mul3A_610 : f32 to vector<1x2048xf32>
    %mul3A_612 = arith.mulf %mul3A_611, %slice3A_574 : vector<1x2048xf32>
    %mul3A_613 = arith.constant -2.000000e+00 : f32
    %mul3A_614 = vector.broadcast %mul3A_613 : f32 to vector<1x2048xf32>
    %mul3A_615 = arith.mulf %mul3A_614, %slice3A_575 : vector<1x2048xf32>
    %mul3A_616 = arith.constant -2.000000e+00 : f32
    %mul3A_617 = vector.broadcast %mul3A_616 : f32 to vector<1x2048xf32>
    %mul3A_618 = arith.mulf %mul3A_617, %sub3A_515 : vector<1x2048xf32>
    %mul3A_619 = arith.constant -2.000000e+00 : f32
    %mul3A_620 = vector.broadcast %mul3A_619 : f32 to vector<1x2048xf32>
    %mul3A_621 = arith.mulf %mul3A_620, %mul3A_521 : vector<1x2048xf32>
    %mul3A_622 = arith.constant -2.000000e+00 : f32
    %mul3A_623 = vector.broadcast %mul3A_622 : f32 to vector<1x2048xf32>
    %mul3A_624 = arith.mulf %mul3A_623, %mul3A_527 : vector<1x2048xf32>
    %mul3A_625 = arith.constant -2.000000e+00 : f32
    %mul3A_626 = vector.broadcast %mul3A_625 : f32 to vector<1x2048xf32>
    %mul3A_627 = arith.mulf %mul3A_626, %mul3A_533 : vector<1x2048xf32>
    %mul3A_628 = arith.constant -2.000000e+00 : f32
    %mul3A_629 = vector.broadcast %mul3A_628 : f32 to vector<1x2048xf32>
    %mul3A_630 = arith.mulf %mul3A_629, %sub3A_542 : vector<1x2048xf32>
    %mul3A_631 = arith.constant -2.000000e+00 : f32
    %mul3A_632 = vector.broadcast %mul3A_631 : f32 to vector<1x2048xf32>
    %mul3A_633 = arith.mulf %mul3A_632, %mul3A_548 : vector<1x2048xf32>
    %mul3A_634 = arith.constant -2.000000e+00 : f32
    %mul3A_635 = vector.broadcast %mul3A_634 : f32 to vector<1x2048xf32>
    %mul3A_636 = arith.mulf %mul3A_635, %mul3A_554 : vector<1x2048xf32>
    %mul3A_637 = arith.constant -2.000000e+00 : f32
    %mul3A_638 = vector.broadcast %mul3A_637 : f32 to vector<1x2048xf32>
    %mul3A_639 = arith.mulf %mul3A_638, %mul3A_560 : vector<1x2048xf32>
    %mul3A_640 = arith.constant -2.000000e+00 : f32
    %mul3A_641 = vector.broadcast %mul3A_640 : f32 to vector<1x2048xf32>
    %mul3A_642 = arith.mulf %mul3A_641, %sub3A_569 : vector<1x2048xf32>
    %concatenate3A_643 = tpu.concatenate %broadcast_in_dim3A_597, %add3A_595, %mul3A_600, %mul3A_603, %mul3A_606, %mul3A_609, %mul3A_612, %mul3A_615, %mul3A_618, %mul3A_621, %mul3A_624, %mul3A_627, %mul3A_630, %mul3A_633, %mul3A_636, %mul3A_639, %mul3A_642 in 0 : vector<1x2048xf32>, vector<1x2048xf32>, vector<1x2048xf32>, vector<1x2048xf32>, vector<1x2048xf32>, vector<1x2048xf32>, vector<1x2048xf32>, vector<1x2048xf32>, vector<1x2048xf32>, vector<1x2048xf32>, vector<1x2048xf32>, vector<1x2048xf32>, vector<1x2048xf32>, vector<1x2048xf32>, vector<1x2048xf32>, vector<1x2048xf32>, vector<1x2048xf32> -> vector<17x2048xf32>
    %slice3A_644 = vector.extract_strided_slice %get3A_491 {offsets = [0, 0], sizes = [1, 1024], strides = [1, 1]} : vector<8x1024xf32> to vector<1x1024xf32>
    %slice3A_645 = vector.extract_strided_slice %get3A_491 {offsets = [1, 0], sizes = [1, 1024], strides = [1, 1]} : vector<8x1024xf32> to vector<1x1024xf32>
    %slice3A_646 = vector.extract_strided_slice %get3A_491 {offsets = [2, 0], sizes = [1, 1024], strides = [1, 1]} : vector<8x1024xf32> to vector<1x1024xf32>
    %slice3A_647 = vector.extract_strided_slice %get3A_491 {offsets = [3, 0], sizes = [1, 1024], strides = [1, 1]} : vector<8x1024xf32> to vector<1x1024xf32>
    %slice3A_648 = vector.extract_strided_slice %get3A_491 {offsets = [4, 0], sizes = [1, 1024], strides = [1, 1]} : vector<8x1024xf32> to vector<1x1024xf32>
    %slice3A_649 = vector.extract_strided_slice %get3A_491 {offsets = [5, 0], sizes = [1, 1024], strides = [1, 1]} : vector<8x1024xf32> to vector<1x1024xf32>
    %mul3A_650 = arith.mulf %slice3A_644, %slice3A_644 : vector<1x1024xf32>
    %mul3A_651 = arith.mulf %slice3A_645, %slice3A_645 : vector<1x1024xf32>
    %add3A_652 = arith.addf %mul3A_650, %mul3A_651 : vector<1x1024xf32>
    %mul3A_653 = arith.mulf %slice3A_646, %slice3A_646 : vector<1x1024xf32>
    %add3A_654 = arith.addf %add3A_652, %mul3A_653 : vector<1x1024xf32>
    %mul3A_655 = arith.mulf %slice3A_647, %slice3A_647 : vector<1x1024xf32>
    %add3A_656 = arith.addf %add3A_654, %mul3A_655 : vector<1x1024xf32>
    %mul3A_657 = arith.mulf %slice3A_648, %slice3A_648 : vector<1x1024xf32>
    %add3A_658 = arith.addf %add3A_656, %mul3A_657 : vector<1x1024xf32>
    %mul3A_659 = arith.mulf %slice3A_649, %slice3A_649 : vector<1x1024xf32>
    %add3A_660 = arith.addf %add3A_658, %mul3A_659 : vector<1x1024xf32>
    %broadcast_in_dim3A_661 = arith.constant 1.000000e+00 : f32
    %broadcast_in_dim3A_662 = vector.broadcast %broadcast_in_dim3A_661 : f32 to vector<1x1024xf32>
    %mul3A_663 = arith.mulf %slice3A_644, %slice3A_647 : vector<1x1024xf32>
    %mul3A_664 = arith.mulf %slice3A_644, %slice3A_648 : vector<1x1024xf32>
    %mul3A_665 = arith.mulf %slice3A_644, %slice3A_649 : vector<1x1024xf32>
    %mul3A_666 = arith.mulf %slice3A_645, %slice3A_647 : vector<1x1024xf32>
    %mul3A_667 = arith.mulf %slice3A_645, %slice3A_648 : vector<1x1024xf32>
    %mul3A_668 = arith.mulf %slice3A_645, %slice3A_649 : vector<1x1024xf32>
    %mul3A_669 = arith.mulf %slice3A_646, %slice3A_647 : vector<1x1024xf32>
    %mul3A_670 = arith.mulf %slice3A_646, %slice3A_648 : vector<1x1024xf32>
    %mul3A_671 = arith.mulf %slice3A_646, %slice3A_649 : vector<1x1024xf32>
    %concatenate3A_672 = tpu.concatenate %add3A_660, %broadcast_in_dim3A_662, %slice3A_644, %slice3A_645, %slice3A_646, %slice3A_647, %slice3A_648, %slice3A_649, %mul3A_663, %mul3A_664, %mul3A_665, %mul3A_666, %mul3A_667, %mul3A_668, %mul3A_669, %mul3A_670, %mul3A_671 in 0 : vector<1x1024xf32>, vector<1x1024xf32>, vector<1x1024xf32>, vector<1x1024xf32>, vector<1x1024xf32>, vector<1x1024xf32>, vector<1x1024xf32>, vector<1x1024xf32>, vector<1x1024xf32>, vector<1x1024xf32>, vector<1x1024xf32>, vector<1x1024xf32>, vector<1x1024xf32>, vector<1x1024xf32>, vector<1x1024xf32>, vector<1x1024xf32>, vector<1x1024xf32> -> vector<17x1024xf32>
    %convert_element_type3A_673 = arith.truncf %concatenate3A_672 : vector<17x1024xf32> to vector<17x1024xbf16>
    %convert_element_type3A_674 = arith.truncf %concatenate3A_643 : vector<17x2048xf32> to vector<17x2048xbf16>
    %dot_general3A_675 = arith.constant dense<0.000000e+00> : vector<1024x2048xf32>
    %dot_general3A_676 = tpu.matmul %convert_element_type3A_673, %convert_element_type3A_674, %dot_general3A_675 {dimension_numbers = #tpu.dot_dimension_numbers<[0], [0], [1], [1], [0, 1, 1, 1], [], []>, transpose_lhs_hint = false} : vector<17x1024xbf16>, vector<17x2048xbf16>, vector<1024x2048xf32> -> vector<1024x2048xf32>
    %max3A_677 = arith.constant 1.000000e-24 : f32
    %max3A_678 = vector.broadcast %max3A_677 : f32 to vector<1024x2048xf32>
    %max3A_679 = arith.maximumf %dot_general3A_676, %max3A_678 : vector<1024x2048xf32>
    %rsqrt3A_680 = math.rsqrt %max3A_679 : vector<1024x2048xf32>
    %mul3A_681 = arith.mulf %max3A_679, %rsqrt3A_680 : vector<1024x2048xf32>
    %reduce_sum3A_682 = arith.constant dense<0.000000e+00> : vector<2048xf32>
    %reduce_sum3A_683 = vector.multi_reduction <add>, %mul3A_681, %reduce_sum3A_682 [0] : vector<1024x2048xf32> to vector<2048xf32>
    %broadcast_in_dim3A_684 = vector.shape_cast %reduce_sum3A_683 : vector<2048xf32> to vector<1x2048xf32>
    %div3A_685 = arith.constant 1.024000e+03 : f32
    %div3A_686 = vector.broadcast %div3A_685 : f32 to vector<1x2048xf32>
    %div3A_687 = arith.divf %broadcast_in_dim3A_684, %div3A_686 : vector<1x2048xf32>
    %slice3A_688 = vector.extract_strided_slice %get3A_486 {offsets = [11, 0], sizes = [1, 2048], strides = [1, 1]} : vector<16x2048xf32> to vector<1x2048xf32>
    %max3A_689 = arith.constant 9.99999997E-7 : f32
    %max3A_690 = vector.broadcast %max3A_689 : f32 to vector<1x2048xf32>
    %max3A_691 = arith.maximumf %slice3A_688, %max3A_690 : vector<1x2048xf32>
    %mul3A_692 = arith.mulf %div3A_687, %max3A_691 : vector<1x2048xf32>
    %log3A_693 = math.log %max3A_691 : vector<1x2048xf32>
    %mul3A_694 = vector.broadcast %get3A_2 : f32 to vector<1x2048xf32>
    %mul3A_695 = arith.mulf %mul3A_694, %log3A_693 : vector<1x2048xf32>
    %sub3A_696 = arith.subf %mul3A_692, %mul3A_695 : vector<1x2048xf32>
    %reduce_sum3A_697 = vector.shape_cast %sub3A_696 : vector<1x2048xf32> to vector<1x1x2048xf32>
    %reduce_sum3A_698 = arith.constant dense<0.000000e+00> : vector<1xf32>
    %reduce_sum3A_699 = vector.multi_reduction <add>, %reduce_sum3A_697, %reduce_sum3A_698 [1, 2] : vector<1x1x2048xf32> to vector<1xf32>
    %reduce_sum3A_700 = vector.shape_cast %reduce_sum3A_699 : vector<1xf32> to vector<1x1x1xf32>
    %reduce_sum3A_701 = vector.extract %reduce_sum3A_700[0, 0, 0] : f32 from vector<1x1x1xf32>
    %broadcast_in_dim3A_702 = vector.broadcast %reduce_sum3A_701 : f32 to vector<1x1xf32>
    %iota3A_703 = tpu.iota {dimensions = array<i32: 1>} : vector<1x2048xi32>
    %reduce_max3A_704 = vector.shape_cast %max3A_691 : vector<1x2048xf32> to vector<1x1x2048xf32>
    %reduce_max3A_705 = arith.constant dense<0xFF800000> : vector<1xf32>
    %reduce_max3A_706 = vector.multi_reduction <maximumf>, %reduce_max3A_704, %reduce_max3A_705 [1, 2] : vector<1x1x2048xf32> to vector<1xf32>
    %reduce_max3A_707 = vector.shape_cast %reduce_max3A_706 : vector<1xf32> to vector<1x1x1xf32>
    %reduce_max3A_708 = vector.extract %reduce_max3A_707[0, 0, 0] : f32 from vector<1x1x1xf32>
    %eq3A_709 = vector.broadcast %reduce_max3A_708 : f32 to vector<1x2048xf32>
    %eq3A_710 = arith.cmpf oeq, %max3A_691, %eq3A_709 : vector<1x2048xf32>
    %jit3A_711 = arith.constant 2048 : i32
    %broadcast_in_dim3A_712 = vector.broadcast %jit3A_711 : i32 to vector<1x2048xi32>
    %select_n3A_713 = arith.select %eq3A_710, %iota3A_703, %broadcast_in_dim3A_712 : vector<1x2048xi1>, vector<1x2048xi32>
    %reduce_min3A_714 = vector.shape_cast %select_n3A_713 : vector<1x2048xi32> to vector<1x1x2048xi32>
    %reduce_min3A_715 = arith.constant dense<2147483647> : vector<1xi32>
    %reduce_min3A_716 = vector.multi_reduction <minsi>, %reduce_min3A_714, %reduce_min3A_715 [1, 2] : vector<1x1x2048xi32> to vector<1xi32>
    %reduce_min3A_717 = vector.shape_cast %reduce_min3A_716 : vector<1xi32> to vector<1x1x1xi32>
    %reduce_min3A_718 = vector.extract %reduce_min3A_717[0, 0, 0] : i32 from vector<1x1x1xi32>
    %eq3A_719 = vector.broadcast %reduce_min3A_718 : i32 to vector<1x2048xi32>
    %eq3A_720 = arith.cmpi eq, %iota3A_703, %eq3A_719 : vector<1x2048xi32>
    %convert_element_type3A_721 = arith.extui %eq3A_720 : vector<1x2048xi1> to vector<1x2048xi32>
    %convert_element_type3A_722 = arith.sitofp %convert_element_type3A_721 : vector<1x2048xi32> to vector<1x2048xf32>
    %mul3A_723 = arith.mulf %div3A_687, %convert_element_type3A_722 : vector<1x2048xf32>
    %reduce_sum3A_724 = vector.shape_cast %mul3A_723 : vector<1x2048xf32> to vector<1x1x2048xf32>
    %reduce_sum3A_725 = arith.constant dense<0.000000e+00> : vector<1xf32>
    %reduce_sum3A_726 = vector.multi_reduction <add>, %reduce_sum3A_724, %reduce_sum3A_725 [1, 2] : vector<1x1x2048xf32> to vector<1xf32>
    %reduce_sum3A_727 = vector.shape_cast %reduce_sum3A_726 : vector<1xf32> to vector<1x1x1xf32>
    %reduce_sum3A_728 = vector.extract %reduce_sum3A_727[0, 0, 0] : f32 from vector<1x1x1xf32>
    %broadcast_in_dim3A_729 = vector.broadcast %reduce_sum3A_728 : f32 to vector<1x1xf32>
    %add3A_730 = arith.addf %add3A_480, %broadcast_in_dim3A_702 : vector<1x1xf32>
    %add3A_731 = arith.addf %add3A_481, %broadcast_in_dim3A_729 : vector<1x1xf32>
    %get3A_732 = arith.constant 3 : index
    %get3A_733 = arith.constant 0 : index
    %get3A_734 = arith.constant 0 : index
    %get3A_735 = vector.load %arg2[%get3A_732, %get3A_733, %get3A_734] : memref<4x16x2048xf32, #tpu.memory_space<vmem>>, vector<1x16x2048xf32>
    %get3A_736 = vector.shape_cast %get3A_735 : vector<1x16x2048xf32> to vector<16x2048xf32>
    %get3A_737 = arith.constant 3 : index
    %get3A_738 = arith.constant 0 : index
    %get3A_739 = arith.constant 0 : index
    %get3A_740 = vector.load %arg3[%get3A_737, %get3A_738, %get3A_739] : memref<4x8x1024xf32, #tpu.memory_space<vmem>>, vector<1x8x1024xf32>
    %get3A_741 = vector.shape_cast %get3A_740 : vector<1x8x1024xf32> to vector<8x1024xf32>
    %slice3A_742 = vector.extract_strided_slice %get3A_736 {offsets = [0, 0], sizes = [4, 2048], strides = [1, 1]} : vector<16x2048xf32> to vector<4x2048xf32>
    %mul3A_743 = arith.mulf %slice3A_742, %slice3A_742 : vector<4x2048xf32>
    %reduce_sum3A_744 = arith.constant dense<0.000000e+00> : vector<2048xf32>
    %reduce_sum3A_745 = vector.multi_reduction <add>, %mul3A_743, %reduce_sum3A_744 [0] : vector<4x2048xf32> to vector<2048xf32>
    %broadcast_in_dim3A_746 = vector.shape_cast %reduce_sum3A_745 : vector<2048xf32> to vector<1x2048xf32>
    %add3A_747 = arith.constant 1.000000e-30 : f32
    %add3A_748 = vector.broadcast %add3A_747 : f32 to vector<1x2048xf32>
    %add3A_749 = arith.addf %broadcast_in_dim3A_746, %add3A_748 : vector<1x2048xf32>
    %rsqrt3A_750 = math.rsqrt %add3A_749 : vector<1x2048xf32>
    %mul3A_751 = vector.broadcast %rsqrt3A_750 : vector<1x2048xf32> to vector<4x2048xf32>
    %mul3A_752 = arith.mulf %slice3A_742, %mul3A_751 : vector<4x2048xf32>
    %slice3A_753 = vector.extract_strided_slice %mul3A_752 {offsets = [0, 0], sizes = [1, 2048], strides = [1, 1]} : vector<4x2048xf32> to vector<1x2048xf32>
    %slice3A_754 = vector.extract_strided_slice %mul3A_752 {offsets = [1, 0], sizes = [1, 2048], strides = [1, 1]} : vector<4x2048xf32> to vector<1x2048xf32>
    %slice3A_755 = vector.extract_strided_slice %mul3A_752 {offsets = [2, 0], sizes = [1, 2048], strides = [1, 1]} : vector<4x2048xf32> to vector<1x2048xf32>
    %slice3A_756 = vector.extract_strided_slice %mul3A_752 {offsets = [3, 0], sizes = [1, 2048], strides = [1, 1]} : vector<4x2048xf32> to vector<1x2048xf32>
    %mul3A_757 = arith.mulf %slice3A_754, %slice3A_754 : vector<1x2048xf32>
    %mul3A_758 = arith.mulf %slice3A_755, %slice3A_755 : vector<1x2048xf32>
    %add3A_759 = arith.addf %mul3A_757, %mul3A_758 : vector<1x2048xf32>
    %mul3A_760 = arith.constant 2.000000e+00 : f32
    %mul3A_761 = vector.broadcast %mul3A_760 : f32 to vector<1x2048xf32>
    %mul3A_762 = arith.mulf %mul3A_761, %add3A_759 : vector<1x2048xf32>
    %sub3A_763 = arith.constant 1.000000e+00 : f32
    %sub3A_764 = vector.broadcast %sub3A_763 : f32 to vector<1x2048xf32>
    %sub3A_765 = arith.subf %sub3A_764, %mul3A_762 : vector<1x2048xf32>
    %mul3A_766 = arith.mulf %slice3A_753, %slice3A_754 : vector<1x2048xf32>
    %mul3A_767 = arith.mulf %slice3A_755, %slice3A_756 : vector<1x2048xf32>
    %sub3A_768 = arith.subf %mul3A_766, %mul3A_767 : vector<1x2048xf32>
    %mul3A_769 = arith.constant 2.000000e+00 : f32
    %mul3A_770 = vector.broadcast %mul3A_769 : f32 to vector<1x2048xf32>
    %mul3A_771 = arith.mulf %mul3A_770, %sub3A_768 : vector<1x2048xf32>
    %mul3A_772 = arith.mulf %slice3A_753, %slice3A_755 : vector<1x2048xf32>
    %mul3A_773 = arith.mulf %slice3A_754, %slice3A_756 : vector<1x2048xf32>
    %add3A_774 = arith.addf %mul3A_772, %mul3A_773 : vector<1x2048xf32>
    %mul3A_775 = arith.constant 2.000000e+00 : f32
    %mul3A_776 = vector.broadcast %mul3A_775 : f32 to vector<1x2048xf32>
    %mul3A_777 = arith.mulf %mul3A_776, %add3A_774 : vector<1x2048xf32>
    %mul3A_778 = arith.mulf %slice3A_753, %slice3A_754 : vector<1x2048xf32>
    %mul3A_779 = arith.mulf %slice3A_755, %slice3A_756 : vector<1x2048xf32>
    %add3A_780 = arith.addf %mul3A_778, %mul3A_779 : vector<1x2048xf32>
    %mul3A_781 = arith.constant 2.000000e+00 : f32
    %mul3A_782 = vector.broadcast %mul3A_781 : f32 to vector<1x2048xf32>
    %mul3A_783 = arith.mulf %mul3A_782, %add3A_780 : vector<1x2048xf32>
    %mul3A_784 = arith.mulf %slice3A_753, %slice3A_753 : vector<1x2048xf32>
    %mul3A_785 = arith.mulf %slice3A_755, %slice3A_755 : vector<1x2048xf32>
    %add3A_786 = arith.addf %mul3A_784, %mul3A_785 : vector<1x2048xf32>
    %mul3A_787 = arith.constant 2.000000e+00 : f32
    %mul3A_788 = vector.broadcast %mul3A_787 : f32 to vector<1x2048xf32>
    %mul3A_789 = arith.mulf %mul3A_788, %add3A_786 : vector<1x2048xf32>
    %sub3A_790 = arith.constant 1.000000e+00 : f32
    %sub3A_791 = vector.broadcast %sub3A_790 : f32 to vector<1x2048xf32>
    %sub3A_792 = arith.subf %sub3A_791, %mul3A_789 : vector<1x2048xf32>
    %mul3A_793 = arith.mulf %slice3A_754, %slice3A_755 : vector<1x2048xf32>
    %mul3A_794 = arith.mulf %slice3A_753, %slice3A_756 : vector<1x2048xf32>
    %sub3A_795 = arith.subf %mul3A_793, %mul3A_794 : vector<1x2048xf32>
    %mul3A_796 = arith.constant 2.000000e+00 : f32
    %mul3A_797 = vector.broadcast %mul3A_796 : f32 to vector<1x2048xf32>
    %mul3A_798 = arith.mulf %mul3A_797, %sub3A_795 : vector<1x2048xf32>
    %mul3A_799 = arith.mulf %slice3A_753, %slice3A_755 : vector<1x2048xf32>
    %mul3A_800 = arith.mulf %slice3A_754, %slice3A_756 : vector<1x2048xf32>
    %sub3A_801 = arith.subf %mul3A_799, %mul3A_800 : vector<1x2048xf32>
    %mul3A_802 = arith.constant 2.000000e+00 : f32
    %mul3A_803 = vector.broadcast %mul3A_802 : f32 to vector<1x2048xf32>
    %mul3A_804 = arith.mulf %mul3A_803, %sub3A_801 : vector<1x2048xf32>
    %mul3A_805 = arith.mulf %slice3A_754, %slice3A_755 : vector<1x2048xf32>
    %mul3A_806 = arith.mulf %slice3A_753, %slice3A_756 : vector<1x2048xf32>
    %add3A_807 = arith.addf %mul3A_805, %mul3A_806 : vector<1x2048xf32>
    %mul3A_808 = arith.constant 2.000000e+00 : f32
    %mul3A_809 = vector.broadcast %mul3A_808 : f32 to vector<1x2048xf32>
    %mul3A_810 = arith.mulf %mul3A_809, %add3A_807 : vector<1x2048xf32>
    %mul3A_811 = arith.mulf %slice3A_753, %slice3A_753 : vector<1x2048xf32>
    %mul3A_812 = arith.mulf %slice3A_754, %slice3A_754 : vector<1x2048xf32>
    %add3A_813 = arith.addf %mul3A_811, %mul3A_812 : vector<1x2048xf32>
    %mul3A_814 = arith.constant 2.000000e+00 : f32
    %mul3A_815 = vector.broadcast %mul3A_814 : f32 to vector<1x2048xf32>
    %mul3A_816 = arith.mulf %mul3A_815, %add3A_813 : vector<1x2048xf32>
    %sub3A_817 = arith.constant 1.000000e+00 : f32
    %sub3A_818 = vector.broadcast %sub3A_817 : f32 to vector<1x2048xf32>
    %sub3A_819 = arith.subf %sub3A_818, %mul3A_816 : vector<1x2048xf32>
    %slice3A_820 = vector.extract_strided_slice %get3A_736 {offsets = [8, 0], sizes = [3, 2048], strides = [1, 1]} : vector<16x2048xf32> to vector<3x2048xf32>
    %slice3A_821 = vector.extract_strided_slice %get3A_736 {offsets = [4, 0], sizes = [3, 2048], strides = [1, 1]} : vector<16x2048xf32> to vector<3x2048xf32>
    %add3A_822 = arith.addf %slice3A_820, %slice3A_821 : vector<3x2048xf32>
    %slice3A_823 = vector.extract_strided_slice %add3A_822 {offsets = [0, 0], sizes = [1, 2048], strides = [1, 1]} : vector<3x2048xf32> to vector<1x2048xf32>
    %slice3A_824 = vector.extract_strided_slice %add3A_822 {offsets = [1, 0], sizes = [1, 2048], strides = [1, 1]} : vector<3x2048xf32> to vector<1x2048xf32>
    %slice3A_825 = vector.extract_strided_slice %add3A_822 {offsets = [2, 0], sizes = [1, 2048], strides = [1, 1]} : vector<3x2048xf32> to vector<1x2048xf32>
    %mul3A_826 = arith.mulf %sub3A_765, %slice3A_823 : vector<1x2048xf32>
    %mul3A_827 = arith.mulf %mul3A_771, %slice3A_824 : vector<1x2048xf32>
    %add3A_828 = arith.addf %mul3A_826, %mul3A_827 : vector<1x2048xf32>
    %mul3A_829 = arith.mulf %mul3A_777, %slice3A_825 : vector<1x2048xf32>
    %add3A_830 = arith.addf %add3A_828, %mul3A_829 : vector<1x2048xf32>
    %mul3A_831 = arith.mulf %mul3A_783, %slice3A_823 : vector<1x2048xf32>
    %mul3A_832 = arith.mulf %sub3A_792, %slice3A_824 : vector<1x2048xf32>
    %add3A_833 = arith.addf %mul3A_831, %mul3A_832 : vector<1x2048xf32>
    %mul3A_834 = arith.mulf %mul3A_798, %slice3A_825 : vector<1x2048xf32>
    %add3A_835 = arith.addf %add3A_833, %mul3A_834 : vector<1x2048xf32>
    %mul3A_836 = arith.mulf %mul3A_804, %slice3A_823 : vector<1x2048xf32>
    %mul3A_837 = arith.mulf %mul3A_810, %slice3A_824 : vector<1x2048xf32>
    %add3A_838 = arith.addf %mul3A_836, %mul3A_837 : vector<1x2048xf32>
    %mul3A_839 = arith.mulf %sub3A_819, %slice3A_825 : vector<1x2048xf32>
    %add3A_840 = arith.addf %add3A_838, %mul3A_839 : vector<1x2048xf32>
    %mul3A_841 = arith.mulf %slice3A_823, %slice3A_823 : vector<1x2048xf32>
    %mul3A_842 = arith.mulf %slice3A_824, %slice3A_824 : vector<1x2048xf32>
    %add3A_843 = arith.addf %mul3A_841, %mul3A_842 : vector<1x2048xf32>
    %mul3A_844 = arith.mulf %slice3A_825, %slice3A_825 : vector<1x2048xf32>
    %add3A_845 = arith.addf %add3A_843, %mul3A_844 : vector<1x2048xf32>
    %broadcast_in_dim3A_846 = arith.constant 1.000000e+00 : f32
    %broadcast_in_dim3A_847 = vector.broadcast %broadcast_in_dim3A_846 : f32 to vector<1x2048xf32>
    %mul3A_848 = arith.constant 2.000000e+00 : f32
    %mul3A_849 = vector.broadcast %mul3A_848 : f32 to vector<1x2048xf32>
    %mul3A_850 = arith.mulf %mul3A_849, %add3A_830 : vector<1x2048xf32>
    %mul3A_851 = arith.constant 2.000000e+00 : f32
    %mul3A_852 = vector.broadcast %mul3A_851 : f32 to vector<1x2048xf32>
    %mul3A_853 = arith.mulf %mul3A_852, %add3A_835 : vector<1x2048xf32>
    %mul3A_854 = arith.constant 2.000000e+00 : f32
    %mul3A_855 = vector.broadcast %mul3A_854 : f32 to vector<1x2048xf32>
    %mul3A_856 = arith.mulf %mul3A_855, %add3A_840 : vector<1x2048xf32>
    %mul3A_857 = arith.constant -2.000000e+00 : f32
    %mul3A_858 = vector.broadcast %mul3A_857 : f32 to vector<1x2048xf32>
    %mul3A_859 = arith.mulf %mul3A_858, %slice3A_823 : vector<1x2048xf32>
    %mul3A_860 = arith.constant -2.000000e+00 : f32
    %mul3A_861 = vector.broadcast %mul3A_860 : f32 to vector<1x2048xf32>
    %mul3A_862 = arith.mulf %mul3A_861, %slice3A_824 : vector<1x2048xf32>
    %mul3A_863 = arith.constant -2.000000e+00 : f32
    %mul3A_864 = vector.broadcast %mul3A_863 : f32 to vector<1x2048xf32>
    %mul3A_865 = arith.mulf %mul3A_864, %slice3A_825 : vector<1x2048xf32>
    %mul3A_866 = arith.constant -2.000000e+00 : f32
    %mul3A_867 = vector.broadcast %mul3A_866 : f32 to vector<1x2048xf32>
    %mul3A_868 = arith.mulf %mul3A_867, %sub3A_765 : vector<1x2048xf32>
    %mul3A_869 = arith.constant -2.000000e+00 : f32
    %mul3A_870 = vector.broadcast %mul3A_869 : f32 to vector<1x2048xf32>
    %mul3A_871 = arith.mulf %mul3A_870, %mul3A_771 : vector<1x2048xf32>
    %mul3A_872 = arith.constant -2.000000e+00 : f32
    %mul3A_873 = vector.broadcast %mul3A_872 : f32 to vector<1x2048xf32>
    %mul3A_874 = arith.mulf %mul3A_873, %mul3A_777 : vector<1x2048xf32>
    %mul3A_875 = arith.constant -2.000000e+00 : f32
    %mul3A_876 = vector.broadcast %mul3A_875 : f32 to vector<1x2048xf32>
    %mul3A_877 = arith.mulf %mul3A_876, %mul3A_783 : vector<1x2048xf32>
    %mul3A_878 = arith.constant -2.000000e+00 : f32
    %mul3A_879 = vector.broadcast %mul3A_878 : f32 to vector<1x2048xf32>
    %mul3A_880 = arith.mulf %mul3A_879, %sub3A_792 : vector<1x2048xf32>
    %mul3A_881 = arith.constant -2.000000e+00 : f32
    %mul3A_882 = vector.broadcast %mul3A_881 : f32 to vector<1x2048xf32>
    %mul3A_883 = arith.mulf %mul3A_882, %mul3A_798 : vector<1x2048xf32>
    %mul3A_884 = arith.constant -2.000000e+00 : f32
    %mul3A_885 = vector.broadcast %mul3A_884 : f32 to vector<1x2048xf32>
    %mul3A_886 = arith.mulf %mul3A_885, %mul3A_804 : vector<1x2048xf32>
    %mul3A_887 = arith.constant -2.000000e+00 : f32
    %mul3A_888 = vector.broadcast %mul3A_887 : f32 to vector<1x2048xf32>
    %mul3A_889 = arith.mulf %mul3A_888, %mul3A_810 : vector<1x2048xf32>
    %mul3A_890 = arith.constant -2.000000e+00 : f32
    %mul3A_891 = vector.broadcast %mul3A_890 : f32 to vector<1x2048xf32>
    %mul3A_892 = arith.mulf %mul3A_891, %sub3A_819 : vector<1x2048xf32>
    %concatenate3A_893 = tpu.concatenate %broadcast_in_dim3A_847, %add3A_845, %mul3A_850, %mul3A_853, %mul3A_856, %mul3A_859, %mul3A_862, %mul3A_865, %mul3A_868, %mul3A_871, %mul3A_874, %mul3A_877, %mul3A_880, %mul3A_883, %mul3A_886, %mul3A_889, %mul3A_892 in 0 : vector<1x2048xf32>, vector<1x2048xf32>, vector<1x2048xf32>, vector<1x2048xf32>, vector<1x2048xf32>, vector<1x2048xf32>, vector<1x2048xf32>, vector<1x2048xf32>, vector<1x2048xf32>, vector<1x2048xf32>, vector<1x2048xf32>, vector<1x2048xf32>, vector<1x2048xf32>, vector<1x2048xf32>, vector<1x2048xf32>, vector<1x2048xf32>, vector<1x2048xf32> -> vector<17x2048xf32>
    %slice3A_894 = vector.extract_strided_slice %get3A_741 {offsets = [0, 0], sizes = [1, 1024], strides = [1, 1]} : vector<8x1024xf32> to vector<1x1024xf32>
    %slice3A_895 = vector.extract_strided_slice %get3A_741 {offsets = [1, 0], sizes = [1, 1024], strides = [1, 1]} : vector<8x1024xf32> to vector<1x1024xf32>
    %slice3A_896 = vector.extract_strided_slice %get3A_741 {offsets = [2, 0], sizes = [1, 1024], strides = [1, 1]} : vector<8x1024xf32> to vector<1x1024xf32>
    %slice3A_897 = vector.extract_strided_slice %get3A_741 {offsets = [3, 0], sizes = [1, 1024], strides = [1, 1]} : vector<8x1024xf32> to vector<1x1024xf32>
    %slice3A_898 = vector.extract_strided_slice %get3A_741 {offsets = [4, 0], sizes = [1, 1024], strides = [1, 1]} : vector<8x1024xf32> to vector<1x1024xf32>
    %slice3A_899 = vector.extract_strided_slice %get3A_741 {offsets = [5, 0], sizes = [1, 1024], strides = [1, 1]} : vector<8x1024xf32> to vector<1x1024xf32>
    %mul3A_900 = arith.mulf %slice3A_894, %slice3A_894 : vector<1x1024xf32>
    %mul3A_901 = arith.mulf %slice3A_895, %slice3A_895 : vector<1x1024xf32>
    %add3A_902 = arith.addf %mul3A_900, %mul3A_901 : vector<1x1024xf32>
    %mul3A_903 = arith.mulf %slice3A_896, %slice3A_896 : vector<1x1024xf32>
    %add3A_904 = arith.addf %add3A_902, %mul3A_903 : vector<1x1024xf32>
    %mul3A_905 = arith.mulf %slice3A_897, %slice3A_897 : vector<1x1024xf32>
    %add3A_906 = arith.addf %add3A_904, %mul3A_905 : vector<1x1024xf32>
    %mul3A_907 = arith.mulf %slice3A_898, %slice3A_898 : vector<1x1024xf32>
    %add3A_908 = arith.addf %add3A_906, %mul3A_907 : vector<1x1024xf32>
    %mul3A_909 = arith.mulf %slice3A_899, %slice3A_899 : vector<1x1024xf32>
    %add3A_910 = arith.addf %add3A_908, %mul3A_909 : vector<1x1024xf32>
    %broadcast_in_dim3A_911 = arith.constant 1.000000e+00 : f32
    %broadcast_in_dim3A_912 = vector.broadcast %broadcast_in_dim3A_911 : f32 to vector<1x1024xf32>
    %mul3A_913 = arith.mulf %slice3A_894, %slice3A_897 : vector<1x1024xf32>
    %mul3A_914 = arith.mulf %slice3A_894, %slice3A_898 : vector<1x1024xf32>
    %mul3A_915 = arith.mulf %slice3A_894, %slice3A_899 : vector<1x1024xf32>
    %mul3A_916 = arith.mulf %slice3A_895, %slice3A_897 : vector<1x1024xf32>
    %mul3A_917 = arith.mulf %slice3A_895, %slice3A_898 : vector<1x1024xf32>
    %mul3A_918 = arith.mulf %slice3A_895, %slice3A_899 : vector<1x1024xf32>
    %mul3A_919 = arith.mulf %slice3A_896, %slice3A_897 : vector<1x1024xf32>
    %mul3A_920 = arith.mulf %slice3A_896, %slice3A_898 : vector<1x1024xf32>
    %mul3A_921 = arith.mulf %slice3A_896, %slice3A_899 : vector<1x1024xf32>
    %concatenate3A_922 = tpu.concatenate %add3A_910, %broadcast_in_dim3A_912, %slice3A_894, %slice3A_895, %slice3A_896, %slice3A_897, %slice3A_898, %slice3A_899, %mul3A_913, %mul3A_914, %mul3A_915, %mul3A_916, %mul3A_917, %mul3A_918, %mul3A_919, %mul3A_920, %mul3A_921 in 0 : vector<1x1024xf32>, vector<1x1024xf32>, vector<1x1024xf32>, vector<1x1024xf32>, vector<1x1024xf32>, vector<1x1024xf32>, vector<1x1024xf32>, vector<1x1024xf32>, vector<1x1024xf32>, vector<1x1024xf32>, vector<1x1024xf32>, vector<1x1024xf32>, vector<1x1024xf32>, vector<1x1024xf32>, vector<1x1024xf32>, vector<1x1024xf32>, vector<1x1024xf32> -> vector<17x1024xf32>
    %convert_element_type3A_923 = arith.truncf %concatenate3A_922 : vector<17x1024xf32> to vector<17x1024xbf16>
    %convert_element_type3A_924 = arith.truncf %concatenate3A_893 : vector<17x2048xf32> to vector<17x2048xbf16>
    %dot_general3A_925 = arith.constant dense<0.000000e+00> : vector<1024x2048xf32>
    %dot_general3A_926 = tpu.matmul %convert_element_type3A_923, %convert_element_type3A_924, %dot_general3A_925 {dimension_numbers = #tpu.dot_dimension_numbers<[0], [0], [1], [1], [0, 1, 1, 1], [], []>, transpose_lhs_hint = false} : vector<17x1024xbf16>, vector<17x2048xbf16>, vector<1024x2048xf32> -> vector<1024x2048xf32>
    %max3A_927 = arith.constant 1.000000e-24 : f32
    %max3A_928 = vector.broadcast %max3A_927 : f32 to vector<1024x2048xf32>
    %max3A_929 = arith.maximumf %dot_general3A_926, %max3A_928 : vector<1024x2048xf32>
    %rsqrt3A_930 = math.rsqrt %max3A_929 : vector<1024x2048xf32>
    %mul3A_931 = arith.mulf %max3A_929, %rsqrt3A_930 : vector<1024x2048xf32>
    %reduce_sum3A_932 = arith.constant dense<0.000000e+00> : vector<2048xf32>
    %reduce_sum3A_933 = vector.multi_reduction <add>, %mul3A_931, %reduce_sum3A_932 [0] : vector<1024x2048xf32> to vector<2048xf32>
    %broadcast_in_dim3A_934 = vector.shape_cast %reduce_sum3A_933 : vector<2048xf32> to vector<1x2048xf32>
    %div3A_935 = arith.constant 1.024000e+03 : f32
    %div3A_936 = vector.broadcast %div3A_935 : f32 to vector<1x2048xf32>
    %div3A_937 = arith.divf %broadcast_in_dim3A_934, %div3A_936 : vector<1x2048xf32>
    %slice3A_938 = vector.extract_strided_slice %get3A_736 {offsets = [11, 0], sizes = [1, 2048], strides = [1, 1]} : vector<16x2048xf32> to vector<1x2048xf32>
    %max3A_939 = arith.constant 9.99999997E-7 : f32
    %max3A_940 = vector.broadcast %max3A_939 : f32 to vector<1x2048xf32>
    %max3A_941 = arith.maximumf %slice3A_938, %max3A_940 : vector<1x2048xf32>
    %mul3A_942 = arith.mulf %div3A_937, %max3A_941 : vector<1x2048xf32>
    %log3A_943 = math.log %max3A_941 : vector<1x2048xf32>
    %mul3A_944 = vector.broadcast %get3A_2 : f32 to vector<1x2048xf32>
    %mul3A_945 = arith.mulf %mul3A_944, %log3A_943 : vector<1x2048xf32>
    %sub3A_946 = arith.subf %mul3A_942, %mul3A_945 : vector<1x2048xf32>
    %reduce_sum3A_947 = vector.shape_cast %sub3A_946 : vector<1x2048xf32> to vector<1x1x2048xf32>
    %reduce_sum3A_948 = arith.constant dense<0.000000e+00> : vector<1xf32>
    %reduce_sum3A_949 = vector.multi_reduction <add>, %reduce_sum3A_947, %reduce_sum3A_948 [1, 2] : vector<1x1x2048xf32> to vector<1xf32>
    %reduce_sum3A_950 = vector.shape_cast %reduce_sum3A_949 : vector<1xf32> to vector<1x1x1xf32>
    %reduce_sum3A_951 = vector.extract %reduce_sum3A_950[0, 0, 0] : f32 from vector<1x1x1xf32>
    %broadcast_in_dim3A_952 = vector.broadcast %reduce_sum3A_951 : f32 to vector<1x1xf32>
    %iota3A_953 = tpu.iota {dimensions = array<i32: 1>} : vector<1x2048xi32>
    %reduce_max3A_954 = vector.shape_cast %max3A_941 : vector<1x2048xf32> to vector<1x1x2048xf32>
    %reduce_max3A_955 = arith.constant dense<0xFF800000> : vector<1xf32>
    %reduce_max3A_956 = vector.multi_reduction <maximumf>, %reduce_max3A_954, %reduce_max3A_955 [1, 2] : vector<1x1x2048xf32> to vector<1xf32>
    %reduce_max3A_957 = vector.shape_cast %reduce_max3A_956 : vector<1xf32> to vector<1x1x1xf32>
    %reduce_max3A_958 = vector.extract %reduce_max3A_957[0, 0, 0] : f32 from vector<1x1x1xf32>
    %eq3A_959 = vector.broadcast %reduce_max3A_958 : f32 to vector<1x2048xf32>
    %eq3A_960 = arith.cmpf oeq, %max3A_941, %eq3A_959 : vector<1x2048xf32>
    %jit3A_961 = arith.constant 2048 : i32
    %broadcast_in_dim3A_962 = vector.broadcast %jit3A_961 : i32 to vector<1x2048xi32>
    %select_n3A_963 = arith.select %eq3A_960, %iota3A_953, %broadcast_in_dim3A_962 : vector<1x2048xi1>, vector<1x2048xi32>
    %reduce_min3A_964 = vector.shape_cast %select_n3A_963 : vector<1x2048xi32> to vector<1x1x2048xi32>
    %reduce_min3A_965 = arith.constant dense<2147483647> : vector<1xi32>
    %reduce_min3A_966 = vector.multi_reduction <minsi>, %reduce_min3A_964, %reduce_min3A_965 [1, 2] : vector<1x1x2048xi32> to vector<1xi32>
    %reduce_min3A_967 = vector.shape_cast %reduce_min3A_966 : vector<1xi32> to vector<1x1x1xi32>
    %reduce_min3A_968 = vector.extract %reduce_min3A_967[0, 0, 0] : i32 from vector<1x1x1xi32>
    %eq3A_969 = vector.broadcast %reduce_min3A_968 : i32 to vector<1x2048xi32>
    %eq3A_970 = arith.cmpi eq, %iota3A_953, %eq3A_969 : vector<1x2048xi32>
    %convert_element_type3A_971 = arith.extui %eq3A_970 : vector<1x2048xi1> to vector<1x2048xi32>
    %convert_element_type3A_972 = arith.sitofp %convert_element_type3A_971 : vector<1x2048xi32> to vector<1x2048xf32>
    %mul3A_973 = arith.mulf %div3A_937, %convert_element_type3A_972 : vector<1x2048xf32>
    %reduce_sum3A_974 = vector.shape_cast %mul3A_973 : vector<1x2048xf32> to vector<1x1x2048xf32>
    %reduce_sum3A_975 = arith.constant dense<0.000000e+00> : vector<1xf32>
    %reduce_sum3A_976 = vector.multi_reduction <add>, %reduce_sum3A_974, %reduce_sum3A_975 [1, 2] : vector<1x1x2048xf32> to vector<1xf32>
    %reduce_sum3A_977 = vector.shape_cast %reduce_sum3A_976 : vector<1xf32> to vector<1x1x1xf32>
    %reduce_sum3A_978 = vector.extract %reduce_sum3A_977[0, 0, 0] : f32 from vector<1x1x1xf32>
    %broadcast_in_dim3A_979 = vector.broadcast %reduce_sum3A_978 : f32 to vector<1x1xf32>
    %add3A_980 = arith.addf %add3A_730, %broadcast_in_dim3A_952 : vector<1x1xf32>
    %add3A_981 = arith.addf %add3A_731, %broadcast_in_dim3A_979 : vector<1x1xf32>
    %mul3A_982 = arith.constant 1.22070313E-4 : f32
    %mul3A_983 = vector.broadcast %mul3A_982 : f32 to vector<1x1xf32>
    %mul3A_984 = arith.mulf %add3A_980, %mul3A_983 : vector<1x1xf32>
    %swap3A = arith.constant 0 : index
    %swap3A_985 = arith.constant 0 : index
    %swap3A_986 = vector.load %arg4[%swap3A, %swap3A_985] : memref<1x1xf32, #tpu.memory_space<vmem>>, vector<1x1xf32>
    tpu.vector_store %arg4[%swap3A, %swap3A_985], %mul3A_984 {strides = array<i32>} : memref<1x1xf32, #tpu.memory_space<vmem>>, vector<1x1xf32>,
    %mul3A_987 = arith.constant 2.500000e-01 : f32
    %mul3A_988 = vector.broadcast %mul3A_987 : f32 to vector<1x1xf32>
    %mul3A_989 = arith.mulf %add3A_981, %mul3A_988 : vector<1x1xf32>
    %swap3A_990 = arith.constant 0 : index
    %swap3A_991 = arith.constant 0 : index
    %swap3A_992 = vector.load %arg5[%swap3A_990, %swap3A_991] : memref<1x1xf32, #tpu.memory_space<vmem>>, vector<1x1xf32>
    tpu.vector_store %arg5[%swap3A_990, %swap3A_991], %mul3A_989 {strides = array<i32>} : memref<1x1xf32, #tpu.memory_space<vmem>>, vector<1x1xf32>,
    return
  }
  func.func @transform_0(%arg0: i32) -> (i32, i32) {
    %c0_i32 = arith.constant 0 : i32
    %c0_i32_0 = arith.constant 0 : i32
    %c0_i32_1 = arith.constant 0 : i32
    return %c0_i32, %c0_i32_0 : i32, i32
  }
  func.func @transform_1(%arg0: i32) -> (i32, i32, i32) {
    %c0_i32 = arith.constant 0 : i32
    %c0_i32_0 = arith.constant 0 : i32
    %c0_i32_1 = arith.constant 0 : i32
    %c0_i32_2 = arith.constant 0 : i32
    return %c0_i32, %c0_i32_0, %c0_i32_1 : i32, i32, i32
  }
  func.func @transform_2(%arg0: i32) -> (i32, i32, i32) {
    %c0_i32 = arith.constant 0 : i32
    %c0_i32_0 = arith.constant 0 : i32
    %c0_i32_1 = arith.constant 0 : i32
    %c0_i32_2 = arith.constant 0 : i32
    return %c0_i32, %c0_i32_0, %c0_i32_1 : i32, i32, i32
  }
  func.func @transform_3(%arg0: i32) -> (i32, i32) {
    %c0_i32 = arith.constant 0 : i32
    %c0_i32_0 = arith.constant 0 : i32
    %c0_i32_1 = arith.constant 0 : i32
    return %c0_i32, %c0_i32_0 : i32, i32
  }
  func.func @transform_4(%arg0: i32) -> (i32, i32) {
    %c0_i32 = arith.constant 0 : i32
    %c0_i32_0 = arith.constant 0 : i32
    %c0_i32_1 = arith.constant 0 : i32
    return %c0_i32, %c0_i32_0 : i32, i32
  }
}

module attributes {stable_mosaic.version = 14 : i64} {
  func.func @_bestpose_body(%arg0: i32, %arg1: memref<4x16x2048xf32, #tpu.memory_space<vmem>>, %arg2: memref<64x128xf32, #tpu.memory_space<vmem>>) attributes {dimension_semantics = [#tpu.dimension_semantics<arbitrary>], iteration_bounds = array<i64: 1>, scalar_prefetch = 0 : i64, scratch_operands = 0 : i64, tpu.core_type = #tpu.core_type<tc>, window_params = [{pipeline_mode = #tpu.pipeline_mode<synchronous>, transform_indices = @transform_0, window_bounds = array<i64: 4, 16, 2048>}, {pipeline_mode = #tpu.pipeline_mode<synchronous>, transform_indices = @transform_1, window_bounds = array<i64: 64, 128>}]} {
    %get3A = arith.constant 0 : index
    %get3A_0 = arith.constant 0 : index
    %get3A_1 = arith.constant 0 : index
    %get3A_2 = vector.load %arg1[%get3A, %get3A_0, %get3A_1] : memref<4x16x2048xf32, #tpu.memory_space<vmem>>, vector<1x16x2048xf32>
    %get3A_3 = vector.shape_cast %get3A_2 : vector<1x16x2048xf32> to vector<16x2048xf32>
    %slice3A = vector.extract_strided_slice %get3A_3 {offsets = [0, 0], sizes = [4, 2048], strides = [1, 1]} : vector<16x2048xf32> to vector<4x2048xf32>
    %mul3A = arith.mulf %slice3A, %slice3A : vector<4x2048xf32>
    %reduce_sum3A = arith.constant dense<0.000000e+00> : vector<2048xf32>
    %reduce_sum3A_4 = vector.multi_reduction <add>, %mul3A, %reduce_sum3A [0] : vector<4x2048xf32> to vector<2048xf32>
    %broadcast_in_dim3A = vector.shape_cast %reduce_sum3A_4 : vector<2048xf32> to vector<1x2048xf32>
    %add3A = arith.constant 1.000000e-30 : f32
    %add3A_5 = vector.broadcast %add3A : f32 to vector<1x2048xf32>
    %add3A_6 = arith.addf %broadcast_in_dim3A, %add3A_5 : vector<1x2048xf32>
    %rsqrt3A = math.rsqrt %add3A_6 : vector<1x2048xf32>
    %mul3A_7 = vector.broadcast %rsqrt3A : vector<1x2048xf32> to vector<4x2048xf32>
    %mul3A_8 = arith.mulf %slice3A, %mul3A_7 : vector<4x2048xf32>
    %slice3A_9 = vector.extract_strided_slice %mul3A_8 {offsets = [0, 0], sizes = [1, 2048], strides = [1, 1]} : vector<4x2048xf32> to vector<1x2048xf32>
    %slice3A_10 = vector.extract_strided_slice %mul3A_8 {offsets = [1, 0], sizes = [1, 2048], strides = [1, 1]} : vector<4x2048xf32> to vector<1x2048xf32>
    %slice3A_11 = vector.extract_strided_slice %mul3A_8 {offsets = [2, 0], sizes = [1, 2048], strides = [1, 1]} : vector<4x2048xf32> to vector<1x2048xf32>
    %slice3A_12 = vector.extract_strided_slice %mul3A_8 {offsets = [3, 0], sizes = [1, 2048], strides = [1, 1]} : vector<4x2048xf32> to vector<1x2048xf32>
    %mul3A_13 = arith.mulf %slice3A_10, %slice3A_10 : vector<1x2048xf32>
    %mul3A_14 = arith.mulf %slice3A_11, %slice3A_11 : vector<1x2048xf32>
    %add3A_15 = arith.addf %mul3A_13, %mul3A_14 : vector<1x2048xf32>
    %mul3A_16 = arith.constant 2.000000e+00 : f32
    %mul3A_17 = vector.broadcast %mul3A_16 : f32 to vector<1x2048xf32>
    %mul3A_18 = arith.mulf %mul3A_17, %add3A_15 : vector<1x2048xf32>
    %sub3A = arith.constant 1.000000e+00 : f32
    %sub3A_19 = vector.broadcast %sub3A : f32 to vector<1x2048xf32>
    %sub3A_20 = arith.subf %sub3A_19, %mul3A_18 : vector<1x2048xf32>
    %mul3A_21 = arith.mulf %slice3A_9, %slice3A_10 : vector<1x2048xf32>
    %mul3A_22 = arith.mulf %slice3A_11, %slice3A_12 : vector<1x2048xf32>
    %sub3A_23 = arith.subf %mul3A_21, %mul3A_22 : vector<1x2048xf32>
    %mul3A_24 = arith.constant 2.000000e+00 : f32
    %mul3A_25 = vector.broadcast %mul3A_24 : f32 to vector<1x2048xf32>
    %mul3A_26 = arith.mulf %mul3A_25, %sub3A_23 : vector<1x2048xf32>
    %mul3A_27 = arith.mulf %slice3A_9, %slice3A_11 : vector<1x2048xf32>
    %mul3A_28 = arith.mulf %slice3A_10, %slice3A_12 : vector<1x2048xf32>
    %add3A_29 = arith.addf %mul3A_27, %mul3A_28 : vector<1x2048xf32>
    %mul3A_30 = arith.constant 2.000000e+00 : f32
    %mul3A_31 = vector.broadcast %mul3A_30 : f32 to vector<1x2048xf32>
    %mul3A_32 = arith.mulf %mul3A_31, %add3A_29 : vector<1x2048xf32>
    %mul3A_33 = arith.mulf %slice3A_9, %slice3A_10 : vector<1x2048xf32>
    %mul3A_34 = arith.mulf %slice3A_11, %slice3A_12 : vector<1x2048xf32>
    %add3A_35 = arith.addf %mul3A_33, %mul3A_34 : vector<1x2048xf32>
    %mul3A_36 = arith.constant 2.000000e+00 : f32
    %mul3A_37 = vector.broadcast %mul3A_36 : f32 to vector<1x2048xf32>
    %mul3A_38 = arith.mulf %mul3A_37, %add3A_35 : vector<1x2048xf32>
    %mul3A_39 = arith.mulf %slice3A_9, %slice3A_9 : vector<1x2048xf32>
    %mul3A_40 = arith.mulf %slice3A_11, %slice3A_11 : vector<1x2048xf32>
    %add3A_41 = arith.addf %mul3A_39, %mul3A_40 : vector<1x2048xf32>
    %mul3A_42 = arith.constant 2.000000e+00 : f32
    %mul3A_43 = vector.broadcast %mul3A_42 : f32 to vector<1x2048xf32>
    %mul3A_44 = arith.mulf %mul3A_43, %add3A_41 : vector<1x2048xf32>
    %sub3A_45 = arith.constant 1.000000e+00 : f32
    %sub3A_46 = vector.broadcast %sub3A_45 : f32 to vector<1x2048xf32>
    %sub3A_47 = arith.subf %sub3A_46, %mul3A_44 : vector<1x2048xf32>
    %mul3A_48 = arith.mulf %slice3A_10, %slice3A_11 : vector<1x2048xf32>
    %mul3A_49 = arith.mulf %slice3A_9, %slice3A_12 : vector<1x2048xf32>
    %sub3A_50 = arith.subf %mul3A_48, %mul3A_49 : vector<1x2048xf32>
    %mul3A_51 = arith.constant 2.000000e+00 : f32
    %mul3A_52 = vector.broadcast %mul3A_51 : f32 to vector<1x2048xf32>
    %mul3A_53 = arith.mulf %mul3A_52, %sub3A_50 : vector<1x2048xf32>
    %mul3A_54 = arith.mulf %slice3A_9, %slice3A_11 : vector<1x2048xf32>
    %mul3A_55 = arith.mulf %slice3A_10, %slice3A_12 : vector<1x2048xf32>
    %sub3A_56 = arith.subf %mul3A_54, %mul3A_55 : vector<1x2048xf32>
    %mul3A_57 = arith.constant 2.000000e+00 : f32
    %mul3A_58 = vector.broadcast %mul3A_57 : f32 to vector<1x2048xf32>
    %mul3A_59 = arith.mulf %mul3A_58, %sub3A_56 : vector<1x2048xf32>
    %mul3A_60 = arith.mulf %slice3A_10, %slice3A_11 : vector<1x2048xf32>
    %mul3A_61 = arith.mulf %slice3A_9, %slice3A_12 : vector<1x2048xf32>
    %add3A_62 = arith.addf %mul3A_60, %mul3A_61 : vector<1x2048xf32>
    %mul3A_63 = arith.constant 2.000000e+00 : f32
    %mul3A_64 = vector.broadcast %mul3A_63 : f32 to vector<1x2048xf32>
    %mul3A_65 = arith.mulf %mul3A_64, %add3A_62 : vector<1x2048xf32>
    %mul3A_66 = arith.mulf %slice3A_9, %slice3A_9 : vector<1x2048xf32>
    %mul3A_67 = arith.mulf %slice3A_10, %slice3A_10 : vector<1x2048xf32>
    %add3A_68 = arith.addf %mul3A_66, %mul3A_67 : vector<1x2048xf32>
    %mul3A_69 = arith.constant 2.000000e+00 : f32
    %mul3A_70 = vector.broadcast %mul3A_69 : f32 to vector<1x2048xf32>
    %mul3A_71 = arith.mulf %mul3A_70, %add3A_68 : vector<1x2048xf32>
    %sub3A_72 = arith.constant 1.000000e+00 : f32
    %sub3A_73 = vector.broadcast %sub3A_72 : f32 to vector<1x2048xf32>
    %sub3A_74 = arith.subf %sub3A_73, %mul3A_71 : vector<1x2048xf32>
    %slice3A_75 = vector.extract_strided_slice %get3A_3 {offsets = [8, 0], sizes = [3, 2048], strides = [1, 1]} : vector<16x2048xf32> to vector<3x2048xf32>
    %slice3A_76 = vector.extract_strided_slice %get3A_3 {offsets = [4, 0], sizes = [3, 2048], strides = [1, 1]} : vector<16x2048xf32> to vector<3x2048xf32>
    %add3A_77 = arith.addf %slice3A_75, %slice3A_76 : vector<3x2048xf32>
    %slice3A_78 = vector.extract_strided_slice %get3A_3 {offsets = [11, 0], sizes = [1, 2048], strides = [1, 1]} : vector<16x2048xf32> to vector<1x2048xf32>
    %max3A = arith.constant 9.99999997E-7 : f32
    %max3A_79 = vector.broadcast %max3A : f32 to vector<1x2048xf32>
    %max3A_80 = arith.maximumf %slice3A_78, %max3A_79 : vector<1x2048xf32>
    %iota3A = tpu.iota {dimensions = array<i32: 1>} : vector<1x2048xi32>
    %reduce_max3A = vector.shape_cast %max3A_80 : vector<1x2048xf32> to vector<1x1x2048xf32>
    %reduce_max3A_81 = arith.constant dense<0xFF800000> : vector<1xf32>
    %reduce_max3A_82 = vector.multi_reduction <maximumf>, %reduce_max3A, %reduce_max3A_81 [1, 2] : vector<1x1x2048xf32> to vector<1xf32>
    %reduce_max3A_83 = vector.shape_cast %reduce_max3A_82 : vector<1xf32> to vector<1x1x1xf32>
    %reduce_max3A_84 = vector.extract %reduce_max3A_83[0, 0, 0] : f32 from vector<1x1x1xf32>
    %eq3A = vector.broadcast %reduce_max3A_84 : f32 to vector<1x2048xf32>
    %eq3A_85 = arith.cmpf oeq, %max3A_80, %eq3A : vector<1x2048xf32>
    %jit3A = arith.constant 2048 : i32
    %broadcast_in_dim3A_86 = vector.broadcast %jit3A : i32 to vector<1x2048xi32>
    %select_n3A = arith.select %eq3A_85, %iota3A, %broadcast_in_dim3A_86 : vector<1x2048xi1>, vector<1x2048xi32>
    %reduce_min3A = vector.shape_cast %select_n3A : vector<1x2048xi32> to vector<1x1x2048xi32>
    %reduce_min3A_87 = arith.constant dense<2147483647> : vector<1xi32>
    %reduce_min3A_88 = vector.multi_reduction <minsi>, %reduce_min3A, %reduce_min3A_87 [1, 2] : vector<1x1x2048xi32> to vector<1xi32>
    %reduce_min3A_89 = vector.shape_cast %reduce_min3A_88 : vector<1xi32> to vector<1x1x1xi32>
    %reduce_min3A_90 = vector.extract %reduce_min3A_89[0, 0, 0] : i32 from vector<1x1x1xi32>
    %eq3A_91 = vector.broadcast %reduce_min3A_90 : i32 to vector<1x2048xi32>
    %eq3A_92 = arith.cmpi eq, %iota3A, %eq3A_91 : vector<1x2048xi32>
    %convert_element_type3A = arith.extui %eq3A_92 : vector<1x2048xi1> to vector<1x2048xi32>
    %convert_element_type3A_93 = arith.sitofp %convert_element_type3A : vector<1x2048xi32> to vector<1x2048xf32>
    %mul3A_94 = arith.mulf %sub3A_20, %convert_element_type3A_93 : vector<1x2048xf32>
    %reduce_sum3A_95 = vector.shape_cast %mul3A_94 : vector<1x2048xf32> to vector<1x1x2048xf32>
    %reduce_sum3A_96 = arith.constant dense<0.000000e+00> : vector<1xf32>
    %reduce_sum3A_97 = vector.multi_reduction <add>, %reduce_sum3A_95, %reduce_sum3A_96 [1, 2] : vector<1x1x2048xf32> to vector<1xf32>
    %reduce_sum3A_98 = vector.shape_cast %reduce_sum3A_97 : vector<1xf32> to vector<1x1x1xf32>
    %reduce_sum3A_99 = vector.extract %reduce_sum3A_98[0, 0, 0] : f32 from vector<1x1x1xf32>
    %mul3A_100 = arith.mulf %mul3A_26, %convert_element_type3A_93 : vector<1x2048xf32>
    %reduce_sum3A_101 = vector.shape_cast %mul3A_100 : vector<1x2048xf32> to vector<1x1x2048xf32>
    %reduce_sum3A_102 = arith.constant dense<0.000000e+00> : vector<1xf32>
    %reduce_sum3A_103 = vector.multi_reduction <add>, %reduce_sum3A_101, %reduce_sum3A_102 [1, 2] : vector<1x1x2048xf32> to vector<1xf32>
    %reduce_sum3A_104 = vector.shape_cast %reduce_sum3A_103 : vector<1xf32> to vector<1x1x1xf32>
    %reduce_sum3A_105 = vector.extract %reduce_sum3A_104[0, 0, 0] : f32 from vector<1x1x1xf32>
    %mul3A_106 = arith.mulf %mul3A_32, %convert_element_type3A_93 : vector<1x2048xf32>
    %reduce_sum3A_107 = vector.shape_cast %mul3A_106 : vector<1x2048xf32> to vector<1x1x2048xf32>
    %reduce_sum3A_108 = arith.constant dense<0.000000e+00> : vector<1xf32>
    %reduce_sum3A_109 = vector.multi_reduction <add>, %reduce_sum3A_107, %reduce_sum3A_108 [1, 2] : vector<1x1x2048xf32> to vector<1xf32>
    %reduce_sum3A_110 = vector.shape_cast %reduce_sum3A_109 : vector<1xf32> to vector<1x1x1xf32>
    %reduce_sum3A_111 = vector.extract %reduce_sum3A_110[0, 0, 0] : f32 from vector<1x1x1xf32>
    %mul3A_112 = arith.mulf %mul3A_38, %convert_element_type3A_93 : vector<1x2048xf32>
    %reduce_sum3A_113 = vector.shape_cast %mul3A_112 : vector<1x2048xf32> to vector<1x1x2048xf32>
    %reduce_sum3A_114 = arith.constant dense<0.000000e+00> : vector<1xf32>
    %reduce_sum3A_115 = vector.multi_reduction <add>, %reduce_sum3A_113, %reduce_sum3A_114 [1, 2] : vector<1x1x2048xf32> to vector<1xf32>
    %reduce_sum3A_116 = vector.shape_cast %reduce_sum3A_115 : vector<1xf32> to vector<1x1x1xf32>
    %reduce_sum3A_117 = vector.extract %reduce_sum3A_116[0, 0, 0] : f32 from vector<1x1x1xf32>
    %mul3A_118 = arith.mulf %sub3A_47, %convert_element_type3A_93 : vector<1x2048xf32>
    %reduce_sum3A_119 = vector.shape_cast %mul3A_118 : vector<1x2048xf32> to vector<1x1x2048xf32>
    %reduce_sum3A_120 = arith.constant dense<0.000000e+00> : vector<1xf32>
    %reduce_sum3A_121 = vector.multi_reduction <add>, %reduce_sum3A_119, %reduce_sum3A_120 [1, 2] : vector<1x1x2048xf32> to vector<1xf32>
    %reduce_sum3A_122 = vector.shape_cast %reduce_sum3A_121 : vector<1xf32> to vector<1x1x1xf32>
    %reduce_sum3A_123 = vector.extract %reduce_sum3A_122[0, 0, 0] : f32 from vector<1x1x1xf32>
    %mul3A_124 = arith.mulf %mul3A_53, %convert_element_type3A_93 : vector<1x2048xf32>
    %reduce_sum3A_125 = vector.shape_cast %mul3A_124 : vector<1x2048xf32> to vector<1x1x2048xf32>
    %reduce_sum3A_126 = arith.constant dense<0.000000e+00> : vector<1xf32>
    %reduce_sum3A_127 = vector.multi_reduction <add>, %reduce_sum3A_125, %reduce_sum3A_126 [1, 2] : vector<1x1x2048xf32> to vector<1xf32>
    %reduce_sum3A_128 = vector.shape_cast %reduce_sum3A_127 : vector<1xf32> to vector<1x1x1xf32>
    %reduce_sum3A_129 = vector.extract %reduce_sum3A_128[0, 0, 0] : f32 from vector<1x1x1xf32>
    %mul3A_130 = arith.mulf %mul3A_59, %convert_element_type3A_93 : vector<1x2048xf32>
    %reduce_sum3A_131 = vector.shape_cast %mul3A_130 : vector<1x2048xf32> to vector<1x1x2048xf32>
    %reduce_sum3A_132 = arith.constant dense<0.000000e+00> : vector<1xf32>
    %reduce_sum3A_133 = vector.multi_reduction <add>, %reduce_sum3A_131, %reduce_sum3A_132 [1, 2] : vector<1x1x2048xf32> to vector<1xf32>
    %reduce_sum3A_134 = vector.shape_cast %reduce_sum3A_133 : vector<1xf32> to vector<1x1x1xf32>
    %reduce_sum3A_135 = vector.extract %reduce_sum3A_134[0, 0, 0] : f32 from vector<1x1x1xf32>
    %mul3A_136 = arith.mulf %mul3A_65, %convert_element_type3A_93 : vector<1x2048xf32>
    %reduce_sum3A_137 = vector.shape_cast %mul3A_136 : vector<1x2048xf32> to vector<1x1x2048xf32>
    %reduce_sum3A_138 = arith.constant dense<0.000000e+00> : vector<1xf32>
    %reduce_sum3A_139 = vector.multi_reduction <add>, %reduce_sum3A_137, %reduce_sum3A_138 [1, 2] : vector<1x1x2048xf32> to vector<1xf32>
    %reduce_sum3A_140 = vector.shape_cast %reduce_sum3A_139 : vector<1xf32> to vector<1x1x1xf32>
    %reduce_sum3A_141 = vector.extract %reduce_sum3A_140[0, 0, 0] : f32 from vector<1x1x1xf32>
    %mul3A_142 = arith.mulf %sub3A_74, %convert_element_type3A_93 : vector<1x2048xf32>
    %reduce_sum3A_143 = vector.shape_cast %mul3A_142 : vector<1x2048xf32> to vector<1x1x2048xf32>
    %reduce_sum3A_144 = arith.constant dense<0.000000e+00> : vector<1xf32>
    %reduce_sum3A_145 = vector.multi_reduction <add>, %reduce_sum3A_143, %reduce_sum3A_144 [1, 2] : vector<1x1x2048xf32> to vector<1xf32>
    %reduce_sum3A_146 = vector.shape_cast %reduce_sum3A_145 : vector<1xf32> to vector<1x1x1xf32>
    %reduce_sum3A_147 = vector.extract %reduce_sum3A_146[0, 0, 0] : f32 from vector<1x1x1xf32>
    %slice3A_148 = vector.extract_strided_slice %add3A_77 {offsets = [0, 0], sizes = [1, 2048], strides = [1, 1]} : vector<3x2048xf32> to vector<1x2048xf32>
    %mul3A_149 = arith.mulf %slice3A_148, %convert_element_type3A_93 : vector<1x2048xf32>
    %reduce_sum3A_150 = vector.shape_cast %mul3A_149 : vector<1x2048xf32> to vector<1x1x2048xf32>
    %reduce_sum3A_151 = arith.constant dense<0.000000e+00> : vector<1xf32>
    %reduce_sum3A_152 = vector.multi_reduction <add>, %reduce_sum3A_150, %reduce_sum3A_151 [1, 2] : vector<1x1x2048xf32> to vector<1xf32>
    %reduce_sum3A_153 = vector.shape_cast %reduce_sum3A_152 : vector<1xf32> to vector<1x1x1xf32>
    %reduce_sum3A_154 = vector.extract %reduce_sum3A_153[0, 0, 0] : f32 from vector<1x1x1xf32>
    %slice3A_155 = vector.extract_strided_slice %add3A_77 {offsets = [1, 0], sizes = [1, 2048], strides = [1, 1]} : vector<3x2048xf32> to vector<1x2048xf32>
    %mul3A_156 = arith.mulf %slice3A_155, %convert_element_type3A_93 : vector<1x2048xf32>
    %reduce_sum3A_157 = vector.shape_cast %mul3A_156 : vector<1x2048xf32> to vector<1x1x2048xf32>
    %reduce_sum3A_158 = arith.constant dense<0.000000e+00> : vector<1xf32>
    %reduce_sum3A_159 = vector.multi_reduction <add>, %reduce_sum3A_157, %reduce_sum3A_158 [1, 2] : vector<1x1x2048xf32> to vector<1xf32>
    %reduce_sum3A_160 = vector.shape_cast %reduce_sum3A_159 : vector<1xf32> to vector<1x1x1xf32>
    %reduce_sum3A_161 = vector.extract %reduce_sum3A_160[0, 0, 0] : f32 from vector<1x1x1xf32>
    %slice3A_162 = vector.extract_strided_slice %add3A_77 {offsets = [2, 0], sizes = [1, 2048], strides = [1, 1]} : vector<3x2048xf32> to vector<1x2048xf32>
    %mul3A_163 = arith.mulf %slice3A_162, %convert_element_type3A_93 : vector<1x2048xf32>
    %reduce_sum3A_164 = vector.shape_cast %mul3A_163 : vector<1x2048xf32> to vector<1x1x2048xf32>
    %reduce_sum3A_165 = arith.constant dense<0.000000e+00> : vector<1xf32>
    %reduce_sum3A_166 = vector.multi_reduction <add>, %reduce_sum3A_164, %reduce_sum3A_165 [1, 2] : vector<1x1x2048xf32> to vector<1xf32>
    %reduce_sum3A_167 = vector.shape_cast %reduce_sum3A_166 : vector<1xf32> to vector<1x1x1xf32>
    %reduce_sum3A_168 = vector.extract %reduce_sum3A_167[0, 0, 0] : f32 from vector<1x1x1xf32>
    %broadcast_in_dim3A_169 = vector.broadcast %reduce_sum3A_99 : f32 to vector<1x128xf32>
    %broadcast_in_dim3A_170 = vector.broadcast %reduce_sum3A_105 : f32 to vector<1x128xf32>
    %broadcast_in_dim3A_171 = vector.broadcast %reduce_sum3A_111 : f32 to vector<1x128xf32>
    %broadcast_in_dim3A_172 = vector.broadcast %reduce_sum3A_117 : f32 to vector<1x128xf32>
    %broadcast_in_dim3A_173 = vector.broadcast %reduce_sum3A_123 : f32 to vector<1x128xf32>
    %broadcast_in_dim3A_174 = vector.broadcast %reduce_sum3A_129 : f32 to vector<1x128xf32>
    %broadcast_in_dim3A_175 = vector.broadcast %reduce_sum3A_135 : f32 to vector<1x128xf32>
    %broadcast_in_dim3A_176 = vector.broadcast %reduce_sum3A_141 : f32 to vector<1x128xf32>
    %broadcast_in_dim3A_177 = vector.broadcast %reduce_sum3A_147 : f32 to vector<1x128xf32>
    %broadcast_in_dim3A_178 = vector.broadcast %reduce_sum3A_154 : f32 to vector<1x128xf32>
    %broadcast_in_dim3A_179 = vector.broadcast %reduce_sum3A_161 : f32 to vector<1x128xf32>
    %broadcast_in_dim3A_180 = vector.broadcast %reduce_sum3A_168 : f32 to vector<1x128xf32>
    %broadcast_in_dim3A_181 = arith.constant 0.000000e+00 : f32
    %broadcast_in_dim3A_182 = vector.broadcast %broadcast_in_dim3A_181 : f32 to vector<4x128xf32>
    %concatenate3A = tpu.concatenate %broadcast_in_dim3A_169, %broadcast_in_dim3A_170, %broadcast_in_dim3A_171, %broadcast_in_dim3A_172, %broadcast_in_dim3A_173, %broadcast_in_dim3A_174, %broadcast_in_dim3A_175, %broadcast_in_dim3A_176, %broadcast_in_dim3A_177, %broadcast_in_dim3A_178, %broadcast_in_dim3A_179, %broadcast_in_dim3A_180, %broadcast_in_dim3A_182 in 0 : vector<1x128xf32>, vector<1x128xf32>, vector<1x128xf32>, vector<1x128xf32>, vector<1x128xf32>, vector<1x128xf32>, vector<1x128xf32>, vector<1x128xf32>, vector<1x128xf32>, vector<1x128xf32>, vector<1x128xf32>, vector<1x128xf32>, vector<4x128xf32> -> vector<16x128xf32>
    %swap3A = arith.constant 0 : index
    %swap3A_183 = arith.constant 0 : index
    %swap3A_184 = vector.load %arg2[%swap3A, %swap3A_183] : memref<64x128xf32, #tpu.memory_space<vmem>>, vector<16x128xf32>
    tpu.vector_store %arg2[%swap3A, %swap3A_183], %concatenate3A {strides = array<i32>} : memref<64x128xf32, #tpu.memory_space<vmem>>, vector<16x128xf32>,
    %get3A_185 = arith.constant 1 : index
    %get3A_186 = arith.constant 0 : index
    %get3A_187 = arith.constant 0 : index
    %get3A_188 = vector.load %arg1[%get3A_185, %get3A_186, %get3A_187] : memref<4x16x2048xf32, #tpu.memory_space<vmem>>, vector<1x16x2048xf32>
    %get3A_189 = vector.shape_cast %get3A_188 : vector<1x16x2048xf32> to vector<16x2048xf32>
    %slice3A_190 = vector.extract_strided_slice %get3A_189 {offsets = [0, 0], sizes = [4, 2048], strides = [1, 1]} : vector<16x2048xf32> to vector<4x2048xf32>
    %mul3A_191 = arith.mulf %slice3A_190, %slice3A_190 : vector<4x2048xf32>
    %reduce_sum3A_192 = arith.constant dense<0.000000e+00> : vector<2048xf32>
    %reduce_sum3A_193 = vector.multi_reduction <add>, %mul3A_191, %reduce_sum3A_192 [0] : vector<4x2048xf32> to vector<2048xf32>
    %broadcast_in_dim3A_194 = vector.shape_cast %reduce_sum3A_193 : vector<2048xf32> to vector<1x2048xf32>
    %add3A_195 = arith.constant 1.000000e-30 : f32
    %add3A_196 = vector.broadcast %add3A_195 : f32 to vector<1x2048xf32>
    %add3A_197 = arith.addf %broadcast_in_dim3A_194, %add3A_196 : vector<1x2048xf32>
    %rsqrt3A_198 = math.rsqrt %add3A_197 : vector<1x2048xf32>
    %mul3A_199 = vector.broadcast %rsqrt3A_198 : vector<1x2048xf32> to vector<4x2048xf32>
    %mul3A_200 = arith.mulf %slice3A_190, %mul3A_199 : vector<4x2048xf32>
    %slice3A_201 = vector.extract_strided_slice %mul3A_200 {offsets = [0, 0], sizes = [1, 2048], strides = [1, 1]} : vector<4x2048xf32> to vector<1x2048xf32>
    %slice3A_202 = vector.extract_strided_slice %mul3A_200 {offsets = [1, 0], sizes = [1, 2048], strides = [1, 1]} : vector<4x2048xf32> to vector<1x2048xf32>
    %slice3A_203 = vector.extract_strided_slice %mul3A_200 {offsets = [2, 0], sizes = [1, 2048], strides = [1, 1]} : vector<4x2048xf32> to vector<1x2048xf32>
    %slice3A_204 = vector.extract_strided_slice %mul3A_200 {offsets = [3, 0], sizes = [1, 2048], strides = [1, 1]} : vector<4x2048xf32> to vector<1x2048xf32>
    %mul3A_205 = arith.mulf %slice3A_202, %slice3A_202 : vector<1x2048xf32>
    %mul3A_206 = arith.mulf %slice3A_203, %slice3A_203 : vector<1x2048xf32>
    %add3A_207 = arith.addf %mul3A_205, %mul3A_206 : vector<1x2048xf32>
    %mul3A_208 = arith.constant 2.000000e+00 : f32
    %mul3A_209 = vector.broadcast %mul3A_208 : f32 to vector<1x2048xf32>
    %mul3A_210 = arith.mulf %mul3A_209, %add3A_207 : vector<1x2048xf32>
    %sub3A_211 = arith.constant 1.000000e+00 : f32
    %sub3A_212 = vector.broadcast %sub3A_211 : f32 to vector<1x2048xf32>
    %sub3A_213 = arith.subf %sub3A_212, %mul3A_210 : vector<1x2048xf32>
    %mul3A_214 = arith.mulf %slice3A_201, %slice3A_202 : vector<1x2048xf32>
    %mul3A_215 = arith.mulf %slice3A_203, %slice3A_204 : vector<1x2048xf32>
    %sub3A_216 = arith.subf %mul3A_214, %mul3A_215 : vector<1x2048xf32>
    %mul3A_217 = arith.constant 2.000000e+00 : f32
    %mul3A_218 = vector.broadcast %mul3A_217 : f32 to vector<1x2048xf32>
    %mul3A_219 = arith.mulf %mul3A_218, %sub3A_216 : vector<1x2048xf32>
    %mul3A_220 = arith.mulf %slice3A_201, %slice3A_203 : vector<1x2048xf32>
    %mul3A_221 = arith.mulf %slice3A_202, %slice3A_204 : vector<1x2048xf32>
    %add3A_222 = arith.addf %mul3A_220, %mul3A_221 : vector<1x2048xf32>
    %mul3A_223 = arith.constant 2.000000e+00 : f32
    %mul3A_224 = vector.broadcast %mul3A_223 : f32 to vector<1x2048xf32>
    %mul3A_225 = arith.mulf %mul3A_224, %add3A_222 : vector<1x2048xf32>
    %mul3A_226 = arith.mulf %slice3A_201, %slice3A_202 : vector<1x2048xf32>
    %mul3A_227 = arith.mulf %slice3A_203, %slice3A_204 : vector<1x2048xf32>
    %add3A_228 = arith.addf %mul3A_226, %mul3A_227 : vector<1x2048xf32>
    %mul3A_229 = arith.constant 2.000000e+00 : f32
    %mul3A_230 = vector.broadcast %mul3A_229 : f32 to vector<1x2048xf32>
    %mul3A_231 = arith.mulf %mul3A_230, %add3A_228 : vector<1x2048xf32>
    %mul3A_232 = arith.mulf %slice3A_201, %slice3A_201 : vector<1x2048xf32>
    %mul3A_233 = arith.mulf %slice3A_203, %slice3A_203 : vector<1x2048xf32>
    %add3A_234 = arith.addf %mul3A_232, %mul3A_233 : vector<1x2048xf32>
    %mul3A_235 = arith.constant 2.000000e+00 : f32
    %mul3A_236 = vector.broadcast %mul3A_235 : f32 to vector<1x2048xf32>
    %mul3A_237 = arith.mulf %mul3A_236, %add3A_234 : vector<1x2048xf32>
    %sub3A_238 = arith.constant 1.000000e+00 : f32
    %sub3A_239 = vector.broadcast %sub3A_238 : f32 to vector<1x2048xf32>
    %sub3A_240 = arith.subf %sub3A_239, %mul3A_237 : vector<1x2048xf32>
    %mul3A_241 = arith.mulf %slice3A_202, %slice3A_203 : vector<1x2048xf32>
    %mul3A_242 = arith.mulf %slice3A_201, %slice3A_204 : vector<1x2048xf32>
    %sub3A_243 = arith.subf %mul3A_241, %mul3A_242 : vector<1x2048xf32>
    %mul3A_244 = arith.constant 2.000000e+00 : f32
    %mul3A_245 = vector.broadcast %mul3A_244 : f32 to vector<1x2048xf32>
    %mul3A_246 = arith.mulf %mul3A_245, %sub3A_243 : vector<1x2048xf32>
    %mul3A_247 = arith.mulf %slice3A_201, %slice3A_203 : vector<1x2048xf32>
    %mul3A_248 = arith.mulf %slice3A_202, %slice3A_204 : vector<1x2048xf32>
    %sub3A_249 = arith.subf %mul3A_247, %mul3A_248 : vector<1x2048xf32>
    %mul3A_250 = arith.constant 2.000000e+00 : f32
    %mul3A_251 = vector.broadcast %mul3A_250 : f32 to vector<1x2048xf32>
    %mul3A_252 = arith.mulf %mul3A_251, %sub3A_249 : vector<1x2048xf32>
    %mul3A_253 = arith.mulf %slice3A_202, %slice3A_203 : vector<1x2048xf32>
    %mul3A_254 = arith.mulf %slice3A_201, %slice3A_204 : vector<1x2048xf32>
    %add3A_255 = arith.addf %mul3A_253, %mul3A_254 : vector<1x2048xf32>
    %mul3A_256 = arith.constant 2.000000e+00 : f32
    %mul3A_257 = vector.broadcast %mul3A_256 : f32 to vector<1x2048xf32>
    %mul3A_258 = arith.mulf %mul3A_257, %add3A_255 : vector<1x2048xf32>
    %mul3A_259 = arith.mulf %slice3A_201, %slice3A_201 : vector<1x2048xf32>
    %mul3A_260 = arith.mulf %slice3A_202, %slice3A_202 : vector<1x2048xf32>
    %add3A_261 = arith.addf %mul3A_259, %mul3A_260 : vector<1x2048xf32>
    %mul3A_262 = arith.constant 2.000000e+00 : f32
    %mul3A_263 = vector.broadcast %mul3A_262 : f32 to vector<1x2048xf32>
    %mul3A_264 = arith.mulf %mul3A_263, %add3A_261 : vector<1x2048xf32>
    %sub3A_265 = arith.constant 1.000000e+00 : f32
    %sub3A_266 = vector.broadcast %sub3A_265 : f32 to vector<1x2048xf32>
    %sub3A_267 = arith.subf %sub3A_266, %mul3A_264 : vector<1x2048xf32>
    %slice3A_268 = vector.extract_strided_slice %get3A_189 {offsets = [8, 0], sizes = [3, 2048], strides = [1, 1]} : vector<16x2048xf32> to vector<3x2048xf32>
    %slice3A_269 = vector.extract_strided_slice %get3A_189 {offsets = [4, 0], sizes = [3, 2048], strides = [1, 1]} : vector<16x2048xf32> to vector<3x2048xf32>
    %add3A_270 = arith.addf %slice3A_268, %slice3A_269 : vector<3x2048xf32>
    %slice3A_271 = vector.extract_strided_slice %get3A_189 {offsets = [11, 0], sizes = [1, 2048], strides = [1, 1]} : vector<16x2048xf32> to vector<1x2048xf32>
    %max3A_272 = arith.constant 9.99999997E-7 : f32
    %max3A_273 = vector.broadcast %max3A_272 : f32 to vector<1x2048xf32>
    %max3A_274 = arith.maximumf %slice3A_271, %max3A_273 : vector<1x2048xf32>
    %iota3A_275 = tpu.iota {dimensions = array<i32: 1>} : vector<1x2048xi32>
    %reduce_max3A_276 = vector.shape_cast %max3A_274 : vector<1x2048xf32> to vector<1x1x2048xf32>
    %reduce_max3A_277 = arith.constant dense<0xFF800000> : vector<1xf32>
    %reduce_max3A_278 = vector.multi_reduction <maximumf>, %reduce_max3A_276, %reduce_max3A_277 [1, 2] : vector<1x1x2048xf32> to vector<1xf32>
    %reduce_max3A_279 = vector.shape_cast %reduce_max3A_278 : vector<1xf32> to vector<1x1x1xf32>
    %reduce_max3A_280 = vector.extract %reduce_max3A_279[0, 0, 0] : f32 from vector<1x1x1xf32>
    %eq3A_281 = vector.broadcast %reduce_max3A_280 : f32 to vector<1x2048xf32>
    %eq3A_282 = arith.cmpf oeq, %max3A_274, %eq3A_281 : vector<1x2048xf32>
    %jit3A_283 = arith.constant 2048 : i32
    %broadcast_in_dim3A_284 = vector.broadcast %jit3A_283 : i32 to vector<1x2048xi32>
    %select_n3A_285 = arith.select %eq3A_282, %iota3A_275, %broadcast_in_dim3A_284 : vector<1x2048xi1>, vector<1x2048xi32>
    %reduce_min3A_286 = vector.shape_cast %select_n3A_285 : vector<1x2048xi32> to vector<1x1x2048xi32>
    %reduce_min3A_287 = arith.constant dense<2147483647> : vector<1xi32>
    %reduce_min3A_288 = vector.multi_reduction <minsi>, %reduce_min3A_286, %reduce_min3A_287 [1, 2] : vector<1x1x2048xi32> to vector<1xi32>
    %reduce_min3A_289 = vector.shape_cast %reduce_min3A_288 : vector<1xi32> to vector<1x1x1xi32>
    %reduce_min3A_290 = vector.extract %reduce_min3A_289[0, 0, 0] : i32 from vector<1x1x1xi32>
    %eq3A_291 = vector.broadcast %reduce_min3A_290 : i32 to vector<1x2048xi32>
    %eq3A_292 = arith.cmpi eq, %iota3A_275, %eq3A_291 : vector<1x2048xi32>
    %convert_element_type3A_293 = arith.extui %eq3A_292 : vector<1x2048xi1> to vector<1x2048xi32>
    %convert_element_type3A_294 = arith.sitofp %convert_element_type3A_293 : vector<1x2048xi32> to vector<1x2048xf32>
    %mul3A_295 = arith.mulf %sub3A_213, %convert_element_type3A_294 : vector<1x2048xf32>
    %reduce_sum3A_296 = vector.shape_cast %mul3A_295 : vector<1x2048xf32> to vector<1x1x2048xf32>
    %reduce_sum3A_297 = arith.constant dense<0.000000e+00> : vector<1xf32>
    %reduce_sum3A_298 = vector.multi_reduction <add>, %reduce_sum3A_296, %reduce_sum3A_297 [1, 2] : vector<1x1x2048xf32> to vector<1xf32>
    %reduce_sum3A_299 = vector.shape_cast %reduce_sum3A_298 : vector<1xf32> to vector<1x1x1xf32>
    %reduce_sum3A_300 = vector.extract %reduce_sum3A_299[0, 0, 0] : f32 from vector<1x1x1xf32>
    %mul3A_301 = arith.mulf %mul3A_219, %convert_element_type3A_294 : vector<1x2048xf32>
    %reduce_sum3A_302 = vector.shape_cast %mul3A_301 : vector<1x2048xf32> to vector<1x1x2048xf32>
    %reduce_sum3A_303 = arith.constant dense<0.000000e+00> : vector<1xf32>
    %reduce_sum3A_304 = vector.multi_reduction <add>, %reduce_sum3A_302, %reduce_sum3A_303 [1, 2] : vector<1x1x2048xf32> to vector<1xf32>
    %reduce_sum3A_305 = vector.shape_cast %reduce_sum3A_304 : vector<1xf32> to vector<1x1x1xf32>
    %reduce_sum3A_306 = vector.extract %reduce_sum3A_305[0, 0, 0] : f32 from vector<1x1x1xf32>
    %mul3A_307 = arith.mulf %mul3A_225, %convert_element_type3A_294 : vector<1x2048xf32>
    %reduce_sum3A_308 = vector.shape_cast %mul3A_307 : vector<1x2048xf32> to vector<1x1x2048xf32>
    %reduce_sum3A_309 = arith.constant dense<0.000000e+00> : vector<1xf32>
    %reduce_sum3A_310 = vector.multi_reduction <add>, %reduce_sum3A_308, %reduce_sum3A_309 [1, 2] : vector<1x1x2048xf32> to vector<1xf32>
    %reduce_sum3A_311 = vector.shape_cast %reduce_sum3A_310 : vector<1xf32> to vector<1x1x1xf32>
    %reduce_sum3A_312 = vector.extract %reduce_sum3A_311[0, 0, 0] : f32 from vector<1x1x1xf32>
    %mul3A_313 = arith.mulf %mul3A_231, %convert_element_type3A_294 : vector<1x2048xf32>
    %reduce_sum3A_314 = vector.shape_cast %mul3A_313 : vector<1x2048xf32> to vector<1x1x2048xf32>
    %reduce_sum3A_315 = arith.constant dense<0.000000e+00> : vector<1xf32>
    %reduce_sum3A_316 = vector.multi_reduction <add>, %reduce_sum3A_314, %reduce_sum3A_315 [1, 2] : vector<1x1x2048xf32> to vector<1xf32>
    %reduce_sum3A_317 = vector.shape_cast %reduce_sum3A_316 : vector<1xf32> to vector<1x1x1xf32>
    %reduce_sum3A_318 = vector.extract %reduce_sum3A_317[0, 0, 0] : f32 from vector<1x1x1xf32>
    %mul3A_319 = arith.mulf %sub3A_240, %convert_element_type3A_294 : vector<1x2048xf32>
    %reduce_sum3A_320 = vector.shape_cast %mul3A_319 : vector<1x2048xf32> to vector<1x1x2048xf32>
    %reduce_sum3A_321 = arith.constant dense<0.000000e+00> : vector<1xf32>
    %reduce_sum3A_322 = vector.multi_reduction <add>, %reduce_sum3A_320, %reduce_sum3A_321 [1, 2] : vector<1x1x2048xf32> to vector<1xf32>
    %reduce_sum3A_323 = vector.shape_cast %reduce_sum3A_322 : vector<1xf32> to vector<1x1x1xf32>
    %reduce_sum3A_324 = vector.extract %reduce_sum3A_323[0, 0, 0] : f32 from vector<1x1x1xf32>
    %mul3A_325 = arith.mulf %mul3A_246, %convert_element_type3A_294 : vector<1x2048xf32>
    %reduce_sum3A_326 = vector.shape_cast %mul3A_325 : vector<1x2048xf32> to vector<1x1x2048xf32>
    %reduce_sum3A_327 = arith.constant dense<0.000000e+00> : vector<1xf32>
    %reduce_sum3A_328 = vector.multi_reduction <add>, %reduce_sum3A_326, %reduce_sum3A_327 [1, 2] : vector<1x1x2048xf32> to vector<1xf32>
    %reduce_sum3A_329 = vector.shape_cast %reduce_sum3A_328 : vector<1xf32> to vector<1x1x1xf32>
    %reduce_sum3A_330 = vector.extract %reduce_sum3A_329[0, 0, 0] : f32 from vector<1x1x1xf32>
    %mul3A_331 = arith.mulf %mul3A_252, %convert_element_type3A_294 : vector<1x2048xf32>
    %reduce_sum3A_332 = vector.shape_cast %mul3A_331 : vector<1x2048xf32> to vector<1x1x2048xf32>
    %reduce_sum3A_333 = arith.constant dense<0.000000e+00> : vector<1xf32>
    %reduce_sum3A_334 = vector.multi_reduction <add>, %reduce_sum3A_332, %reduce_sum3A_333 [1, 2] : vector<1x1x2048xf32> to vector<1xf32>
    %reduce_sum3A_335 = vector.shape_cast %reduce_sum3A_334 : vector<1xf32> to vector<1x1x1xf32>
    %reduce_sum3A_336 = vector.extract %reduce_sum3A_335[0, 0, 0] : f32 from vector<1x1x1xf32>
    %mul3A_337 = arith.mulf %mul3A_258, %convert_element_type3A_294 : vector<1x2048xf32>
    %reduce_sum3A_338 = vector.shape_cast %mul3A_337 : vector<1x2048xf32> to vector<1x1x2048xf32>
    %reduce_sum3A_339 = arith.constant dense<0.000000e+00> : vector<1xf32>
    %reduce_sum3A_340 = vector.multi_reduction <add>, %reduce_sum3A_338, %reduce_sum3A_339 [1, 2] : vector<1x1x2048xf32> to vector<1xf32>
    %reduce_sum3A_341 = vector.shape_cast %reduce_sum3A_340 : vector<1xf32> to vector<1x1x1xf32>
    %reduce_sum3A_342 = vector.extract %reduce_sum3A_341[0, 0, 0] : f32 from vector<1x1x1xf32>
    %mul3A_343 = arith.mulf %sub3A_267, %convert_element_type3A_294 : vector<1x2048xf32>
    %reduce_sum3A_344 = vector.shape_cast %mul3A_343 : vector<1x2048xf32> to vector<1x1x2048xf32>
    %reduce_sum3A_345 = arith.constant dense<0.000000e+00> : vector<1xf32>
    %reduce_sum3A_346 = vector.multi_reduction <add>, %reduce_sum3A_344, %reduce_sum3A_345 [1, 2] : vector<1x1x2048xf32> to vector<1xf32>
    %reduce_sum3A_347 = vector.shape_cast %reduce_sum3A_346 : vector<1xf32> to vector<1x1x1xf32>
    %reduce_sum3A_348 = vector.extract %reduce_sum3A_347[0, 0, 0] : f32 from vector<1x1x1xf32>
    %slice3A_349 = vector.extract_strided_slice %add3A_270 {offsets = [0, 0], sizes = [1, 2048], strides = [1, 1]} : vector<3x2048xf32> to vector<1x2048xf32>
    %mul3A_350 = arith.mulf %slice3A_349, %convert_element_type3A_294 : vector<1x2048xf32>
    %reduce_sum3A_351 = vector.shape_cast %mul3A_350 : vector<1x2048xf32> to vector<1x1x2048xf32>
    %reduce_sum3A_352 = arith.constant dense<0.000000e+00> : vector<1xf32>
    %reduce_sum3A_353 = vector.multi_reduction <add>, %reduce_sum3A_351, %reduce_sum3A_352 [1, 2] : vector<1x1x2048xf32> to vector<1xf32>
    %reduce_sum3A_354 = vector.shape_cast %reduce_sum3A_353 : vector<1xf32> to vector<1x1x1xf32>
    %reduce_sum3A_355 = vector.extract %reduce_sum3A_354[0, 0, 0] : f32 from vector<1x1x1xf32>
    %slice3A_356 = vector.extract_strided_slice %add3A_270 {offsets = [1, 0], sizes = [1, 2048], strides = [1, 1]} : vector<3x2048xf32> to vector<1x2048xf32>
    %mul3A_357 = arith.mulf %slice3A_356, %convert_element_type3A_294 : vector<1x2048xf32>
    %reduce_sum3A_358 = vector.shape_cast %mul3A_357 : vector<1x2048xf32> to vector<1x1x2048xf32>
    %reduce_sum3A_359 = arith.constant dense<0.000000e+00> : vector<1xf32>
    %reduce_sum3A_360 = vector.multi_reduction <add>, %reduce_sum3A_358, %reduce_sum3A_359 [1, 2] : vector<1x1x2048xf32> to vector<1xf32>
    %reduce_sum3A_361 = vector.shape_cast %reduce_sum3A_360 : vector<1xf32> to vector<1x1x1xf32>
    %reduce_sum3A_362 = vector.extract %reduce_sum3A_361[0, 0, 0] : f32 from vector<1x1x1xf32>
    %slice3A_363 = vector.extract_strided_slice %add3A_270 {offsets = [2, 0], sizes = [1, 2048], strides = [1, 1]} : vector<3x2048xf32> to vector<1x2048xf32>
    %mul3A_364 = arith.mulf %slice3A_363, %convert_element_type3A_294 : vector<1x2048xf32>
    %reduce_sum3A_365 = vector.shape_cast %mul3A_364 : vector<1x2048xf32> to vector<1x1x2048xf32>
    %reduce_sum3A_366 = arith.constant dense<0.000000e+00> : vector<1xf32>
    %reduce_sum3A_367 = vector.multi_reduction <add>, %reduce_sum3A_365, %reduce_sum3A_366 [1, 2] : vector<1x1x2048xf32> to vector<1xf32>
    %reduce_sum3A_368 = vector.shape_cast %reduce_sum3A_367 : vector<1xf32> to vector<1x1x1xf32>
    %reduce_sum3A_369 = vector.extract %reduce_sum3A_368[0, 0, 0] : f32 from vector<1x1x1xf32>
    %broadcast_in_dim3A_370 = vector.broadcast %reduce_sum3A_300 : f32 to vector<1x128xf32>
    %broadcast_in_dim3A_371 = vector.broadcast %reduce_sum3A_306 : f32 to vector<1x128xf32>
    %broadcast_in_dim3A_372 = vector.broadcast %reduce_sum3A_312 : f32 to vector<1x128xf32>
    %broadcast_in_dim3A_373 = vector.broadcast %reduce_sum3A_318 : f32 to vector<1x128xf32>
    %broadcast_in_dim3A_374 = vector.broadcast %reduce_sum3A_324 : f32 to vector<1x128xf32>
    %broadcast_in_dim3A_375 = vector.broadcast %reduce_sum3A_330 : f32 to vector<1x128xf32>
    %broadcast_in_dim3A_376 = vector.broadcast %reduce_sum3A_336 : f32 to vector<1x128xf32>
    %broadcast_in_dim3A_377 = vector.broadcast %reduce_sum3A_342 : f32 to vector<1x128xf32>
    %broadcast_in_dim3A_378 = vector.broadcast %reduce_sum3A_348 : f32 to vector<1x128xf32>
    %broadcast_in_dim3A_379 = vector.broadcast %reduce_sum3A_355 : f32 to vector<1x128xf32>
    %broadcast_in_dim3A_380 = vector.broadcast %reduce_sum3A_362 : f32 to vector<1x128xf32>
    %broadcast_in_dim3A_381 = vector.broadcast %reduce_sum3A_369 : f32 to vector<1x128xf32>
    %broadcast_in_dim3A_382 = arith.constant 0.000000e+00 : f32
    %broadcast_in_dim3A_383 = vector.broadcast %broadcast_in_dim3A_382 : f32 to vector<4x128xf32>
    %concatenate3A_384 = tpu.concatenate %broadcast_in_dim3A_370, %broadcast_in_dim3A_371, %broadcast_in_dim3A_372, %broadcast_in_dim3A_373, %broadcast_in_dim3A_374, %broadcast_in_dim3A_375, %broadcast_in_dim3A_376, %broadcast_in_dim3A_377, %broadcast_in_dim3A_378, %broadcast_in_dim3A_379, %broadcast_in_dim3A_380, %broadcast_in_dim3A_381, %broadcast_in_dim3A_383 in 0 : vector<1x128xf32>, vector<1x128xf32>, vector<1x128xf32>, vector<1x128xf32>, vector<1x128xf32>, vector<1x128xf32>, vector<1x128xf32>, vector<1x128xf32>, vector<1x128xf32>, vector<1x128xf32>, vector<1x128xf32>, vector<1x128xf32>, vector<4x128xf32> -> vector<16x128xf32>
    %swap3A_385 = arith.constant 16 : index
    %swap3A_386 = arith.constant 0 : index
    %swap3A_387 = vector.load %arg2[%swap3A_385, %swap3A_386] : memref<64x128xf32, #tpu.memory_space<vmem>>, vector<16x128xf32>
    tpu.vector_store %arg2[%swap3A_385, %swap3A_386], %concatenate3A_384 {strides = array<i32>} : memref<64x128xf32, #tpu.memory_space<vmem>>, vector<16x128xf32>,
    %get3A_388 = arith.constant 2 : index
    %get3A_389 = arith.constant 0 : index
    %get3A_390 = arith.constant 0 : index
    %get3A_391 = vector.load %arg1[%get3A_388, %get3A_389, %get3A_390] : memref<4x16x2048xf32, #tpu.memory_space<vmem>>, vector<1x16x2048xf32>
    %get3A_392 = vector.shape_cast %get3A_391 : vector<1x16x2048xf32> to vector<16x2048xf32>
    %slice3A_393 = vector.extract_strided_slice %get3A_392 {offsets = [0, 0], sizes = [4, 2048], strides = [1, 1]} : vector<16x2048xf32> to vector<4x2048xf32>
    %mul3A_394 = arith.mulf %slice3A_393, %slice3A_393 : vector<4x2048xf32>
    %reduce_sum3A_395 = arith.constant dense<0.000000e+00> : vector<2048xf32>
    %reduce_sum3A_396 = vector.multi_reduction <add>, %mul3A_394, %reduce_sum3A_395 [0] : vector<4x2048xf32> to vector<2048xf32>
    %broadcast_in_dim3A_397 = vector.shape_cast %reduce_sum3A_396 : vector<2048xf32> to vector<1x2048xf32>
    %add3A_398 = arith.constant 1.000000e-30 : f32
    %add3A_399 = vector.broadcast %add3A_398 : f32 to vector<1x2048xf32>
    %add3A_400 = arith.addf %broadcast_in_dim3A_397, %add3A_399 : vector<1x2048xf32>
    %rsqrt3A_401 = math.rsqrt %add3A_400 : vector<1x2048xf32>
    %mul3A_402 = vector.broadcast %rsqrt3A_401 : vector<1x2048xf32> to vector<4x2048xf32>
    %mul3A_403 = arith.mulf %slice3A_393, %mul3A_402 : vector<4x2048xf32>
    %slice3A_404 = vector.extract_strided_slice %mul3A_403 {offsets = [0, 0], sizes = [1, 2048], strides = [1, 1]} : vector<4x2048xf32> to vector<1x2048xf32>
    %slice3A_405 = vector.extract_strided_slice %mul3A_403 {offsets = [1, 0], sizes = [1, 2048], strides = [1, 1]} : vector<4x2048xf32> to vector<1x2048xf32>
    %slice3A_406 = vector.extract_strided_slice %mul3A_403 {offsets = [2, 0], sizes = [1, 2048], strides = [1, 1]} : vector<4x2048xf32> to vector<1x2048xf32>
    %slice3A_407 = vector.extract_strided_slice %mul3A_403 {offsets = [3, 0], sizes = [1, 2048], strides = [1, 1]} : vector<4x2048xf32> to vector<1x2048xf32>
    %mul3A_408 = arith.mulf %slice3A_405, %slice3A_405 : vector<1x2048xf32>
    %mul3A_409 = arith.mulf %slice3A_406, %slice3A_406 : vector<1x2048xf32>
    %add3A_410 = arith.addf %mul3A_408, %mul3A_409 : vector<1x2048xf32>
    %mul3A_411 = arith.constant 2.000000e+00 : f32
    %mul3A_412 = vector.broadcast %mul3A_411 : f32 to vector<1x2048xf32>
    %mul3A_413 = arith.mulf %mul3A_412, %add3A_410 : vector<1x2048xf32>
    %sub3A_414 = arith.constant 1.000000e+00 : f32
    %sub3A_415 = vector.broadcast %sub3A_414 : f32 to vector<1x2048xf32>
    %sub3A_416 = arith.subf %sub3A_415, %mul3A_413 : vector<1x2048xf32>
    %mul3A_417 = arith.mulf %slice3A_404, %slice3A_405 : vector<1x2048xf32>
    %mul3A_418 = arith.mulf %slice3A_406, %slice3A_407 : vector<1x2048xf32>
    %sub3A_419 = arith.subf %mul3A_417, %mul3A_418 : vector<1x2048xf32>
    %mul3A_420 = arith.constant 2.000000e+00 : f32
    %mul3A_421 = vector.broadcast %mul3A_420 : f32 to vector<1x2048xf32>
    %mul3A_422 = arith.mulf %mul3A_421, %sub3A_419 : vector<1x2048xf32>
    %mul3A_423 = arith.mulf %slice3A_404, %slice3A_406 : vector<1x2048xf32>
    %mul3A_424 = arith.mulf %slice3A_405, %slice3A_407 : vector<1x2048xf32>
    %add3A_425 = arith.addf %mul3A_423, %mul3A_424 : vector<1x2048xf32>
    %mul3A_426 = arith.constant 2.000000e+00 : f32
    %mul3A_427 = vector.broadcast %mul3A_426 : f32 to vector<1x2048xf32>
    %mul3A_428 = arith.mulf %mul3A_427, %add3A_425 : vector<1x2048xf32>
    %mul3A_429 = arith.mulf %slice3A_404, %slice3A_405 : vector<1x2048xf32>
    %mul3A_430 = arith.mulf %slice3A_406, %slice3A_407 : vector<1x2048xf32>
    %add3A_431 = arith.addf %mul3A_429, %mul3A_430 : vector<1x2048xf32>
    %mul3A_432 = arith.constant 2.000000e+00 : f32
    %mul3A_433 = vector.broadcast %mul3A_432 : f32 to vector<1x2048xf32>
    %mul3A_434 = arith.mulf %mul3A_433, %add3A_431 : vector<1x2048xf32>
    %mul3A_435 = arith.mulf %slice3A_404, %slice3A_404 : vector<1x2048xf32>
    %mul3A_436 = arith.mulf %slice3A_406, %slice3A_406 : vector<1x2048xf32>
    %add3A_437 = arith.addf %mul3A_435, %mul3A_436 : vector<1x2048xf32>
    %mul3A_438 = arith.constant 2.000000e+00 : f32
    %mul3A_439 = vector.broadcast %mul3A_438 : f32 to vector<1x2048xf32>
    %mul3A_440 = arith.mulf %mul3A_439, %add3A_437 : vector<1x2048xf32>
    %sub3A_441 = arith.constant 1.000000e+00 : f32
    %sub3A_442 = vector.broadcast %sub3A_441 : f32 to vector<1x2048xf32>
    %sub3A_443 = arith.subf %sub3A_442, %mul3A_440 : vector<1x2048xf32>
    %mul3A_444 = arith.mulf %slice3A_405, %slice3A_406 : vector<1x2048xf32>
    %mul3A_445 = arith.mulf %slice3A_404, %slice3A_407 : vector<1x2048xf32>
    %sub3A_446 = arith.subf %mul3A_444, %mul3A_445 : vector<1x2048xf32>
    %mul3A_447 = arith.constant 2.000000e+00 : f32
    %mul3A_448 = vector.broadcast %mul3A_447 : f32 to vector<1x2048xf32>
    %mul3A_449 = arith.mulf %mul3A_448, %sub3A_446 : vector<1x2048xf32>
    %mul3A_450 = arith.mulf %slice3A_404, %slice3A_406 : vector<1x2048xf32>
    %mul3A_451 = arith.mulf %slice3A_405, %slice3A_407 : vector<1x2048xf32>
    %sub3A_452 = arith.subf %mul3A_450, %mul3A_451 : vector<1x2048xf32>
    %mul3A_453 = arith.constant 2.000000e+00 : f32
    %mul3A_454 = vector.broadcast %mul3A_453 : f32 to vector<1x2048xf32>
    %mul3A_455 = arith.mulf %mul3A_454, %sub3A_452 : vector<1x2048xf32>
    %mul3A_456 = arith.mulf %slice3A_405, %slice3A_406 : vector<1x2048xf32>
    %mul3A_457 = arith.mulf %slice3A_404, %slice3A_407 : vector<1x2048xf32>
    %add3A_458 = arith.addf %mul3A_456, %mul3A_457 : vector<1x2048xf32>
    %mul3A_459 = arith.constant 2.000000e+00 : f32
    %mul3A_460 = vector.broadcast %mul3A_459 : f32 to vector<1x2048xf32>
    %mul3A_461 = arith.mulf %mul3A_460, %add3A_458 : vector<1x2048xf32>
    %mul3A_462 = arith.mulf %slice3A_404, %slice3A_404 : vector<1x2048xf32>
    %mul3A_463 = arith.mulf %slice3A_405, %slice3A_405 : vector<1x2048xf32>
    %add3A_464 = arith.addf %mul3A_462, %mul3A_463 : vector<1x2048xf32>
    %mul3A_465 = arith.constant 2.000000e+00 : f32
    %mul3A_466 = vector.broadcast %mul3A_465 : f32 to vector<1x2048xf32>
    %mul3A_467 = arith.mulf %mul3A_466, %add3A_464 : vector<1x2048xf32>
    %sub3A_468 = arith.constant 1.000000e+00 : f32
    %sub3A_469 = vector.broadcast %sub3A_468 : f32 to vector<1x2048xf32>
    %sub3A_470 = arith.subf %sub3A_469, %mul3A_467 : vector<1x2048xf32>
    %slice3A_471 = vector.extract_strided_slice %get3A_392 {offsets = [8, 0], sizes = [3, 2048], strides = [1, 1]} : vector<16x2048xf32> to vector<3x2048xf32>
    %slice3A_472 = vector.extract_strided_slice %get3A_392 {offsets = [4, 0], sizes = [3, 2048], strides = [1, 1]} : vector<16x2048xf32> to vector<3x2048xf32>
    %add3A_473 = arith.addf %slice3A_471, %slice3A_472 : vector<3x2048xf32>
    %slice3A_474 = vector.extract_strided_slice %get3A_392 {offsets = [11, 0], sizes = [1, 2048], strides = [1, 1]} : vector<16x2048xf32> to vector<1x2048xf32>
    %max3A_475 = arith.constant 9.99999997E-7 : f32
    %max3A_476 = vector.broadcast %max3A_475 : f32 to vector<1x2048xf32>
    %max3A_477 = arith.maximumf %slice3A_474, %max3A_476 : vector<1x2048xf32>
    %iota3A_478 = tpu.iota {dimensions = array<i32: 1>} : vector<1x2048xi32>
    %reduce_max3A_479 = vector.shape_cast %max3A_477 : vector<1x2048xf32> to vector<1x1x2048xf32>
    %reduce_max3A_480 = arith.constant dense<0xFF800000> : vector<1xf32>
    %reduce_max3A_481 = vector.multi_reduction <maximumf>, %reduce_max3A_479, %reduce_max3A_480 [1, 2] : vector<1x1x2048xf32> to vector<1xf32>
    %reduce_max3A_482 = vector.shape_cast %reduce_max3A_481 : vector<1xf32> to vector<1x1x1xf32>
    %reduce_max3A_483 = vector.extract %reduce_max3A_482[0, 0, 0] : f32 from vector<1x1x1xf32>
    %eq3A_484 = vector.broadcast %reduce_max3A_483 : f32 to vector<1x2048xf32>
    %eq3A_485 = arith.cmpf oeq, %max3A_477, %eq3A_484 : vector<1x2048xf32>
    %jit3A_486 = arith.constant 2048 : i32
    %broadcast_in_dim3A_487 = vector.broadcast %jit3A_486 : i32 to vector<1x2048xi32>
    %select_n3A_488 = arith.select %eq3A_485, %iota3A_478, %broadcast_in_dim3A_487 : vector<1x2048xi1>, vector<1x2048xi32>
    %reduce_min3A_489 = vector.shape_cast %select_n3A_488 : vector<1x2048xi32> to vector<1x1x2048xi32>
    %reduce_min3A_490 = arith.constant dense<2147483647> : vector<1xi32>
    %reduce_min3A_491 = vector.multi_reduction <minsi>, %reduce_min3A_489, %reduce_min3A_490 [1, 2] : vector<1x1x2048xi32> to vector<1xi32>
    %reduce_min3A_492 = vector.shape_cast %reduce_min3A_491 : vector<1xi32> to vector<1x1x1xi32>
    %reduce_min3A_493 = vector.extract %reduce_min3A_492[0, 0, 0] : i32 from vector<1x1x1xi32>
    %eq3A_494 = vector.broadcast %reduce_min3A_493 : i32 to vector<1x2048xi32>
    %eq3A_495 = arith.cmpi eq, %iota3A_478, %eq3A_494 : vector<1x2048xi32>
    %convert_element_type3A_496 = arith.extui %eq3A_495 : vector<1x2048xi1> to vector<1x2048xi32>
    %convert_element_type3A_497 = arith.sitofp %convert_element_type3A_496 : vector<1x2048xi32> to vector<1x2048xf32>
    %mul3A_498 = arith.mulf %sub3A_416, %convert_element_type3A_497 : vector<1x2048xf32>
    %reduce_sum3A_499 = vector.shape_cast %mul3A_498 : vector<1x2048xf32> to vector<1x1x2048xf32>
    %reduce_sum3A_500 = arith.constant dense<0.000000e+00> : vector<1xf32>
    %reduce_sum3A_501 = vector.multi_reduction <add>, %reduce_sum3A_499, %reduce_sum3A_500 [1, 2] : vector<1x1x2048xf32> to vector<1xf32>
    %reduce_sum3A_502 = vector.shape_cast %reduce_sum3A_501 : vector<1xf32> to vector<1x1x1xf32>
    %reduce_sum3A_503 = vector.extract %reduce_sum3A_502[0, 0, 0] : f32 from vector<1x1x1xf32>
    %mul3A_504 = arith.mulf %mul3A_422, %convert_element_type3A_497 : vector<1x2048xf32>
    %reduce_sum3A_505 = vector.shape_cast %mul3A_504 : vector<1x2048xf32> to vector<1x1x2048xf32>
    %reduce_sum3A_506 = arith.constant dense<0.000000e+00> : vector<1xf32>
    %reduce_sum3A_507 = vector.multi_reduction <add>, %reduce_sum3A_505, %reduce_sum3A_506 [1, 2] : vector<1x1x2048xf32> to vector<1xf32>
    %reduce_sum3A_508 = vector.shape_cast %reduce_sum3A_507 : vector<1xf32> to vector<1x1x1xf32>
    %reduce_sum3A_509 = vector.extract %reduce_sum3A_508[0, 0, 0] : f32 from vector<1x1x1xf32>
    %mul3A_510 = arith.mulf %mul3A_428, %convert_element_type3A_497 : vector<1x2048xf32>
    %reduce_sum3A_511 = vector.shape_cast %mul3A_510 : vector<1x2048xf32> to vector<1x1x2048xf32>
    %reduce_sum3A_512 = arith.constant dense<0.000000e+00> : vector<1xf32>
    %reduce_sum3A_513 = vector.multi_reduction <add>, %reduce_sum3A_511, %reduce_sum3A_512 [1, 2] : vector<1x1x2048xf32> to vector<1xf32>
    %reduce_sum3A_514 = vector.shape_cast %reduce_sum3A_513 : vector<1xf32> to vector<1x1x1xf32>
    %reduce_sum3A_515 = vector.extract %reduce_sum3A_514[0, 0, 0] : f32 from vector<1x1x1xf32>
    %mul3A_516 = arith.mulf %mul3A_434, %convert_element_type3A_497 : vector<1x2048xf32>
    %reduce_sum3A_517 = vector.shape_cast %mul3A_516 : vector<1x2048xf32> to vector<1x1x2048xf32>
    %reduce_sum3A_518 = arith.constant dense<0.000000e+00> : vector<1xf32>
    %reduce_sum3A_519 = vector.multi_reduction <add>, %reduce_sum3A_517, %reduce_sum3A_518 [1, 2] : vector<1x1x2048xf32> to vector<1xf32>
    %reduce_sum3A_520 = vector.shape_cast %reduce_sum3A_519 : vector<1xf32> to vector<1x1x1xf32>
    %reduce_sum3A_521 = vector.extract %reduce_sum3A_520[0, 0, 0] : f32 from vector<1x1x1xf32>
    %mul3A_522 = arith.mulf %sub3A_443, %convert_element_type3A_497 : vector<1x2048xf32>
    %reduce_sum3A_523 = vector.shape_cast %mul3A_522 : vector<1x2048xf32> to vector<1x1x2048xf32>
    %reduce_sum3A_524 = arith.constant dense<0.000000e+00> : vector<1xf32>
    %reduce_sum3A_525 = vector.multi_reduction <add>, %reduce_sum3A_523, %reduce_sum3A_524 [1, 2] : vector<1x1x2048xf32> to vector<1xf32>
    %reduce_sum3A_526 = vector.shape_cast %reduce_sum3A_525 : vector<1xf32> to vector<1x1x1xf32>
    %reduce_sum3A_527 = vector.extract %reduce_sum3A_526[0, 0, 0] : f32 from vector<1x1x1xf32>
    %mul3A_528 = arith.mulf %mul3A_449, %convert_element_type3A_497 : vector<1x2048xf32>
    %reduce_sum3A_529 = vector.shape_cast %mul3A_528 : vector<1x2048xf32> to vector<1x1x2048xf32>
    %reduce_sum3A_530 = arith.constant dense<0.000000e+00> : vector<1xf32>
    %reduce_sum3A_531 = vector.multi_reduction <add>, %reduce_sum3A_529, %reduce_sum3A_530 [1, 2] : vector<1x1x2048xf32> to vector<1xf32>
    %reduce_sum3A_532 = vector.shape_cast %reduce_sum3A_531 : vector<1xf32> to vector<1x1x1xf32>
    %reduce_sum3A_533 = vector.extract %reduce_sum3A_532[0, 0, 0] : f32 from vector<1x1x1xf32>
    %mul3A_534 = arith.mulf %mul3A_455, %convert_element_type3A_497 : vector<1x2048xf32>
    %reduce_sum3A_535 = vector.shape_cast %mul3A_534 : vector<1x2048xf32> to vector<1x1x2048xf32>
    %reduce_sum3A_536 = arith.constant dense<0.000000e+00> : vector<1xf32>
    %reduce_sum3A_537 = vector.multi_reduction <add>, %reduce_sum3A_535, %reduce_sum3A_536 [1, 2] : vector<1x1x2048xf32> to vector<1xf32>
    %reduce_sum3A_538 = vector.shape_cast %reduce_sum3A_537 : vector<1xf32> to vector<1x1x1xf32>
    %reduce_sum3A_539 = vector.extract %reduce_sum3A_538[0, 0, 0] : f32 from vector<1x1x1xf32>
    %mul3A_540 = arith.mulf %mul3A_461, %convert_element_type3A_497 : vector<1x2048xf32>
    %reduce_sum3A_541 = vector.shape_cast %mul3A_540 : vector<1x2048xf32> to vector<1x1x2048xf32>
    %reduce_sum3A_542 = arith.constant dense<0.000000e+00> : vector<1xf32>
    %reduce_sum3A_543 = vector.multi_reduction <add>, %reduce_sum3A_541, %reduce_sum3A_542 [1, 2] : vector<1x1x2048xf32> to vector<1xf32>
    %reduce_sum3A_544 = vector.shape_cast %reduce_sum3A_543 : vector<1xf32> to vector<1x1x1xf32>
    %reduce_sum3A_545 = vector.extract %reduce_sum3A_544[0, 0, 0] : f32 from vector<1x1x1xf32>
    %mul3A_546 = arith.mulf %sub3A_470, %convert_element_type3A_497 : vector<1x2048xf32>
    %reduce_sum3A_547 = vector.shape_cast %mul3A_546 : vector<1x2048xf32> to vector<1x1x2048xf32>
    %reduce_sum3A_548 = arith.constant dense<0.000000e+00> : vector<1xf32>
    %reduce_sum3A_549 = vector.multi_reduction <add>, %reduce_sum3A_547, %reduce_sum3A_548 [1, 2] : vector<1x1x2048xf32> to vector<1xf32>
    %reduce_sum3A_550 = vector.shape_cast %reduce_sum3A_549 : vector<1xf32> to vector<1x1x1xf32>
    %reduce_sum3A_551 = vector.extract %reduce_sum3A_550[0, 0, 0] : f32 from vector<1x1x1xf32>
    %slice3A_552 = vector.extract_strided_slice %add3A_473 {offsets = [0, 0], sizes = [1, 2048], strides = [1, 1]} : vector<3x2048xf32> to vector<1x2048xf32>
    %mul3A_553 = arith.mulf %slice3A_552, %convert_element_type3A_497 : vector<1x2048xf32>
    %reduce_sum3A_554 = vector.shape_cast %mul3A_553 : vector<1x2048xf32> to vector<1x1x2048xf32>
    %reduce_sum3A_555 = arith.constant dense<0.000000e+00> : vector<1xf32>
    %reduce_sum3A_556 = vector.multi_reduction <add>, %reduce_sum3A_554, %reduce_sum3A_555 [1, 2] : vector<1x1x2048xf32> to vector<1xf32>
    %reduce_sum3A_557 = vector.shape_cast %reduce_sum3A_556 : vector<1xf32> to vector<1x1x1xf32>
    %reduce_sum3A_558 = vector.extract %reduce_sum3A_557[0, 0, 0] : f32 from vector<1x1x1xf32>
    %slice3A_559 = vector.extract_strided_slice %add3A_473 {offsets = [1, 0], sizes = [1, 2048], strides = [1, 1]} : vector<3x2048xf32> to vector<1x2048xf32>
    %mul3A_560 = arith.mulf %slice3A_559, %convert_element_type3A_497 : vector<1x2048xf32>
    %reduce_sum3A_561 = vector.shape_cast %mul3A_560 : vector<1x2048xf32> to vector<1x1x2048xf32>
    %reduce_sum3A_562 = arith.constant dense<0.000000e+00> : vector<1xf32>
    %reduce_sum3A_563 = vector.multi_reduction <add>, %reduce_sum3A_561, %reduce_sum3A_562 [1, 2] : vector<1x1x2048xf32> to vector<1xf32>
    %reduce_sum3A_564 = vector.shape_cast %reduce_sum3A_563 : vector<1xf32> to vector<1x1x1xf32>
    %reduce_sum3A_565 = vector.extract %reduce_sum3A_564[0, 0, 0] : f32 from vector<1x1x1xf32>
    %slice3A_566 = vector.extract_strided_slice %add3A_473 {offsets = [2, 0], sizes = [1, 2048], strides = [1, 1]} : vector<3x2048xf32> to vector<1x2048xf32>
    %mul3A_567 = arith.mulf %slice3A_566, %convert_element_type3A_497 : vector<1x2048xf32>
    %reduce_sum3A_568 = vector.shape_cast %mul3A_567 : vector<1x2048xf32> to vector<1x1x2048xf32>
    %reduce_sum3A_569 = arith.constant dense<0.000000e+00> : vector<1xf32>
    %reduce_sum3A_570 = vector.multi_reduction <add>, %reduce_sum3A_568, %reduce_sum3A_569 [1, 2] : vector<1x1x2048xf32> to vector<1xf32>
    %reduce_sum3A_571 = vector.shape_cast %reduce_sum3A_570 : vector<1xf32> to vector<1x1x1xf32>
    %reduce_sum3A_572 = vector.extract %reduce_sum3A_571[0, 0, 0] : f32 from vector<1x1x1xf32>
    %broadcast_in_dim3A_573 = vector.broadcast %reduce_sum3A_503 : f32 to vector<1x128xf32>
    %broadcast_in_dim3A_574 = vector.broadcast %reduce_sum3A_509 : f32 to vector<1x128xf32>
    %broadcast_in_dim3A_575 = vector.broadcast %reduce_sum3A_515 : f32 to vector<1x128xf32>
    %broadcast_in_dim3A_576 = vector.broadcast %reduce_sum3A_521 : f32 to vector<1x128xf32>
    %broadcast_in_dim3A_577 = vector.broadcast %reduce_sum3A_527 : f32 to vector<1x128xf32>
    %broadcast_in_dim3A_578 = vector.broadcast %reduce_sum3A_533 : f32 to vector<1x128xf32>
    %broadcast_in_dim3A_579 = vector.broadcast %reduce_sum3A_539 : f32 to vector<1x128xf32>
    %broadcast_in_dim3A_580 = vector.broadcast %reduce_sum3A_545 : f32 to vector<1x128xf32>
    %broadcast_in_dim3A_581 = vector.broadcast %reduce_sum3A_551 : f32 to vector<1x128xf32>
    %broadcast_in_dim3A_582 = vector.broadcast %reduce_sum3A_558 : f32 to vector<1x128xf32>
    %broadcast_in_dim3A_583 = vector.broadcast %reduce_sum3A_565 : f32 to vector<1x128xf32>
    %broadcast_in_dim3A_584 = vector.broadcast %reduce_sum3A_572 : f32 to vector<1x128xf32>
    %broadcast_in_dim3A_585 = arith.constant 0.000000e+00 : f32
    %broadcast_in_dim3A_586 = vector.broadcast %broadcast_in_dim3A_585 : f32 to vector<4x128xf32>
    %concatenate3A_587 = tpu.concatenate %broadcast_in_dim3A_573, %broadcast_in_dim3A_574, %broadcast_in_dim3A_575, %broadcast_in_dim3A_576, %broadcast_in_dim3A_577, %broadcast_in_dim3A_578, %broadcast_in_dim3A_579, %broadcast_in_dim3A_580, %broadcast_in_dim3A_581, %broadcast_in_dim3A_582, %broadcast_in_dim3A_583, %broadcast_in_dim3A_584, %broadcast_in_dim3A_586 in 0 : vector<1x128xf32>, vector<1x128xf32>, vector<1x128xf32>, vector<1x128xf32>, vector<1x128xf32>, vector<1x128xf32>, vector<1x128xf32>, vector<1x128xf32>, vector<1x128xf32>, vector<1x128xf32>, vector<1x128xf32>, vector<1x128xf32>, vector<4x128xf32> -> vector<16x128xf32>
    %swap3A_588 = arith.constant 32 : index
    %swap3A_589 = arith.constant 0 : index
    %swap3A_590 = vector.load %arg2[%swap3A_588, %swap3A_589] : memref<64x128xf32, #tpu.memory_space<vmem>>, vector<16x128xf32>
    tpu.vector_store %arg2[%swap3A_588, %swap3A_589], %concatenate3A_587 {strides = array<i32>} : memref<64x128xf32, #tpu.memory_space<vmem>>, vector<16x128xf32>,
    %get3A_591 = arith.constant 3 : index
    %get3A_592 = arith.constant 0 : index
    %get3A_593 = arith.constant 0 : index
    %get3A_594 = vector.load %arg1[%get3A_591, %get3A_592, %get3A_593] : memref<4x16x2048xf32, #tpu.memory_space<vmem>>, vector<1x16x2048xf32>
    %get3A_595 = vector.shape_cast %get3A_594 : vector<1x16x2048xf32> to vector<16x2048xf32>
    %slice3A_596 = vector.extract_strided_slice %get3A_595 {offsets = [0, 0], sizes = [4, 2048], strides = [1, 1]} : vector<16x2048xf32> to vector<4x2048xf32>
    %mul3A_597 = arith.mulf %slice3A_596, %slice3A_596 : vector<4x2048xf32>
    %reduce_sum3A_598 = arith.constant dense<0.000000e+00> : vector<2048xf32>
    %reduce_sum3A_599 = vector.multi_reduction <add>, %mul3A_597, %reduce_sum3A_598 [0] : vector<4x2048xf32> to vector<2048xf32>
    %broadcast_in_dim3A_600 = vector.shape_cast %reduce_sum3A_599 : vector<2048xf32> to vector<1x2048xf32>
    %add3A_601 = arith.constant 1.000000e-30 : f32
    %add3A_602 = vector.broadcast %add3A_601 : f32 to vector<1x2048xf32>
    %add3A_603 = arith.addf %broadcast_in_dim3A_600, %add3A_602 : vector<1x2048xf32>
    %rsqrt3A_604 = math.rsqrt %add3A_603 : vector<1x2048xf32>
    %mul3A_605 = vector.broadcast %rsqrt3A_604 : vector<1x2048xf32> to vector<4x2048xf32>
    %mul3A_606 = arith.mulf %slice3A_596, %mul3A_605 : vector<4x2048xf32>
    %slice3A_607 = vector.extract_strided_slice %mul3A_606 {offsets = [0, 0], sizes = [1, 2048], strides = [1, 1]} : vector<4x2048xf32> to vector<1x2048xf32>
    %slice3A_608 = vector.extract_strided_slice %mul3A_606 {offsets = [1, 0], sizes = [1, 2048], strides = [1, 1]} : vector<4x2048xf32> to vector<1x2048xf32>
    %slice3A_609 = vector.extract_strided_slice %mul3A_606 {offsets = [2, 0], sizes = [1, 2048], strides = [1, 1]} : vector<4x2048xf32> to vector<1x2048xf32>
    %slice3A_610 = vector.extract_strided_slice %mul3A_606 {offsets = [3, 0], sizes = [1, 2048], strides = [1, 1]} : vector<4x2048xf32> to vector<1x2048xf32>
    %mul3A_611 = arith.mulf %slice3A_608, %slice3A_608 : vector<1x2048xf32>
    %mul3A_612 = arith.mulf %slice3A_609, %slice3A_609 : vector<1x2048xf32>
    %add3A_613 = arith.addf %mul3A_611, %mul3A_612 : vector<1x2048xf32>
    %mul3A_614 = arith.constant 2.000000e+00 : f32
    %mul3A_615 = vector.broadcast %mul3A_614 : f32 to vector<1x2048xf32>
    %mul3A_616 = arith.mulf %mul3A_615, %add3A_613 : vector<1x2048xf32>
    %sub3A_617 = arith.constant 1.000000e+00 : f32
    %sub3A_618 = vector.broadcast %sub3A_617 : f32 to vector<1x2048xf32>
    %sub3A_619 = arith.subf %sub3A_618, %mul3A_616 : vector<1x2048xf32>
    %mul3A_620 = arith.mulf %slice3A_607, %slice3A_608 : vector<1x2048xf32>
    %mul3A_621 = arith.mulf %slice3A_609, %slice3A_610 : vector<1x2048xf32>
    %sub3A_622 = arith.subf %mul3A_620, %mul3A_621 : vector<1x2048xf32>
    %mul3A_623 = arith.constant 2.000000e+00 : f32
    %mul3A_624 = vector.broadcast %mul3A_623 : f32 to vector<1x2048xf32>
    %mul3A_625 = arith.mulf %mul3A_624, %sub3A_622 : vector<1x2048xf32>
    %mul3A_626 = arith.mulf %slice3A_607, %slice3A_609 : vector<1x2048xf32>
    %mul3A_627 = arith.mulf %slice3A_608, %slice3A_610 : vector<1x2048xf32>
    %add3A_628 = arith.addf %mul3A_626, %mul3A_627 : vector<1x2048xf32>
    %mul3A_629 = arith.constant 2.000000e+00 : f32
    %mul3A_630 = vector.broadcast %mul3A_629 : f32 to vector<1x2048xf32>
    %mul3A_631 = arith.mulf %mul3A_630, %add3A_628 : vector<1x2048xf32>
    %mul3A_632 = arith.mulf %slice3A_607, %slice3A_608 : vector<1x2048xf32>
    %mul3A_633 = arith.mulf %slice3A_609, %slice3A_610 : vector<1x2048xf32>
    %add3A_634 = arith.addf %mul3A_632, %mul3A_633 : vector<1x2048xf32>
    %mul3A_635 = arith.constant 2.000000e+00 : f32
    %mul3A_636 = vector.broadcast %mul3A_635 : f32 to vector<1x2048xf32>
    %mul3A_637 = arith.mulf %mul3A_636, %add3A_634 : vector<1x2048xf32>
    %mul3A_638 = arith.mulf %slice3A_607, %slice3A_607 : vector<1x2048xf32>
    %mul3A_639 = arith.mulf %slice3A_609, %slice3A_609 : vector<1x2048xf32>
    %add3A_640 = arith.addf %mul3A_638, %mul3A_639 : vector<1x2048xf32>
    %mul3A_641 = arith.constant 2.000000e+00 : f32
    %mul3A_642 = vector.broadcast %mul3A_641 : f32 to vector<1x2048xf32>
    %mul3A_643 = arith.mulf %mul3A_642, %add3A_640 : vector<1x2048xf32>
    %sub3A_644 = arith.constant 1.000000e+00 : f32
    %sub3A_645 = vector.broadcast %sub3A_644 : f32 to vector<1x2048xf32>
    %sub3A_646 = arith.subf %sub3A_645, %mul3A_643 : vector<1x2048xf32>
    %mul3A_647 = arith.mulf %slice3A_608, %slice3A_609 : vector<1x2048xf32>
    %mul3A_648 = arith.mulf %slice3A_607, %slice3A_610 : vector<1x2048xf32>
    %sub3A_649 = arith.subf %mul3A_647, %mul3A_648 : vector<1x2048xf32>
    %mul3A_650 = arith.constant 2.000000e+00 : f32
    %mul3A_651 = vector.broadcast %mul3A_650 : f32 to vector<1x2048xf32>
    %mul3A_652 = arith.mulf %mul3A_651, %sub3A_649 : vector<1x2048xf32>
    %mul3A_653 = arith.mulf %slice3A_607, %slice3A_609 : vector<1x2048xf32>
    %mul3A_654 = arith.mulf %slice3A_608, %slice3A_610 : vector<1x2048xf32>
    %sub3A_655 = arith.subf %mul3A_653, %mul3A_654 : vector<1x2048xf32>
    %mul3A_656 = arith.constant 2.000000e+00 : f32
    %mul3A_657 = vector.broadcast %mul3A_656 : f32 to vector<1x2048xf32>
    %mul3A_658 = arith.mulf %mul3A_657, %sub3A_655 : vector<1x2048xf32>
    %mul3A_659 = arith.mulf %slice3A_608, %slice3A_609 : vector<1x2048xf32>
    %mul3A_660 = arith.mulf %slice3A_607, %slice3A_610 : vector<1x2048xf32>
    %add3A_661 = arith.addf %mul3A_659, %mul3A_660 : vector<1x2048xf32>
    %mul3A_662 = arith.constant 2.000000e+00 : f32
    %mul3A_663 = vector.broadcast %mul3A_662 : f32 to vector<1x2048xf32>
    %mul3A_664 = arith.mulf %mul3A_663, %add3A_661 : vector<1x2048xf32>
    %mul3A_665 = arith.mulf %slice3A_607, %slice3A_607 : vector<1x2048xf32>
    %mul3A_666 = arith.mulf %slice3A_608, %slice3A_608 : vector<1x2048xf32>
    %add3A_667 = arith.addf %mul3A_665, %mul3A_666 : vector<1x2048xf32>
    %mul3A_668 = arith.constant 2.000000e+00 : f32
    %mul3A_669 = vector.broadcast %mul3A_668 : f32 to vector<1x2048xf32>
    %mul3A_670 = arith.mulf %mul3A_669, %add3A_667 : vector<1x2048xf32>
    %sub3A_671 = arith.constant 1.000000e+00 : f32
    %sub3A_672 = vector.broadcast %sub3A_671 : f32 to vector<1x2048xf32>
    %sub3A_673 = arith.subf %sub3A_672, %mul3A_670 : vector<1x2048xf32>
    %slice3A_674 = vector.extract_strided_slice %get3A_595 {offsets = [8, 0], sizes = [3, 2048], strides = [1, 1]} : vector<16x2048xf32> to vector<3x2048xf32>
    %slice3A_675 = vector.extract_strided_slice %get3A_595 {offsets = [4, 0], sizes = [3, 2048], strides = [1, 1]} : vector<16x2048xf32> to vector<3x2048xf32>
    %add3A_676 = arith.addf %slice3A_674, %slice3A_675 : vector<3x2048xf32>
    %slice3A_677 = vector.extract_strided_slice %get3A_595 {offsets = [11, 0], sizes = [1, 2048], strides = [1, 1]} : vector<16x2048xf32> to vector<1x2048xf32>
    %max3A_678 = arith.constant 9.99999997E-7 : f32
    %max3A_679 = vector.broadcast %max3A_678 : f32 to vector<1x2048xf32>
    %max3A_680 = arith.maximumf %slice3A_677, %max3A_679 : vector<1x2048xf32>
    %iota3A_681 = tpu.iota {dimensions = array<i32: 1>} : vector<1x2048xi32>
    %reduce_max3A_682 = vector.shape_cast %max3A_680 : vector<1x2048xf32> to vector<1x1x2048xf32>
    %reduce_max3A_683 = arith.constant dense<0xFF800000> : vector<1xf32>
    %reduce_max3A_684 = vector.multi_reduction <maximumf>, %reduce_max3A_682, %reduce_max3A_683 [1, 2] : vector<1x1x2048xf32> to vector<1xf32>
    %reduce_max3A_685 = vector.shape_cast %reduce_max3A_684 : vector<1xf32> to vector<1x1x1xf32>
    %reduce_max3A_686 = vector.extract %reduce_max3A_685[0, 0, 0] : f32 from vector<1x1x1xf32>
    %eq3A_687 = vector.broadcast %reduce_max3A_686 : f32 to vector<1x2048xf32>
    %eq3A_688 = arith.cmpf oeq, %max3A_680, %eq3A_687 : vector<1x2048xf32>
    %jit3A_689 = arith.constant 2048 : i32
    %broadcast_in_dim3A_690 = vector.broadcast %jit3A_689 : i32 to vector<1x2048xi32>
    %select_n3A_691 = arith.select %eq3A_688, %iota3A_681, %broadcast_in_dim3A_690 : vector<1x2048xi1>, vector<1x2048xi32>
    %reduce_min3A_692 = vector.shape_cast %select_n3A_691 : vector<1x2048xi32> to vector<1x1x2048xi32>
    %reduce_min3A_693 = arith.constant dense<2147483647> : vector<1xi32>
    %reduce_min3A_694 = vector.multi_reduction <minsi>, %reduce_min3A_692, %reduce_min3A_693 [1, 2] : vector<1x1x2048xi32> to vector<1xi32>
    %reduce_min3A_695 = vector.shape_cast %reduce_min3A_694 : vector<1xi32> to vector<1x1x1xi32>
    %reduce_min3A_696 = vector.extract %reduce_min3A_695[0, 0, 0] : i32 from vector<1x1x1xi32>
    %eq3A_697 = vector.broadcast %reduce_min3A_696 : i32 to vector<1x2048xi32>
    %eq3A_698 = arith.cmpi eq, %iota3A_681, %eq3A_697 : vector<1x2048xi32>
    %convert_element_type3A_699 = arith.extui %eq3A_698 : vector<1x2048xi1> to vector<1x2048xi32>
    %convert_element_type3A_700 = arith.sitofp %convert_element_type3A_699 : vector<1x2048xi32> to vector<1x2048xf32>
    %mul3A_701 = arith.mulf %sub3A_619, %convert_element_type3A_700 : vector<1x2048xf32>
    %reduce_sum3A_702 = vector.shape_cast %mul3A_701 : vector<1x2048xf32> to vector<1x1x2048xf32>
    %reduce_sum3A_703 = arith.constant dense<0.000000e+00> : vector<1xf32>
    %reduce_sum3A_704 = vector.multi_reduction <add>, %reduce_sum3A_702, %reduce_sum3A_703 [1, 2] : vector<1x1x2048xf32> to vector<1xf32>
    %reduce_sum3A_705 = vector.shape_cast %reduce_sum3A_704 : vector<1xf32> to vector<1x1x1xf32>
    %reduce_sum3A_706 = vector.extract %reduce_sum3A_705[0, 0, 0] : f32 from vector<1x1x1xf32>
    %mul3A_707 = arith.mulf %mul3A_625, %convert_element_type3A_700 : vector<1x2048xf32>
    %reduce_sum3A_708 = vector.shape_cast %mul3A_707 : vector<1x2048xf32> to vector<1x1x2048xf32>
    %reduce_sum3A_709 = arith.constant dense<0.000000e+00> : vector<1xf32>
    %reduce_sum3A_710 = vector.multi_reduction <add>, %reduce_sum3A_708, %reduce_sum3A_709 [1, 2] : vector<1x1x2048xf32> to vector<1xf32>
    %reduce_sum3A_711 = vector.shape_cast %reduce_sum3A_710 : vector<1xf32> to vector<1x1x1xf32>
    %reduce_sum3A_712 = vector.extract %reduce_sum3A_711[0, 0, 0] : f32 from vector<1x1x1xf32>
    %mul3A_713 = arith.mulf %mul3A_631, %convert_element_type3A_700 : vector<1x2048xf32>
    %reduce_sum3A_714 = vector.shape_cast %mul3A_713 : vector<1x2048xf32> to vector<1x1x2048xf32>
    %reduce_sum3A_715 = arith.constant dense<0.000000e+00> : vector<1xf32>
    %reduce_sum3A_716 = vector.multi_reduction <add>, %reduce_sum3A_714, %reduce_sum3A_715 [1, 2] : vector<1x1x2048xf32> to vector<1xf32>
    %reduce_sum3A_717 = vector.shape_cast %reduce_sum3A_716 : vector<1xf32> to vector<1x1x1xf32>
    %reduce_sum3A_718 = vector.extract %reduce_sum3A_717[0, 0, 0] : f32 from vector<1x1x1xf32>
    %mul3A_719 = arith.mulf %mul3A_637, %convert_element_type3A_700 : vector<1x2048xf32>
    %reduce_sum3A_720 = vector.shape_cast %mul3A_719 : vector<1x2048xf32> to vector<1x1x2048xf32>
    %reduce_sum3A_721 = arith.constant dense<0.000000e+00> : vector<1xf32>
    %reduce_sum3A_722 = vector.multi_reduction <add>, %reduce_sum3A_720, %reduce_sum3A_721 [1, 2] : vector<1x1x2048xf32> to vector<1xf32>
    %reduce_sum3A_723 = vector.shape_cast %reduce_sum3A_722 : vector<1xf32> to vector<1x1x1xf32>
    %reduce_sum3A_724 = vector.extract %reduce_sum3A_723[0, 0, 0] : f32 from vector<1x1x1xf32>
    %mul3A_725 = arith.mulf %sub3A_646, %convert_element_type3A_700 : vector<1x2048xf32>
    %reduce_sum3A_726 = vector.shape_cast %mul3A_725 : vector<1x2048xf32> to vector<1x1x2048xf32>
    %reduce_sum3A_727 = arith.constant dense<0.000000e+00> : vector<1xf32>
    %reduce_sum3A_728 = vector.multi_reduction <add>, %reduce_sum3A_726, %reduce_sum3A_727 [1, 2] : vector<1x1x2048xf32> to vector<1xf32>
    %reduce_sum3A_729 = vector.shape_cast %reduce_sum3A_728 : vector<1xf32> to vector<1x1x1xf32>
    %reduce_sum3A_730 = vector.extract %reduce_sum3A_729[0, 0, 0] : f32 from vector<1x1x1xf32>
    %mul3A_731 = arith.mulf %mul3A_652, %convert_element_type3A_700 : vector<1x2048xf32>
    %reduce_sum3A_732 = vector.shape_cast %mul3A_731 : vector<1x2048xf32> to vector<1x1x2048xf32>
    %reduce_sum3A_733 = arith.constant dense<0.000000e+00> : vector<1xf32>
    %reduce_sum3A_734 = vector.multi_reduction <add>, %reduce_sum3A_732, %reduce_sum3A_733 [1, 2] : vector<1x1x2048xf32> to vector<1xf32>
    %reduce_sum3A_735 = vector.shape_cast %reduce_sum3A_734 : vector<1xf32> to vector<1x1x1xf32>
    %reduce_sum3A_736 = vector.extract %reduce_sum3A_735[0, 0, 0] : f32 from vector<1x1x1xf32>
    %mul3A_737 = arith.mulf %mul3A_658, %convert_element_type3A_700 : vector<1x2048xf32>
    %reduce_sum3A_738 = vector.shape_cast %mul3A_737 : vector<1x2048xf32> to vector<1x1x2048xf32>
    %reduce_sum3A_739 = arith.constant dense<0.000000e+00> : vector<1xf32>
    %reduce_sum3A_740 = vector.multi_reduction <add>, %reduce_sum3A_738, %reduce_sum3A_739 [1, 2] : vector<1x1x2048xf32> to vector<1xf32>
    %reduce_sum3A_741 = vector.shape_cast %reduce_sum3A_740 : vector<1xf32> to vector<1x1x1xf32>
    %reduce_sum3A_742 = vector.extract %reduce_sum3A_741[0, 0, 0] : f32 from vector<1x1x1xf32>
    %mul3A_743 = arith.mulf %mul3A_664, %convert_element_type3A_700 : vector<1x2048xf32>
    %reduce_sum3A_744 = vector.shape_cast %mul3A_743 : vector<1x2048xf32> to vector<1x1x2048xf32>
    %reduce_sum3A_745 = arith.constant dense<0.000000e+00> : vector<1xf32>
    %reduce_sum3A_746 = vector.multi_reduction <add>, %reduce_sum3A_744, %reduce_sum3A_745 [1, 2] : vector<1x1x2048xf32> to vector<1xf32>
    %reduce_sum3A_747 = vector.shape_cast %reduce_sum3A_746 : vector<1xf32> to vector<1x1x1xf32>
    %reduce_sum3A_748 = vector.extract %reduce_sum3A_747[0, 0, 0] : f32 from vector<1x1x1xf32>
    %mul3A_749 = arith.mulf %sub3A_673, %convert_element_type3A_700 : vector<1x2048xf32>
    %reduce_sum3A_750 = vector.shape_cast %mul3A_749 : vector<1x2048xf32> to vector<1x1x2048xf32>
    %reduce_sum3A_751 = arith.constant dense<0.000000e+00> : vector<1xf32>
    %reduce_sum3A_752 = vector.multi_reduction <add>, %reduce_sum3A_750, %reduce_sum3A_751 [1, 2] : vector<1x1x2048xf32> to vector<1xf32>
    %reduce_sum3A_753 = vector.shape_cast %reduce_sum3A_752 : vector<1xf32> to vector<1x1x1xf32>
    %reduce_sum3A_754 = vector.extract %reduce_sum3A_753[0, 0, 0] : f32 from vector<1x1x1xf32>
    %slice3A_755 = vector.extract_strided_slice %add3A_676 {offsets = [0, 0], sizes = [1, 2048], strides = [1, 1]} : vector<3x2048xf32> to vector<1x2048xf32>
    %mul3A_756 = arith.mulf %slice3A_755, %convert_element_type3A_700 : vector<1x2048xf32>
    %reduce_sum3A_757 = vector.shape_cast %mul3A_756 : vector<1x2048xf32> to vector<1x1x2048xf32>
    %reduce_sum3A_758 = arith.constant dense<0.000000e+00> : vector<1xf32>
    %reduce_sum3A_759 = vector.multi_reduction <add>, %reduce_sum3A_757, %reduce_sum3A_758 [1, 2] : vector<1x1x2048xf32> to vector<1xf32>
    %reduce_sum3A_760 = vector.shape_cast %reduce_sum3A_759 : vector<1xf32> to vector<1x1x1xf32>
    %reduce_sum3A_761 = vector.extract %reduce_sum3A_760[0, 0, 0] : f32 from vector<1x1x1xf32>
    %slice3A_762 = vector.extract_strided_slice %add3A_676 {offsets = [1, 0], sizes = [1, 2048], strides = [1, 1]} : vector<3x2048xf32> to vector<1x2048xf32>
    %mul3A_763 = arith.mulf %slice3A_762, %convert_element_type3A_700 : vector<1x2048xf32>
    %reduce_sum3A_764 = vector.shape_cast %mul3A_763 : vector<1x2048xf32> to vector<1x1x2048xf32>
    %reduce_sum3A_765 = arith.constant dense<0.000000e+00> : vector<1xf32>
    %reduce_sum3A_766 = vector.multi_reduction <add>, %reduce_sum3A_764, %reduce_sum3A_765 [1, 2] : vector<1x1x2048xf32> to vector<1xf32>
    %reduce_sum3A_767 = vector.shape_cast %reduce_sum3A_766 : vector<1xf32> to vector<1x1x1xf32>
    %reduce_sum3A_768 = vector.extract %reduce_sum3A_767[0, 0, 0] : f32 from vector<1x1x1xf32>
    %slice3A_769 = vector.extract_strided_slice %add3A_676 {offsets = [2, 0], sizes = [1, 2048], strides = [1, 1]} : vector<3x2048xf32> to vector<1x2048xf32>
    %mul3A_770 = arith.mulf %slice3A_769, %convert_element_type3A_700 : vector<1x2048xf32>
    %reduce_sum3A_771 = vector.shape_cast %mul3A_770 : vector<1x2048xf32> to vector<1x1x2048xf32>
    %reduce_sum3A_772 = arith.constant dense<0.000000e+00> : vector<1xf32>
    %reduce_sum3A_773 = vector.multi_reduction <add>, %reduce_sum3A_771, %reduce_sum3A_772 [1, 2] : vector<1x1x2048xf32> to vector<1xf32>
    %reduce_sum3A_774 = vector.shape_cast %reduce_sum3A_773 : vector<1xf32> to vector<1x1x1xf32>
    %reduce_sum3A_775 = vector.extract %reduce_sum3A_774[0, 0, 0] : f32 from vector<1x1x1xf32>
    %broadcast_in_dim3A_776 = vector.broadcast %reduce_sum3A_706 : f32 to vector<1x128xf32>
    %broadcast_in_dim3A_777 = vector.broadcast %reduce_sum3A_712 : f32 to vector<1x128xf32>
    %broadcast_in_dim3A_778 = vector.broadcast %reduce_sum3A_718 : f32 to vector<1x128xf32>
    %broadcast_in_dim3A_779 = vector.broadcast %reduce_sum3A_724 : f32 to vector<1x128xf32>
    %broadcast_in_dim3A_780 = vector.broadcast %reduce_sum3A_730 : f32 to vector<1x128xf32>
    %broadcast_in_dim3A_781 = vector.broadcast %reduce_sum3A_736 : f32 to vector<1x128xf32>
    %broadcast_in_dim3A_782 = vector.broadcast %reduce_sum3A_742 : f32 to vector<1x128xf32>
    %broadcast_in_dim3A_783 = vector.broadcast %reduce_sum3A_748 : f32 to vector<1x128xf32>
    %broadcast_in_dim3A_784 = vector.broadcast %reduce_sum3A_754 : f32 to vector<1x128xf32>
    %broadcast_in_dim3A_785 = vector.broadcast %reduce_sum3A_761 : f32 to vector<1x128xf32>
    %broadcast_in_dim3A_786 = vector.broadcast %reduce_sum3A_768 : f32 to vector<1x128xf32>
    %broadcast_in_dim3A_787 = vector.broadcast %reduce_sum3A_775 : f32 to vector<1x128xf32>
    %broadcast_in_dim3A_788 = arith.constant 0.000000e+00 : f32
    %broadcast_in_dim3A_789 = vector.broadcast %broadcast_in_dim3A_788 : f32 to vector<4x128xf32>
    %concatenate3A_790 = tpu.concatenate %broadcast_in_dim3A_776, %broadcast_in_dim3A_777, %broadcast_in_dim3A_778, %broadcast_in_dim3A_779, %broadcast_in_dim3A_780, %broadcast_in_dim3A_781, %broadcast_in_dim3A_782, %broadcast_in_dim3A_783, %broadcast_in_dim3A_784, %broadcast_in_dim3A_785, %broadcast_in_dim3A_786, %broadcast_in_dim3A_787, %broadcast_in_dim3A_789 in 0 : vector<1x128xf32>, vector<1x128xf32>, vector<1x128xf32>, vector<1x128xf32>, vector<1x128xf32>, vector<1x128xf32>, vector<1x128xf32>, vector<1x128xf32>, vector<1x128xf32>, vector<1x128xf32>, vector<1x128xf32>, vector<1x128xf32>, vector<4x128xf32> -> vector<16x128xf32>
    %swap3A_791 = arith.constant 48 : index
    %swap3A_792 = arith.constant 0 : index
    %swap3A_793 = vector.load %arg2[%swap3A_791, %swap3A_792] : memref<64x128xf32, #tpu.memory_space<vmem>>, vector<16x128xf32>
    tpu.vector_store %arg2[%swap3A_791, %swap3A_792], %concatenate3A_790 {strides = array<i32>} : memref<64x128xf32, #tpu.memory_space<vmem>>, vector<16x128xf32>,
    return
  }
  func.func @transform_0(%arg0: i32) -> (i32, i32, i32) {
    %c0_i32 = arith.constant 0 : i32
    %c0_i32_0 = arith.constant 0 : i32
    %c0_i32_1 = arith.constant 0 : i32
    %c0_i32_2 = arith.constant 0 : i32
    return %c0_i32, %c0_i32_0, %c0_i32_1 : i32, i32, i32
  }
  func.func @transform_1(%arg0: i32) -> (i32, i32) {
    %c0_i32 = arith.constant 0 : i32
    %c0_i32_0 = arith.constant 0 : i32
    %c0_i32_1 = arith.constant 0 : i32
    return %c0_i32, %c0_i32_0 : i32, i32
  }
}

</mosaic_0001>

<sc_bundles>
// kernel: kernel.5.cloned.1.call-start
scs
__scs_entry_jumppad:
0x0: {  	(pc) =	sbr.rel $0x88, $3  }
0x1: {  	(tag) =	ssettag $0x0;
	lr =	simm.s32 $0x1  }
0x2: {  	[smem:$0x3F9A] =	sst lr;
	_ =	strace $0xD0000000  }
0x3: {  	_ = 	snop  }
0x4: {  	_ = 	snop  }
0x5: {  	_ = 	snop  }
0x6: {  	_ = 	snop  }
0x7: {  	_ = 	snop  }
__scs_overlays_trampoline_lowered:
0x8: {  	[smem:$0x3FA9] =	sst s0  }
0x9: {  	[smem:$0x3FAA] =	sst s1  }
0xa: {  	[smem:$0x3FAB] =	sst s2  }
0xb: {  	[smem:$0x3FAC] =	sst s3  }
0xc: {  	[smem:$0x3FAD] =	sst s4  }
0xd: {  	[smem:$0x3FAE] =	sst s5  }
0xe: {  	[smem:$0x3FAF] =	sst s6  }
0xf: {  	[smem:$0x3FB0] =	sst s7  }
0x10: {  	[smem:$0x3FB1] =	sst s8  }
0x11: {  	[smem:$0x3FB2] =	sst s9;
	s0 =	simm.s32 @!p0 $0x0  }
0x12: {  	s1 =	sld [smem:$0x3F98];
	s0 =	simm.s32 @p0 $0x1  }
0x13: {  	[smem:$0x3FB3] =	sst s0;
	s0 =	simm.s32 @!p1 $0x0  }
0x14: {  	s2 =	sld [smem:$0x3F97];
	s0 =	simm.s32 @p1 $0x1  }
0x15: {  	[smem:$0x3FB4] =	sst s0;
	s0 =	simm.s32 @!p2 $0x0  }
0x16: {  	s3 =	sld [smem:$0x3FDB];
	s0 =	simm.s32 @p2 $0x1  }
0x17: {  	s4 =	simm.s32 $0x1BF5;
	[smem:$0x3FB6] =	sst s0  }
0x18: {  	s0 =	sld [smem:$0x3F99];
	_ =	swait.ge [sflag:s4], $0x0  }
0x19: {  	s7 =	sld [smem:$0x3F9A]  }
0x1a: {  	s8 =	sadd.s32 $0xFFFFE003, lr  }
0x1b: {  	s9 =	sadd.s32 $0xFFFFFEF7, lr;
	s5 =	simm.s32 $0xFFFFFFFF;
	p2 =	slt.u32 s8, $0xFFFFF086  }
0x1c: {  	p1 =	slt.u32 s9, $0xF7A;
	s5 =	simm.s32 @!p2 $0x0  }
0x1d: {  	s5 =	simm.s32 @p1 $0x1;
	p0 =	seq.s32 s7, s2  }
0x1e: {  	s7 =	smul.u32 @!p0 $0xF7A, s2;
	p2 =	seq.s32 @!p0 s5, $0x0  }
0x1f: {  	s9 =	smul.u32 $0xF7A, s1;
	s8 =	simm.s32 @!p0 $0x1BF5;
	p2 =	por !p2, p0  }
0x20: {  	[sflag:s8] =	ssyncset.s32 @!p0 $0xFFFFF086;
	s6 =	sadd.s32 @!p0 s3, s7;
	s7 =	simm.s32 @!p0 $0x108  }
0x21: {  	s3 =	sadd.s32 s3, s9;
	s6 =	sadd.s32 @!p0 $0x88, s6;
	s7 =	simm.s32 @p2 $0x1082  }
0x22: {  	[simem:s7], [sflag:s8] =	dma.local @!p0 [hbm:s6], $0xF7A  }
0x23: {  	s9 =	sor.u32 $0xD0000000, s2;
	s6 =	simm.s32 $0x108;
	_ =	swait.ge @!p0 [sflag:s8], $0x0  }
0x24: {  	s3 =	sadd.s32 $0x88, s3;
	s6 =	simm.s32 @!p1 $0x1082;
	[sflag:s4] =	ssyncset.s32 $0xFFFFF086  }
0x25: {  	[simem:s6], [sflag:s4] =	dma.local [hbm:s3], $0xF7A  }
0x26: {  	[smem:$0x3F9A] =	sst s1;
	(tag) =	ssettag s2;
	_ =	strace s9  }
0x27: {  	s1 =	sld [smem:$0x3FAA]  }
0x28: {  	s2 =	sld [smem:$0x3FAB]  }
0x29: {  	s4 =	sld [smem:$0x3FAD]  }
0x2a: {  	p0 =	seq.s32 s5, $0x0;
	s5 =	sld [smem:$0x3FAE]  }
0x2b: {  	s6 =	sld [smem:$0x3FAF]  }
0x2c: {  	s7 =	sld [smem:$0x3FB0]  }
0x2d: {  	s3 =	simm.s32 $0x108;
	s8 =	sld [smem:$0x3FB1]  }
0x2e: {  	s3 =	simm.s32 @!p0 $0x1082;
	s9 =	sld [smem:$0x3FB2]  }
0x2f: {  	lr =	sadd.s32 s0, s3;
	s0 =	sld [smem:$0x3FA9]  }
0x30: {  	s3 =	sld [smem:$0x3FAC]  }
0x31: {  	[smem:$0x3FB5] =	sst s10  }
0x32: {  	s10 =	sld [smem:$0x3FB3];
	_ =	sdelay $0x3  }
0x33: {  	p0 =	seq.s32 s10, $0x1;
	s10 =	sld [smem:$0x3FB5];
	_ =	sdelay $0x3  }
0x34: {  	[smem:$0x3FB5] =	sst s10  }
0x35: {  	s10 =	sld [smem:$0x3FB4];
	_ =	sdelay $0x3  }
0x36: {  	p1 =	seq.s32 s10, $0x1;
	s10 =	sld [smem:$0x3FB5];
	_ =	sdelay $0x3  }
0x37: {  	[smem:$0x3FB5] =	sst s10  }
0x38: {  	s10 =	sld [smem:$0x3FB6]  }
0x39: {  	_ = 	snop;
	(pc) =	sbr.ind lr, $3  }
0x3a: {  	_ = 	snop  }
0x3b: {  	_ = 	snop  }
0x3c: {  	p2 =	seq.s32 s10, $0x1;
	s10 =	sld [smem:$0x3FB5]  }
0x3d: {  	_ =	shalt  }
0x3e: {  	_ =	shalt  }
0x3f: {  	_ =	shalt  }
0x40: {  	_ =	shalt  }
0x41: {  	_ =	shalt  }
0x42: {  	_ =	shalt  }
0x43: {  	_ =	shalt  }
0x44: {  	_ =	shalt  }
0x45: {  	_ =	shalt  }
0x46: {  	_ =	shalt  }
0x47: {  	_ =	shalt  }
0x48: {  	_ =	shalt  }
0x49: {  	_ =	shalt  }
0x4a: {  	_ =	shalt  }
0x4b: {  	_ =	shalt  }
0x4c: {  	_ =	shalt  }
0x4d: {  	_ =	shalt  }
0x4e: {  	_ =	shalt  }
0x4f: {  	_ =	shalt  }
0x50: {  	_ =	shalt  }
0x51: {  	_ =	shalt  }
0x52: {  	_ =	shalt  }
0x53: {  	_ =	shalt  }
0x54: {  	_ =	shalt  }
0x55: {  	_ =	shalt  }
0x56: {  	_ =	shalt  }
0x57: {  	_ =	shalt  }
0x58: {  	_ =	shalt  }
0x59: {  	_ =	shalt  }
0x5a: {  	_ =	shalt  }
0x5b: {  	_ =	shalt  }
0x5c: {  	_ =	shalt  }
0x5d: {  	_ =	shalt  }
0x5e: {  	_ =	shalt  }
0x5f: {  	_ =	shalt  }
0x60: {  	_ =	shalt  }
0x61: {  	_ =	shalt  }
0x62: {  	_ =	shalt  }
0x63: {  	_ =	shalt  }
0x64: {  	_ =	shalt  }
0x65: {  	_ =	shalt  }
0x66: {  	_ =	shalt  }
0x67: {  	_ =	shalt  }
0x68: {  	_ =	shalt  }
0x69: {  	_ =	shalt  }
0x6a: {  	_ =	shalt  }
0x6b: {  	_ =	shalt  }
0x6c: {  	_ =	shalt  }
0x6d: {  	_ =	shalt  }
0x6e: {  	_ =	shalt  }
0x6f: {  	_ =	shalt  }
0x70: {  	_ =	shalt  }
0x71: {  	_ =	shalt  }
0x72: {  	_ =	shalt  }
0x73: {  	_ =	shalt  }
0x74: {  	_ =	shalt  }
0x75: {  	_ =	shalt  }
0x76: {  	_ =	shalt  }
0x77: {  	_ =	shalt  }
0x78: {  	_ =	shalt  }
0x79: {  	_ =	shalt  }
0x7a: {  	_ =	shalt  }
0x7b: {  	_ =	shalt  }
0x7c: {  	_ =	shalt  }
0x7d: {  	_ =	shalt  }
0x7e: {  	_ =	shalt  }
0x7f: {  	_ =	shalt  }
0x80: {  	_ =	shalt  }
0x81: {  	_ =	shalt  }
0x82: {  	_ =	shalt  }
0x83: {  	_ =	shalt  }
0x84: {  	_ =	shalt  }
0x85: {  	_ =	shalt  }
0x86: {  	_ =	shalt  }
0x87: {  	_ =	shalt  }
.Lfunc_end0:
.L_simem_size_0:
called_computation_lowered:
.L_overlay_start_0:
0x88: {  	s2 =	sld [smem:$0x3FD9]  }
0x89: {  	s3 =	sld [smem:$0x3FFE];
	_ =	sdelay $0x1  }
0x8a: {  	s1 =	srdreg.scid  }
0x8b: {  	s0 =	sand.u32 $0x1, s1  }
0x8c: {  	s14 =	sshll.u32 s0, $0xA;
	s2 =	sadd.s32 s3, s2  }
0x8d: {  	s2 =	sadd.s32 s2, s14  }
0x8e: {  	[smem:$0x3FC1] =	sst s2  }
0x8f: {  	_ = 	snop  }
0x90: {  	s2 =	sld [smem:$0x3FD0];
	_ =	sdelay $0x2  }
0x91: {  	s15 =	simm.s32 $0xA;
	s4 =	simm.s32 $0x10  }
0x92: {  	[smem:s4], [sflag:s15] =	dma.local [hbm:s2], $0x1  }
0x93: {  	_ =	swait.eq [sflag:s15], $0x1  }
0x94: {  	[sflag:s15] =	ssyncset.done $0x0  }
0x95: {  	s16 =	sld [smem:$0x12];
	[sflag:s15] =	ssyncadd.s32 $0xFFFFFFFF  }
0x96: {  	s17 =	sld [smem:$0x13];
	(tm) =	ssettm $0x1  }
0x97: {  	s18 =	sld [smem:$0x3FFB];
	_ =	sdelay $0x3  }
0x98: {  	_ =	strace s18  }
0x99: {  	s4 =	sld [smem:$0x3FFC];
	_ =	sdelay $0x3  }
0x9a: {  	_ =	strace s4  }
0x9b: {  	s4 =	sld [smem:$0x3FFD];
	_ =	sdelay $0x3  }
0x9c: {  	_ =	strace s4  }
0x9d: {  	_ =	strace $0x8FFFFFFF  }
0x9e: {  	s19 =	sld [smem:$0x3FDB];
	_ =	sdelay $0x1  }
0x9f: {  	s5 =	simm.s32 $_scs_section_size  }
0xa0: {  	s6 =	simm.s32 $_size__tile_overlayer_lowered;
	s7 =	simm.s32 $_tile_overlayer_lowered  }
0xa1: {  	s22 =	simm.s32 $0x1BFF;
	s21 =	sshll.u32 s7, $0x1;
	s4 =	sadd.s32 s5, s19  }
0xa2: {  	s8 =	simm.s32 $0x0;
	s20 =	sshll.u32 s6, $0x1;
	s6 =	sadd.s32 s21, s4  }
0xa3: {  	[timem:s8], [sflag:s22] =	dma.local [hbm:s6], s20  }
0xa4: {  	_ =	swait.ge [sflag:s22], s20  }
0xa5: {  	s5 =	ssub.s32 $0x0, s20;
	[sflag:s22] =	ssyncset.done $0x0  }
0xa6: {  	[sflag:s22] =	ssyncadd.s32 s5;
	_ =	sdelay $0x1  }
0xa7: {  	s23 =	simm.s32 $0x1B8B  }
0xa8: {  	_ =	swait.ge [sflag:s23], $0x1  }
0xa9: {  	[sflag:s23] =	ssyncset.done $0x0  }
0xaa: {  	s25 =	simm.s32 $0x1B8E;
	s24 =	sld [smem:$0x3FFE];
	[sflag:s23] =	ssyncadd.s32 $0xFFFFFFFF  }
0xab: {  	s26 =	simm.s32 $execute0_lowered;
	[smem:$0x3FD2] =	sst s25  }
0xac: {  	s6 =	sshll.u32 s26, $0x1;
	_ =	strace $0x80000046;
	[dreg:$0x1] =	wrdreg $0xFFFFFFFF  }
0xad: {  	s28 =	simm.s32 $_size_execute0_lowered;
	s4 =	sadd.s32 s4, s6;
	[dreg:$0x0] =	wrdreg $0x0  }
0xae: {  	s6 =	sshll.u32 s28, $0x1;
	[dreg:$0x2] =	wrdreg s4  }
0xaf: {  	[dreg:$0x3] =	wrdreg s6  }
0xb0: {  	[dreg:$0x4] =	wrdreg $0xC0  }
0xb1: {  	_ =	task [dreg:s8], $0x5FFFF  }
0xb2: {  	[dreg:$0x1] =	wrdreg $0xFFFFFFFF  }
0xb3: {  	[dreg:$0x0] =	wrdreg $0x60  }
0xb4: {  	[dreg:$0x2] =	wrdreg s24  }
0xb5: {  	[dreg:$0x3] =	wrdreg s16  }
0xb6: {  	[dreg:$0x4] =	wrdreg s17  }
0xb7: {  	[dreg:$0x5] =	wrdreg $0x9  }
0xb8: {  	_ =	task.clear_ibuf [dreg:s8], $0x6FFFF;
	_ =	strace $0x90000046  }
0xb9: {  	s29 =	simm.s32 $0x9;
	_ =	strace $0x80000048  }
0xba: {  	_ =	swait.ge [sflag:s29], $0x1  }
0xbb: {  	[sflag:s29] =	ssyncadd.s32 $0xFFFFFFFF  }
0xbc: {  	_ =	strace $0x90000048  }
0xbd: {  	_ =	sfence  }
0xbe: {  	s30 =	sld [smem:$0x0];
	_ =	sdelay $0x2  }
0xbf: {  	s31 =	sshll.u32 s1, $0xD;
	s1 =	sshrl.u32 s1, $0x2  }
0xc0: {  	s3 =	sand.u32 $0x4000, s31;
	s1 =	sadd.s32 s1, s30  }
0xc1: {  	s0 =	sor.u32 s3, s0;
	s1 =	sshll.u32 s1, $0x11  }
0xc2: {  	s0 =	sor.u32 s1, s0  }
0xc3: {  	s0 =	sadd.s32 $0x8F2B, s0  }
0xc4: {  	[sflag:s0] =	ssyncadd.remote.s32 $0x1  }
0xc5: {  	_ =	sfence.sel $0xFFFF  }
0xc6: {  	[dreg:$0x0] =	wrdreg $0xFFFFFFFF;
	(pc) =	sbr.abs _section_cstart, $3  }
0xc7: {  	[dreg:$0x1] =	wrdreg $0xFFFFFFFF  }
0xc8: {  	_ =	task.clear_ibuf [dreg:s8], $0x2FFFF;
	_ =	strace $0x9FFFFFFF  }
0xc9: {  	(tm) =	ssettm $0x7FFFFFFF  }
tec
execute0_lowered:
.L_overlay_start_1:
0x0: {  	(tag) =	ssettag $0x1  }
0x1: {  	s3 =	rddreg [dreg:$0x0]  }
0x2: {  	s8 =	rddreg [dreg:$0x1]  }
0x3: {  	s9 =	rddreg [dreg:$0x2];
	s0 =	stileid.u32  }
0x4: {  	s2 =	simm.s32 $0x0;
	s5 =	srdreg.scid;
	s18 =	simm.s32 $0x1600  }
0x5: {  	s19 =	simm.s32 $0x1700;
	s6 =	sshrl.u32 s0, $0x2;
	[smem:$0x7FF] =	sst s2  }
0x6: {  	s5 =	sand.u32 $0x1, s5;
	s10 =	sshll.u32 s0, $0x1;
	s4 =	sshll.u32 s6, $0x8  }
0x7: {  	_ =	strace $0x80000047;
	s7 =	sshll.u32 s6, $0xC;
	s14 =	smul.u32 $0x3, s6  }
0x8: {  	s11 =	ssub.s32 $0x2, s5;
	s10 =	sand.u32 $0x6, s10;
	s25 =	smul.u32 $0x1800, s6  }
0x9: {  	s12 =	sshll.u32 s6, $0xA;
	s26 =	smul.u32 $0xC00, s6;
	s4 =	sadd.s32 s4, s3  }
0xa: {  	s7 =	sadd.s32 s7, s3;
	s13 =	sshrl.u32 s11, $0x1;
	s10 =	sor.u32 s5, s10  }
0xb: {  	s20 =	sadd.s32 s12, s3;
	s21 =	ssub.s32 s11, s13;
	s22 =	sshll.u32 s10, $0x8  }
0xc: {  	s3 =	sadd.s32 $0x5E00, s4;
	s23 =	sshll.u32 s10, $0x7;
	s15 =	sadd.s32 $0x1, s14  }
0xd: {  	s14 =	sadd.s32 $0x2, s14;
	s10 =	sshll.u32 s10, $0x4;
	s13 =	simm.s32 $0x1  }
0xe: {  	s24 =	sadd.s32 s22, s7;
	s5 =	sadd.s32 s23, s20;
	s7 =	sor.u32 s25, s22  }
0xf: {  	s16 =	sshll.u32 s15, $0xB;
	s17 =	sshll.u32 s14, $0xB;
	s28 =	sor.u32 s26, s23  }
0x10: {  	s29 =	sshll.u32 s15, $0x7;
	s30 =	sadd.s32 s9, s10;
	s31 =	sshll.u32 s14, $0x7  }
0x11: {  	s12 =	smax.u32 s21, $0x1;
	s15 =	simm.s32 $0x1000;
	s20 =	simm.s32 $0x1780  }
0x12: {  	s21 =	simm.s32 $0x1800;
	s4 =	sadd.s32 $0x2600, s24;
	s5 =	sadd.s32 $0x6200, s5  }
0x13: {  	s7 =	sshrl.u32 s7, $0x3;
	s16 =	sor.u32 s22, s16;
	s11 =	sor.u32 s22, s17  }
0x14: {  	s10 =	sadd.s32 s29, s30;
	s17 =	simm.s32 $0x1500;
	s22 =	simm.s32 $0x0  }
0x15: {  	s16 =	sshrl.u32 s16, $0x3;
	s6 =	sadd.s32 s8, s7;
	s11 =	sshrl.u32 s11, $0x3  }
0x16: {  	s7 =	sadd.s32 s8, s16;
	s8 =	sadd.s32 s8, s11;
	s11 =	sshrl.u32 s28, $0x3  }
0x17: {  	s16 =	simm.s32 $0x1400;
	s9 =	sadd.s32 s9, s11;
	s11 =	sadd.s32 s31, s30  }
.LBB2_1:
0x18: {  	[tilespmem:s2], [sflag:$0x1] =	stream.linear.gather [hbm4b:s3+s2], $0x800, $0x38;
	[tilespmem:$0x1880] =	vst v63  }
0x19: {  	_ =	swait.ge [sflag:s13], $0x800  }
0x1a: {  	[sflag:s13] =	ssyncset.done $0x0  }
0x1b: {  	s0 =	simm.s32 $0x800;
	[sflag:s13] =	ssyncadd.s32 $0xFFFFF800  }
0x1c: {  	[tilespmem:s0], [sflag:$0x1] =	stream.linear.gather [hbm4b:s4+s2], $0x800, $0x38;
	[tilespmem:$0x1880] =	vst v63  }
0x1d: {  	_ =	swait.ge [sflag:s13], $0x800  }
0x1e: {  	[sflag:s13] =	ssyncset.done $0x0  }
0x1f: {  	[sflag:s13] =	ssyncadd.s32 $0xFFFFF800  }
0x20: {  	[tilespmem:s15], [sflag:$0x1] =	stream.linear.gather [hbm4b:s5+s2], $0x400, $0x38;
	[tilespmem:$0x1880] =	vst v63  }
0x21: {  	_ =	swait.ge [sflag:s13], $0x400  }
0x22: {  	[sflag:s13] =	ssyncset.done $0x0  }
0x23: {  	[sflag:s13] =	ssyncadd.s32 $0xFFFFFC00  }
0x24: {  	v4 =	vld [tilespmem:$0x0]  }
0x25: {  	v1 =	vld [tilespmem:$0x80]  }
0x26: {  	v0 =	vld [tilespmem:$0x100]  }
0x27: {  	v5 =	vld [tilespmem:$0x180]  }
0x28: {  	v2 =	vld [tilespmem:$0x200]  }
0x29: {  	s23 =	sand.u32 $0x70, s2;
	s24 =	sand.u32 $0x400, s2;
	v9 =	vld [tilespmem:$0x480]  }
0x2a: {  	s23 =	sor.u32 s23, s24;
	v10 =	vld [tilespmem:$0x500]  }
0x2b: {  	v3 =	vld [tilespmem:s23+$0x880]  }
0x2c: {  	v12 =	vld [tilespmem:s23+$0x800]  }
0x2d: {  	v11 =	vld [tilespmem:$0x580]  }
0x2e: {  	v13 =	vld [tilespmem:s23+$0x900]  }
0x2f: {  	v7 =	vld [tilespmem:$0x280]  }
0x30: {  	v8 =	vld [tilespmem:$0x300];
	v14 =	vsub.f32 v3, v10  }
0x31: {  	v6 =	vld [tilespmem:$0x380];
	v12 =	vsub.f32 v12, v9  }
0x32: {  	v3 =	vld [tilespmem:$0x400];
	v15 =	vmul.f32 v14, v5  }
0x33: {  	v13 =	vsub.f32 v13, v11;
	v16 =	vmul.f32 v14, v2;
	v17 =	vmul.f32 v12, v4  }
0x34: {  	v18 =	vmul.f32 v12, v0;
	v12 =	vmul.f32 v12, v1  }
0x35: {  	v19 =	vmul.f32 v13, v8;
	v14 =	vmul.f32 v14, v7;
	v15 =	vadd.f32 v15, v17  }
0x36: {  	v62 =	vmul.f32 v13, v6;
	v12 =	vadd.f32 v16, v12  }
0x37: {  	s26 =	simm.s32 $0x10;
	s31 =	simm.s32 $0x20;
	s28 =	simm.s32 $0x80;
	v14 =	vadd.f32 v14, v18;
	v63 =	vmul.f32 v13, v3;
	v15 =	vadd.f32 v19, v15  }
0x38: {  	s25 =	simm.s32 $0x1510;
	s29 =	simm.s32 $0x1500;
	s30 =	simm.s32 $0x1600;
	v13 =	vadd.f32 v62, v12  }
0x39: {  	s26 =	sand.u32 $0x70, s26;
	s24 =	simm.s32 $0x1410;
	s23 =	simm.s32 $0x1610;
	v12 =	vadd.f32 v63, v14;
	[tilespmem:s16+$0x0] =	vst v15  }
.LBB2_2:
0x3a: {  	s0 =	sand.u32 $0x70, s31;
	[tilespmem:s29+$0x0] =	vst v13;
	s29 =	smov.u32 s31  }
0x3b: {  	s1 =	sand.u32 $0x400, s28;
	s14 =	sadd.s32 $0x10, s31;
	s29 =	smov.u32 s25  }
0x3c: {  	p0 =	sne.s32 s31, $0xF0;
	s1 =	sor.u32 s26, s1;
	s26 =	smov.u32 s0;
	[tilespmem:s30+$0x0] =	vst v12  }
0x3d: {  	s30 =	smov.u32 s23;
	v12 =	vld [tilespmem:s1+$0x880]  }
0x3e: {  	v13 =	vld [tilespmem:s1+$0x800]  }
0x3f: {  	v14 =	vld [tilespmem:s1+$0x900];
	_ =	sdelay $0x2  }
0x40: {  	v12 =	vsub.f32 v12, v10  }
0x41: {  	v13 =	vsub.f32 v13, v9  }
0x42: {  	v14 =	vsub.f32 v14, v11;
	v15 =	vmul.f32 v12, v5;
	v16 =	vmul.f32 v12, v2  }
0x43: {  	v17 =	vmul.f32 v13, v4;
	v18 =	vmul.f32 v13, v0  }
0x44: {  	v13 =	vmul.f32 v13, v1;
	v19 =	vmul.f32 v14, v8  }
.Ltmp0:
0x45: {  	v12 =	vmul.f32 v12, v7;
	v15 =	vadd.f32 v15, v17;
	v17 =	vmul.f32 v14, v6;
	(pc) =	sbr.rel @p0 .LBB2_2-.Ltmp0, $4  }
0x46: {  	v13 =	vadd.f32 v16, v13  }
0x47: {  	v12 =	vadd.f32 v12, v18;
	v14 =	vmul.f32 v14, v3;
	v15 =	vadd.f32 v19, v15  }
0x48: {  	s28 =	sadd.s32 $0x80, s28;
	s23 =	sadd.s32 $0x10, s23;
	v13 =	vadd.f32 v17, v13  }
0x49: {  	s25 =	sadd.s32 $0x10, s25;
	s31 =	smov.u32 s14;
	v12 =	vadd.f32 v14, v12;
	[tilespmem:s24+$0x0] =	vst v15;
	s24 =	sadd.s32 $0x10, s24  }
0x4a: {  	s0 =	sand.u32 $0x400, s28;
	[tilespmem:s29+$0x0] =	vst v13  }
0x4b: {  	s0 =	sor.u32 s26, s0;
	[tilespmem:s30+$0x0] =	vst v12  }
0x4c: {  	v12 =	vld [tilespmem:s0+$0x880]  }
0x4d: {  	v13 =	vld [tilespmem:s0+$0x800];
	_ =	sdelay $0x1  }
0x4e: {  	v14 =	vld [tilespmem:s0+$0x900];
	_ =	sdelay $0x1  }
0x4f: {  	v12 =	vsub.f32 v12, v10  }
0x50: {  	v13 =	vsub.f32 v13, v9  }
0x51: {  	v15 =	vmul.f32 v12, v5  }
0x52: {  	v14 =	vsub.f32 v14, v11;
	v16 =	vmul.f32 v12, v2;
	v17 =	vmul.f32 v13, v4  }
0x53: {  	v18 =	vmul.f32 v13, v0;
	v13 =	vmul.f32 v13, v1  }
0x54: {  	v19 =	vmul.f32 v14, v8;
	v12 =	vmul.f32 v12, v7;
	v15 =	vadd.f32 v15, v17  }
0x55: {  	v38 =	vmul.f32 v14, v6;
	v13 =	vadd.f32 v16, v13  }
0x56: {  	v14 =	vmul.f32 v14, v3;
	v12 =	vadd.f32 v12, v18;
	v15 =	vadd.f32 v19, v15  }
0x57: {  	v13 =	vadd.f32 v38, v13  }
0x58: {  	v12 =	vadd.f32 v14, v12;
	[tilespmem:s24+$0x0] =	vst v15  }
0x59: {  	[tilespmem:s25+$0x0] =	vst v13  }
0x5a: {  	[tilespmem:s23+$0x0] =	vst v12  }
0x5b: {  	v12 =	vld [tilespmem:$0x1180]  }
0x5c: {  	v13 =	vld [tilespmem:$0x1200]  }
0x5d: {  	v39 =	vld [tilespmem:$0x1280];
	_ =	sdelay $0x2  }
0x5e: {  	v42 =	vld [tilespmem:$0x1190]  }
0x5f: {  	v43 =	vld [tilespmem:$0x1210];
	v12 =	vsub.f32 v12, v9  }
0x60: {  	v21 =	vld [tilespmem:$0x1290];
	v13 =	vsub.f32 v13, v10;
	v14 =	vsub.f32 v39, v11  }
0x61: {  	v40 =	vmul.f32 v12, v4  }
0x62: {  	v47 =	vld [tilespmem:$0x11A0];
	v41 =	vmul.f32 v13, v5;
	v44 =	vmul.f32 v14, v8  }
0x63: {  	v17 =	vsub.f32 v42, v9;
	v45 =	vmul.f32 v12, v1;
	v20 =	vmul.f32 v13, v2  }
0x64: {  	v24 =	vld [tilespmem:$0x12A0];
	v18 =	vsub.f32 v43, v10;
	v12 =	vmul.f32 v12, v0;
	v13 =	vmul.f32 v13, v7  }
0x65: {  	v26 =	vld [tilespmem:$0x11B0];
	v50 =	vsub.f32 v21, v11;
	v22 =	vmul.f32 v14, v6;
	v49 =	vmul.f32 v14, v3  }
0x66: {  	v28 =	vld [tilespmem:$0x12B0];
	v51 =	vmul.f32 v17, v4;
	v23 =	vmul.f32 v18, v5  }
0x67: {  	v33 =	vld [tilespmem:$0x1240];
	v19 =	vsub.f32 v47, v9;
	v53 =	vmul.f32 v50, v8;
	v54 =	vmul.f32 v17, v1  }
0x68: {  	v30 =	vld [tilespmem:$0x12C0];
	v55 =	vmul.f32 v18, v2;
	v17 =	vmul.f32 v17, v0  }
0x69: {  	v56 =	vsub.f32 v24, v11;
	v18 =	vmul.f32 v18, v7;
	v57 =	vmul.f32 v19, v4  }
0x6a: {  	v63 =	vsub.f32 v26, v9;
	v58 =	vmul.f32 v50, v6;
	v14 =	vmul.f32 v50, v3  }
0x6b: {  	v48 =	vld [tilespmem:$0x1220];
	v36 =	vsub.f32 v28, v11;
	v60 =	vmul.f32 v56, v8;
	v61 =	vmul.f32 v19, v1  }
0x6c: {  	v59 =	vld [tilespmem:$0x1230];
	v26 =	vsub.f32 v33, v10;
	v19 =	vmul.f32 v19, v0;
	v34 =	vmul.f32 v56, v6  }
0x6d: {  	v42 =	vsub.f32 v30, v11;
	v35 =	vmul.f32 v56, v3;
	v37 =	vmul.f32 v63, v4  }
0x6e: {  	v39 =	vmul.f32 v36, v8;
	v31 =	vmul.f32 v26, v5;
	v15 =	vadd.f32 v41, v40  }
0x6f: {  	v21 =	vmul.f32 v36, v3;
	v46 =	vadd.f32 v20, v45;
	v12 =	vadd.f32 v13, v12  }
0x70: {  	v33 =	vmul.f32 v26, v2;
	v52 =	vadd.f32 v23, v51;
	v20 =	vsub.f32 v48, v10  }
0x71: {  	v32 =	vld [tilespmem:$0x11D0];
	v26 =	vmul.f32 v26, v7;
	v17 =	vadd.f32 v18, v17;
	v18 =	vsub.f32 v59, v10  }
0x72: {  	v50 =	vld [tilespmem:$0x11E0];
	v40 =	vmul.f32 v63, v1;
	v15 =	vadd.f32 v44, v15;
	v16 =	vadd.f32 v22, v46  }
0x73: {  	v51 =	vmul.f32 v42, v6;
	v12 =	vadd.f32 v49, v12;
	v13 =	vadd.f32 v53, v52  }
0x74: {  	v25 =	vmul.f32 v20, v5;
	v22 =	vadd.f32 v55, v54;
	v27 =	vmul.f32 v20, v2  }
0x75: {  	v14 =	vadd.f32 v14, v17;
	v20 =	vmul.f32 v20, v7;
	v29 =	vmul.f32 v18, v5  }
0x76: {  	v41 =	vmul.f32 v18, v2;
	v18 =	vmul.f32 v18, v7;
	v49 =	vsub.f32 v32, v9  }
0x77: {  	v62 =	vld [tilespmem:$0x11C0];
	v44 =	vmul.f32 v36, v6;
	v36 =	vsub.f32 v50, v9;
	v24 =	vadd.f32 v25, v57  }
0x78: {  	v45 =	vld [tilespmem:$0x1250];
	v46 =	vmul.f32 v42, v8;
	v22 =	vadd.f32 v58, v22;
	v23 =	vadd.f32 v27, v61  }
0x79: {  	v52 =	vmul.f32 v42, v3;
	v53 =	vld [tilespmem:$0x1260];
	v19 =	vadd.f32 v20, v19;
	v38 =	vadd.f32 v29, v37  }
0x7a: {  	v42 =	vld [tilespmem:$0x12F0];
	v25 =	vmul.f32 v63, v0;
	v28 =	vadd.f32 v41, v40;
	v17 =	vadd.f32 v60, v24  }
0x7b: {  	v55 =	vmul.f32 v49, v4;
	v23 =	vadd.f32 v34, v23;
	v19 =	vadd.f32 v35, v19  }
0x7c: {  	v58 =	vmul.f32 v49, v1;
	v24 =	vsub.f32 v62, v9;
	v20 =	vadd.f32 v39, v38  }
0x7d: {  	[tilespmem:$0x1700] =	vst v15;
	v15 =	vmul.f32 v49, v0;
	v18 =	vadd.f32 v18, v25;
	v28 =	vadd.f32 v44, v28  }
0x7e: {  	[tilespmem:$0x1780] =	vst v16;
	v40 =	vmul.f32 v36, v4;
	v25 =	vsub.f32 v45, v10;
	v27 =	vsub.f32 v53, v10  }
0x7f: {  	[tilespmem:$0x1800] =	vst v12;
	v34 =	vld [tilespmem:$0x12D0];
	v50 =	vsub.f32 v42, v11;
	v43 =	vmul.f32 v24, v4;
	v47 =	vmul.f32 v24, v1  }
0x80: {  	[tilespmem:$0x1710] =	vst v13;
	v18 =	vadd.f32 v21, v18;
	v24 =	vmul.f32 v24, v0;
	v56 =	vmul.f32 v25, v5  }
0x81: {  	[tilespmem:$0x1810] =	vst v14;
	v59 =	vmul.f32 v25, v2;
	v41 =	vmul.f32 v27, v5;
	v30 =	vadd.f32 v31, v43  }
0x82: {  	v37 =	vld [tilespmem:$0x11F0];
	[tilespmem:$0x1790] =	vst v22;
	v44 =	vmul.f32 v27, v2;
	v29 =	vadd.f32 v33, v47;
	v24 =	vadd.f32 v26, v24  }
0x83: {  	v39 =	vld [tilespmem:$0x1270];
	[tilespmem:$0x1720] =	vst v17;
	v61 =	vadd.f32 v56, v55;
	v63 =	vadd.f32 v59, v58;
	v33 =	vmul.f32 v25, v7  }
0x84: {  	[tilespmem:$0x17A0] =	vst v23;
	v43 =	vmul.f32 v36, v1;
	v54 =	vsub.f32 v34, v11;
	v34 =	vld [tilespmem:$0x12E0];
	v17 =	vadd.f32 v41, v40  }
0x85: {  	[tilespmem:$0x1820] =	vst v19;
	v56 =	vmul.f32 v50, v8;
	v48 =	vadd.f32 v46, v30;
	v57 =	vadd.f32 v51, v29  }
0x86: {  	[tilespmem:$0x1730] =	vst v20;
	v60 =	vadd.f32 v52, v24;
	v15 =	vadd.f32 v33, v15;
	v51 =	vmul.f32 v36, v0  }
0x87: {  	[tilespmem:$0x17B0] =	vst v28;
	v46 =	vsub.f32 v37, v9;
	v52 =	vmul.f32 v27, v7;
	v62 =	vmul.f32 v54, v8  }
0x88: {  	v35 =	vmul.f32 v54, v6;
	v12 =	vmul.f32 v54, v3;
	[tilespmem:$0x1740] =	vst v48;
	v48 =	vsub.f32 v39, v10  }
0x89: {  	[tilespmem:$0x1830] =	vst v18;
	v54 =	vmul.f32 v46, v4;
	v13 =	vadd.f32 v52, v51;
	v45 =	vsub.f32 v34, v11  }
0x8a: {  	[tilespmem:$0x17C0] =	vst v57;
	v57 =	vmul.f32 v46, v1;
	v59 =	vmul.f32 v46, v0;
	v38 =	vadd.f32 v62, v61  }
0x8b: {  	[tilespmem:$0x1840] =	vst v60;
	v14 =	vadd.f32 v35, v63;
	v12 =	vadd.f32 v12, v15;
	v47 =	vmul.f32 v45, v8  }
0x8c: {  	v15 =	vadd.f32 v44, v43;
	v55 =	vmul.f32 v48, v5;
	[tilespmem:$0x1750] =	vst v38;
	v49 =	vmul.f32 v45, v6  }
0x8d: {  	v58 =	vmul.f32 v48, v2;
	[tilespmem:$0x17D0] =	vst v14;
	v53 =	vmul.f32 v45, v3;
	v17 =	vadd.f32 v47, v17  }
0x8e: {  	v60 =	vmul.f32 v48, v7;
	[tilespmem:$0x1850] =	vst v12;
	v4 =	vadd.f32 v55, v54;
	v15 =	vadd.f32 v49, v15  }
0x8f: {  	v62 =	vmul.f32 v50, v6;
	v1 =	vadd.f32 v58, v57;
	v61 =	vadd.f32 v53, v13;
	[tilespmem:$0x1760] =	vst v17  }
0x90: {  	v63 =	vmul.f32 v50, v3;
	v0 =	vadd.f32 v60, v59;
	v4 =	vadd.f32 v56, v4;
	[tilespmem:$0x17E0] =	vst v15  }
0x91: {  	v1 =	vadd.f32 v62, v1;
	[tilespmem:$0x1860] =	vst v61  }
0x92: {  	v0 =	vadd.f32 v63, v0;
	[tilespmem:$0x1770] =	vst v4  }
0x93: {  	[tilespmem:$0x17F0] =	vst v1  }
0x94: {  	[tilespmem:$0x1870] =	vst v0  }
0x95: {  	[hbm4b:s6+s2] =	stream.linear.scatter [tilespmem:s16], [sflag:$0x1], $0x100, $0x38;
	[tilespmem:$0x1880] =	vst v63  }
0x96: {  	_ =	swait.ge [sflag:s13], $0x100  }
0x97: {  	[sflag:s13] =	ssyncset.done $0x0  }
0x98: {  	[sflag:s13] =	ssyncadd.s32 $0xFFFFFF00  }
0x99: {  	[hbm4b:s7+s2] =	stream.linear.scatter [tilespmem:s17], [sflag:$0x1], $0x100, $0x38;
	[tilespmem:$0x1880] =	vst v63  }
0x9a: {  	_ =	swait.ge [sflag:s13], $0x100  }
0x9b: {  	[sflag:s13] =	ssyncset.done $0x0  }
0x9c: {  	[sflag:s13] =	ssyncadd.s32 $0xFFFFFF00  }
0x9d: {  	[hbm4b:s8+s2] =	stream.linear.scatter [tilespmem:s18], [sflag:$0x1], $0x100, $0x38;
	[tilespmem:$0x1880] =	vst v63  }
0x9e: {  	_ =	swait.ge [sflag:s13], $0x100  }
0x9f: {  	[sflag:s13] =	ssyncset.done $0x0  }
0xa0: {  	[sflag:s13] =	ssyncadd.s32 $0xFFFFFF00  }
0xa1: {  	[hbm4b:s9+s2] =	stream.linear.scatter [tilespmem:s19], [sflag:$0x1], $0x80, $0x38;
	[tilespmem:$0x1880] =	vst v63  }
0xa2: {  	_ =	swait.ge [sflag:s13], $0x80  }
0xa3: {  	[sflag:s13] =	ssyncset.done $0x0  }
0xa4: {  	[sflag:s13] =	ssyncadd.s32 $0xFFFFFF80  }
0xa5: {  	[hbm4b:s10+s2] =	stream.linear.scatter [tilespmem:s20], [sflag:$0x1], $0x80, $0x38;
	[tilespmem:$0x1880] =	vst v63  }
0xa6: {  	s22 =	sadd.s32 $0x1, s22;
	_ =	swait.ge [sflag:s13], $0x80  }
0xa7: {  	p0 =	sne.s32 s22, s12;
	[sflag:s13] =	ssyncset.done $0x0  }
.Ltmp1:
0xa8: {  	[sflag:s13] =	ssyncadd.s32 $0xFFFFFF80;
	(pc) =	sbr.rel @p0 .LBB2_1-.Ltmp1, $4  }
0xa9: {  	[hbm4b:s11+s2] =	stream.linear.scatter [tilespmem:s21], [sflag:$0x1], $0x80, $0x38;
	[tilespmem:$0x1880] =	vst v63  }
0xaa: {  	_ =	swait.ge [sflag:s13], $0x80  }
0xab: {  	[sflag:s13] =	ssyncset.done $0x0  }
0xac: {  	[sflag:s13] =	ssyncadd.s32 $0xFFFFFF80  }
0xad: {  	_ =	sfence.sel $0x180000  }
0xae: {  	[bflag:$0x0] =	sbarrier.arrive $0xFFFF  }
0xaf: {  	_ =	strace $0x90000047  }
0xb0: {  	s0 =	stileid.u32;
	[bflag:$0x2] =	sbarrier.arrive $0xFFFF  }
0xb1: {  	p0 =	sne.s32 s0, $0x0;
	s0 =	rddreg [dreg:$0x3]  }
0xb2: {  	s0 =	sadd.s32 @!p0 $0x100000, s0  }
0xb3: {  	[sflag:s0] =	ssyncadd.tile.s32 @!p0 $0x1;
	_ =	shalt  }
.Lfunc_end2:
_tile_overlayer_lowered:
.L_overlay_start_2:
0xb4: {  	(tag) =	ssettag $0x2  }
0xb5: {  	s0 =	rddreg [dreg:$0x0];
	s2 =	stileid.u32  }
0xb6: {  	s1 =	rddreg [dreg:$0x1];
	p0 =	sne.s32 s2, $0x0  }
0xb7: {  	s3 =	rddreg [dreg:$0x2];
	[bflag:$0x3] =	sbarrier.arrive $0xFFFF;
	s2 =	simm.s32 @!p0 $0x1C01  }
0xb8: {  	[timem:s3], [sflag:s2] =	dma.local @!p0 [hbm:s0], s1  }
0xb9: {  	s0 =	simm.s32 @!p0 $0x1  }
0xba: {  	_ =	swait.ge @!p0 [sflag:s0], s1  }
0xbb: {  	s1 =	ssub.s32 @!p0 $0x0, s1;
	[sflag:s0] =	ssyncset.done @!p0 $0x0  }
0xbc: {  	[sflag:s0] =	ssyncadd.s32 @!p0 s1  }
0xbd: {  	[bflag:$0x3] =	sbarrier.arrive $0xFFFF  }
0xbe: {  	_ =	shalt  }

</sc_bundles>
